<compile_context>
chip_gen: v7x
topology: tpu7x:2x2x1
jax: 0.10.2.dev20260603
libtpu: 0.0.44.dev20260713+nightly
codegen_flags: <defaults>
</compile_context>

<pallas_src>
import functools

import jax
import jax.numpy as jnp
from jax import lax
from jax.experimental import pallas as pl
from jax.experimental.pallas import tpu as pltpu
from jax.experimental.pallas import tpu_sc as plsc

N = 10000
E = 320000
H = 128

NC = 2
NS = 16
NW = NC * NS
CHUNK = 128
CH = (E + NW * CHUNK - 1) // (NW * CHUNK)
EPT = CH * CHUNK
EPAD = NW * EPT
RACC = 10112
TRASH = N
RPT = RACC // NS

_mesh = plsc.VectorSubcoreMesh(core_axis_name="c", subcore_axis_name="s")



def _agg_body(v_hbm, gidx_hbm, sidx_hbm, zero_hbm, out_hbm,
              gidx_v, sidx_v, gbuf, acc, sem):
    c = lax.axis_index("c")
    s = lax.axis_index("s")
    wid = c * NS + s
    base = s * RPT
    pltpu.sync_copy(zero_hbm.at[pl.ds(base, RPT)], acc.at[pl.ds(base, RPT)])
    pltpu.sync_copy(gidx_hbm.at[wid], gidx_v)
    pltpu.sync_copy(sidx_hbm.at[wid], sidx_v)
    plsc.subcore_barrier()

    def body(j, carry):
        pltpu.async_copy(v_hbm.at[gidx_v.at[j]], gbuf, sem).wait()
        pltpu.sync_copy(gbuf, acc.at[sidx_v.at[j]], add=True)
        return carry

    lax.fori_loop(0, CH, body, 0)
    plsc.subcore_barrier()
    pltpu.sync_copy(acc.at[pl.ds(base, RPT)], out_hbm.at[c, pl.ds(base, RPT)])


_agg = pl.kernel(
    _agg_body,
    out_type=jax.ShapeDtypeStruct((NC, RACC, H), jnp.float32),
    mesh=_mesh,
    scratch_types=[
        pltpu.VMEM((CH, CHUNK), jnp.int32),
        pltpu.VMEM((CH, CHUNK), jnp.int32),
        pltpu.VMEM((CHUNK, H), jnp.float32),
        pltpu.VMEM_SHARED((RACC, H), jnp.float32),
        pltpu.SemaphoreType.DMA,
    ],
)


def _hist_body(s1_hbm, s2_hbm, outb_hbm, outd_hbm, i1_v, i2_v, hb, hd):
    c = lax.axis_index("c")
    s = lax.axis_index("s")
    wid = c * NS + s
    pltpu.sync_copy(s1_hbm.at[wid], i1_v)
    pltpu.sync_copy(s2_hbm.at[wid], i2_v)

    zeros = jnp.zeros((16,), jnp.float32)

    def zbody(i, carry):
        hb[pl.ds(i * 16, 16)] = zeros
        hd[pl.ds(i * 16, 16)] = zeros
        return carry

    lax.fori_loop(0, RACC // 16, zbody, 0)

    ones = jnp.ones((16,), jnp.float32)

    def ebody(i, carry):
        plsc.addupdate_scatter(hb, [i1_v[pl.ds(i * 16, 16)]], ones)
        plsc.addupdate_scatter(hd, [i2_v[pl.ds(i * 16, 16)]], ones)
        return carry

    lax.fori_loop(0, EPT // 16, ebody, 0)
    pltpu.sync_copy(hb, outb_hbm.at[wid])
    pltpu.sync_copy(hd, outd_hbm.at[wid])


_hist = pl.kernel(
    _hist_body,
    out_type=[
        jax.ShapeDtypeStruct((NW, RACC), jnp.float32),
        jax.ShapeDtypeStruct((NW, RACC), jnp.float32),
    ],
    mesh=_mesh,
    scratch_types=[
        pltpu.VMEM((EPT,), jnp.int32),
        pltpu.VMEM((EPT,), jnp.int32),
        pltpu.VMEM((RACC,), jnp.float32),
        pltpu.VMEM((RACC,), jnp.float32),
    ],
    compiler_params=pltpu.CompilerParams(needs_layout_passes=False),
)



BR = 1000
GR = N // BR


def _full(shape):
    nd = len(shape)
    return pl.BlockSpec(shape, lambda i, _nd=nd: (0,) * _nd)


def _prep_body(x_ref, wp_ref, bp_ref, w0_ref, h0_ref, hw_ref):
    h = jnp.dot(x_ref[...], wp_ref[...], preferred_element_type=jnp.float32, precision=lax.Precision.HIGHEST)
    h = jnp.maximum(h + bp_ref[...], 0.0)
    h0_ref[...] = h
    hw_ref[...] = jnp.dot(h, w0_ref[...], preferred_element_type=jnp.float32, precision=lax.Precision.HIGHEST)


_prep = pl.pallas_call(
    _prep_body,
    grid=(GR,),
    in_specs=[
        pl.BlockSpec((BR, H), lambda i: (i, 0)),
        _full((H, H)),
        _full((1, H)),
        _full((H, H)),
    ],
    out_specs=[pl.BlockSpec((BR, H), lambda i: (i, 0))] * 2,
    out_shape=[jax.ShapeDtypeStruct((N, H), jnp.float32)] * 2,
)


def _deg_body(hd_ref, hb_ref, dinv_ref, binv_ref):
    dn = jnp.sum(hd_ref[...], axis=0)
    dinv_ref[...] = jnp.where(dn > 0, 1.0 / dn, 0.0)
    bn = jnp.sum(hb_ref[...], axis=0)
    binv_ref[...] = jnp.where(bn > 0, 1.0 / bn, 0.0)


_deg = pl.pallas_call(
    _deg_body,
    out_shape=[jax.ShapeDtypeStruct((RACC,), jnp.float32)] * 2,
)


def _scale_body(p_ref, binv_ref, m_ref):
    m_ref[...] = (p_ref[0] + p_ref[1]) * binv_ref[...]


_scale = pl.pallas_call(
    _scale_body,
    grid=(GR,),
    in_specs=[
        pl.BlockSpec((NC, BR, H), lambda i: (0, i, 0)),
        pl.BlockSpec((BR, 1), lambda i: (i, 0)),
    ],
    out_specs=pl.BlockSpec((BR, H), lambda i: (i, 0)),
    out_shape=jax.ShapeDtypeStruct((N, H), jnp.float32),
)


def _norm_relu(p_ref, dinv_ref, b_ref, g_ref, be_ref):
    t = (p_ref[0] + p_ref[1]) * dinv_ref[...] + b_ref[...]
    mu = jnp.mean(t, axis=1, keepdims=True)
    d = t - mu
    var = jnp.mean(d * d, axis=1, keepdims=True)
    t = d * lax.rsqrt(var + 1e-5) * g_ref[...] + be_ref[...]
    return jnp.maximum(t, 0.0)


def _layer_body(p_ref, dinv_ref, b_ref, g_ref, be_ref, hres_ref, w_ref,
                h_ref, hw_ref, *, has_res):
    t = _norm_relu(p_ref, dinv_ref, b_ref, g_ref, be_ref)
    if has_res:
        t = t + hres_ref[...]
    h_ref[...] = t
    hw_ref[...] = jnp.dot(t, w_ref[...], preferred_element_type=jnp.float32, precision=lax.Precision.HIGHEST)


def _make_layer(has_res):
    return pl.pallas_call(
        functools.partial(_layer_body, has_res=has_res),
        grid=(GR,),
        in_specs=[
            pl.BlockSpec((NC, BR, H), lambda i: (0, i, 0)),
            pl.BlockSpec((BR, 1), lambda i: (i, 0)),
            _full((1, H)),
            _full((1, H)),
            _full((1, H)),
            pl.BlockSpec((BR, H), lambda i: (i, 0)),
            _full((H, H)),
        ],
        out_specs=[pl.BlockSpec((BR, H), lambda i: (i, 0))] * 2,
        out_shape=[jax.ShapeDtypeStruct((N, H), jnp.float32)] * 2,
    )


_layer0 = _make_layer(False)
_layer1 = _make_layer(True)


def _last_body(p_ref, dinv_ref, b_ref, g_ref, be_ref, hres_ref, h0_ref,
               wp0_ref, bp0_ref, wp1_ref, bp1_ref, wc0_ref, bc0_ref,
               wc1_ref, bc1_ref, out_ref):
    t = _norm_relu(p_ref, dinv_ref, b_ref, g_ref, be_ref)
    t = t + hres_ref[...] + h0_ref[...]
    wps = wp0_ref[0:H, :] + wp0_ref[H:2 * H, :]
    q = jnp.dot(t, wps, preferred_element_type=jnp.float32, precision=lax.Precision.HIGHEST) + bp0_ref[...]
    q = jnp.dot(q, wp1_ref[...], preferred_element_type=jnp.float32, precision=lax.Precision.HIGHEST) + bp1_ref[...]
    q = jnp.dot(q, wc0_ref[...], preferred_element_type=jnp.float32, precision=lax.Precision.HIGHEST) + bc0_ref[...]
    q = jnp.maximum(q, 0.0)
    out_ref[...] = jnp.dot(q, wc1_ref[...], preferred_element_type=jnp.float32, precision=lax.Precision.HIGHEST) + bc1_ref[...]


_last = pl.pallas_call(
    _last_body,
    grid=(GR,),
    in_specs=[
        pl.BlockSpec((NC, BR, H), lambda i: (0, i, 0)),
        pl.BlockSpec((BR, 1), lambda i: (i, 0)),
        _full((1, H)),
        _full((1, H)),
        _full((1, H)),
        pl.BlockSpec((BR, H), lambda i: (i, 0)),
        pl.BlockSpec((BR, H), lambda i: (i, 0)),
        _full((2 * H, H)),
        _full((1, H)),
        _full((H, H // 2)),
        _full((1, H // 2)),
        _full((H // 2, H // 4)),
        _full((1, H // 4)),
        _full((H // 4, 2)),
        _full((1, 2)),
    ],
    out_specs=pl.BlockSpec((BR, 2), lambda i: (i, 0)),
    out_shape=jax.ShapeDtypeStruct((N, 2), jnp.float32),
)



def kernel(x, edge_index, Wp, bp, W0, b0, g0, be0, W1, b1, g1, be1,
           W2, b2, g2, be2, Wpool0, bpool0, Wpool1, bpool1,
           Wc0, bc0, Wc1, bc1):
    ei0 = edge_index[0]
    ei1 = edge_index[1]
    pad_g = jnp.zeros((EPAD - E,), jnp.int32)
    pad_s = jnp.full((EPAD - E,), TRASH, jnp.int32)
    g1i = jnp.concatenate([ei0, pad_g]).reshape(NW, CH, CHUNK)
    s1i = jnp.concatenate([ei1, pad_s]).reshape(NW, CH, CHUNK)
    g2i = jnp.concatenate([ei1, pad_g]).reshape(NW, CH, CHUNK)
    s2i = jnp.concatenate([ei0, pad_s]).reshape(NW, CH, CHUNK)
    s1f = s1i.reshape(NW, EPT)
    s2f = s2i.reshape(NW, EPT)
    zeros_acc = jnp.zeros((RACC, H), jnp.float32)

    histB, histD = _hist(s1f, s2f)
    dinv1, binv1 = _deg(histD, histB)
    dinv = dinv1.reshape(RACC, 1)
    binv = binv1.reshape(RACC, 1)

    bp2 = bp.reshape(1, H)
    h, hw = _prep(x, Wp, bp2, W0)
    h0 = h

    Ws = [W0, W1, W2]
    bs = [b0.reshape(1, H), b1.reshape(1, H), b2.reshape(1, H)]
    gs = [g0.reshape(1, H), g1.reshape(1, H), g2.reshape(1, H)]
    bes = [be0.reshape(1, H), be1.reshape(1, H), be2.reshape(1, H)]

    for i in range(3):
        mp = _agg(hw, g1i, s1i, zeros_acc)
        m = _scale(mp, binv)
        op = _agg(m, g2i, s2i, zeros_acc)
        if i == 0:
            h, hw = _layer0(op, dinv, bs[i], gs[i], bes[i], h, Ws[i + 1])
        elif i == 1:
            h, hw = _layer1(op, dinv, bs[i], gs[i], bes[i], h, Ws[i + 1])
        else:
            out = _last(op, dinv, bs[i], gs[i], bes[i], h, h0,
                        Wpool0, bpool0.reshape(1, H),
                        Wpool1, bpool1.reshape(1, H // 2),
                        Wc0, bc0.reshape(1, H // 4),
                        Wc1, bc1.reshape(1, 2))
    return out

# --- scband reference (transcript-rebuilt; emitter-appended) ---
"""Pipeline reference for scband-hgcn-45260365365980 (READ-ONLY COPY).

The authoritative reference and input builder live on the scoring server;
editing this copy changes nothing except your own understanding.
"""

import jax, jax.numpy as jnp
import numpy as np

N = 10000
E_NNZ = 320000
D_IN = 128
H = 128
NUM_CLASSES = 2

def setup_inputs(seed: int = 0):
    key = jax.random.key(seed)
    ks = jax.random.split(key, 16)
    s = 0.05
    inp = {}
    inp['x'] = jax.random.normal(ks[0], (N, D_IN), dtype=jnp.float32)
    inp['edge_index'] = jax.random.randint(ks[1], (2, E_NNZ), 0, N, dtype=jnp.int32)
    inp['Wp'] = jax.random.normal(ks[2], (D_IN, H), dtype=jnp.float32) * s
    inp['bp'] = jnp.zeros((H,), dtype=jnp.float32)
    for i in range(3):
        inp['W%d' % i] = jax.random.normal(ks[3 + i], (H, H), dtype=jnp.float32) * s
        inp['b%d' % i] = jnp.zeros((H,), dtype=jnp.float32)
        inp['g%d' % i] = jnp.ones((H,), dtype=jnp.float32)
        inp['be%d' % i] = jnp.zeros((H,), dtype=jnp.float32)
    inp['Wpool0'] = jax.random.normal(ks[6], (2 * H, H), dtype=jnp.float32) * s
    inp['bpool0'] = jnp.zeros((H,), dtype=jnp.float32)
    inp['Wpool1'] = jax.random.normal(ks[7], (H, H // 2), dtype=jnp.float32) * s
    inp['bpool1'] = jnp.zeros((H // 2,), dtype=jnp.float32)
    inp['Wc0'] = jax.random.normal(ks[8], (H // 2, H // 4), dtype=jnp.float32) * s
    inp['bc0'] = jnp.zeros((H // 4,), dtype=jnp.float32)
    inp['Wc1'] = jax.random.normal(ks[9], (H // 4, NUM_CLASSES), dtype=jnp.float32) * s
    inp['bc1'] = jnp.zeros((NUM_CLASSES,), dtype=jnp.float32)
    return inp

def _layernorm(h, g, b):
    m = jnp.mean(h, axis=-1, keepdims=True)
    v = jnp.var(h, axis=-1, keepdims=True)
    return (h - m) / jnp.sqrt(v + 1e-5) * g + b

def _hconv(h, ei, W, b, num_nodes, num_edges):
    # PyG HypergraphConv (heads=1, no attention): D^-1 H B^-1 H^T X Theta + bias
    h = h @ W
    hw = jnp.ones((num_edges,), dtype=h.dtype)
    Dn = jnp.zeros((num_nodes,), dtype=h.dtype).at[ei[0]].add(hw[ei[1]])
    Dinv = jnp.where(Dn > 0, 1.0 / Dn, 0.0)
    Bn = jnp.zeros((num_edges,), dtype=h.dtype).at[ei[1]].add(jnp.ones((ei.shape[1],), dtype=h.dtype))
    Binv = jnp.where(Bn > 0, 1.0 / Bn, 0.0)
    # node -> hyperedge propagate (message scaled by norm at target hyperedge)
    m = jnp.zeros((num_edges, h.shape[1]), dtype=h.dtype).at[ei[1]].add(Binv[ei[1]][:, None] * h[ei[0]])
    # hyperedge -> node propagate (message scaled by norm at target node)
    out = jnp.zeros((num_nodes, h.shape[1]), dtype=h.dtype).at[ei[0]].add(Dinv[ei[0]][:, None] * m[ei[1]])
    return out + b

def reference(x, edge_index, Wp, bp, W0, b0, g0, be0, W1, b1, g1, be1, W2, b2, g2, be2, Wpool0, bpool0, Wpool1, bpool1, Wc0, bc0, Wc1, bc1):
    num_nodes = x.shape[0]
    num_edges = num_nodes
    Ws = [W0, W1, W2]; bs = [b0, b1, b2]; gs = [g0, g1, g2]; bes = [be0, be1, be2]
    h = jax.nn.relu(x @ Wp + bp)  # input_proj + relu (dropout is identity in eval)
    h0 = h
    for i in range(3):
        hres = h
        h = _hconv(h, edge_index, Ws[i], bs[i], num_nodes, num_edges)
        h = _layernorm(h, gs[i], bes[i])
        h = jax.nn.relu(h)
        if i > 0:
            h = h + hres
    h = h + h0
    # batch is None branch: pool_layers[1](pool_layers[0](cat([x, x], dim=1))) with NO relu between
    h = jnp.concatenate([h, h], axis=1) @ Wpool0 + bpool0
    h = h @ Wpool1 + bpool1
    # classifier: Linear -> ReLU -> (dropout identity) -> Linear
    h = jax.nn.relu(h @ Wc0 + bc0)
    return h @ Wc1 + bc1

if __name__ == "__main__":
    import jax
    _d = setup_inputs()
    print(jax.jit(kernel)(*tuple(_d.values())))

</pallas_src>

<mosaic_0001>
#map = affine_map<(d0, d1) -> (0, 0)>
#map1 = affine_map<(d0, d1) -> (0, 0, 0)>
module attributes {stable_mosaic.version = 14 : i64} {
  func.func @_agg_body(%arg0: i32, %arg1: i32, %arg2: memref<10000x128xf32, #tpu.memory_space<hbm>>, %arg3: memref<32x79x128xi32, #tpu.memory_space<hbm>>, %arg4: memref<32x79x128xi32, #tpu.memory_space<hbm>>, %arg5: memref<10112x128xf32, #tpu.memory_space<hbm>>, %arg6: memref<2x10112x128xf32, #tpu.memory_space<hbm>>, %arg7: memref<79x128xi32, #tpu.memory_space<vmem>>, %arg8: memref<79x128xi32, #tpu.memory_space<vmem>>, %arg9: memref<128x128xf32, #tpu.memory_space<vmem>>, %arg10: memref<10112x128xf32, #tpu.memory_space<vmem_shared>>, %arg11: memref<!tpu.dma_semaphore, #tpu.memory_space<semaphore_mem>>) attributes {dimension_semantics = [#tpu.dimension_semantics<core_parallel>, #tpu.dimension_semantics<subcore_parallel>], iteration_bounds = array<i64: 2, 16>, scalar_prefetch = 0 : i64, scratch_operands = 5 : i64, tpu.core_type = #tpu.core_type<sc_vector_subcore>, window_params = [{transform_indices = #map}, {transform_indices = #map1}, {transform_indices = #map1}, {transform_indices = #map}, {transform_indices = #map1}]} {
    %mul3A = arith.constant 16 : i32
    %mul3A_0 = arith.muli %arg0, %mul3A : i32
    %add3A = arith.addi %mul3A_0, %arg1 : i32
    %mul3A_1 = arith.constant 632 : i32
    %mul3A_2 = arith.muli %arg1, %mul3A_1 : i32
    "tpu.region"() ({
      %run_scoped3A = tpu.sem_alloc : memref<!tpu.dma_semaphore, #tpu.memory_space<semaphore_mem>>
      %dma_start3A = arith.constant 0 : i32
      %dma_start3A_9 = tpu.memref_slice %arg10[%mul3A_2, %dma_start3A] : memref<10112x128xf32, #tpu.memory_space<vmem_shared>> -> memref<632x128xf32, #tpu.memory_space<vmem_shared>>
      %dma_start3A_10 = arith.constant 0 : i32
      %dma_start3A_11 = tpu.memref_slice %arg5[%mul3A_2, %dma_start3A_10] : memref<10112x128xf32, #tpu.memory_space<hbm>> -> memref<632x128xf32, #tpu.memory_space<hbm>>
      tpu.enqueue_dma source(%dma_start3A_11 : memref<632x128xf32, #tpu.memory_space<hbm>>) target(%dma_start3A_9 : memref<632x128xf32, #tpu.memory_space<vmem_shared>>) target_semaphore(%run_scoped3A : memref<!tpu.dma_semaphore, #tpu.memory_space<semaphore_mem>>)
      %dma_wait3A = arith.constant 0 : i32
      %dma_wait3A_12 = tpu.memref_slice %arg10[%mul3A_2, %dma_wait3A] : memref<10112x128xf32, #tpu.memory_space<vmem_shared>> -> memref<632x128xf32, #tpu.memory_space<vmem_shared>>
      %dma_wait3A_13 = arith.constant 0 : i32
      %dma_wait3A_14 = tpu.memref_slice %arg5[%mul3A_2, %dma_wait3A_13] : memref<10112x128xf32, #tpu.memory_space<hbm>> -> memref<632x128xf32, #tpu.memory_space<hbm>>
      tpu.wait_dma2 semaphore(%run_scoped3A : memref<!tpu.dma_semaphore, #tpu.memory_space<semaphore_mem>>) src(%dma_wait3A_14 : memref<632x128xf32, #tpu.memory_space<hbm>>) dst(%dma_wait3A_12 : memref<632x128xf32, #tpu.memory_space<vmem_shared>>)
      tpu.yield
    }) : () -> ()
    "tpu.region"() ({
      %run_scoped3A = tpu.sem_alloc : memref<!tpu.dma_semaphore, #tpu.memory_space<semaphore_mem>>
      %dma_start3A = arith.constant 0 : i32
      %dma_start3A_9 = arith.constant 0 : i32
      %dma_start3A_10 = tpu.memref_slice %arg3[%add3A, %dma_start3A, %dma_start3A_9] : memref<32x79x128xi32, #tpu.memory_space<hbm>> -> memref<1x79x128xi32, #tpu.memory_space<hbm>>
      %dma_start3A_11 = tpu.memref_squeeze %dma_start3A_10 : memref<1x79x128xi32, #tpu.memory_space<hbm>> -> memref<79x128xi32, #tpu.memory_space<hbm>>
      %dma_start3A_12 = arith.constant 0 : i32
      %dma_start3A_13 = arith.constant 0 : i32
      %dma_start3A_14 = tpu.memref_slice %arg3[%add3A, %dma_start3A_12, %dma_start3A_13] : memref<32x79x128xi32, #tpu.memory_space<hbm>> -> memref<1x79x128xi32, #tpu.memory_space<hbm>>
      %dma_start3A_15 = tpu.memref_squeeze %dma_start3A_14 : memref<1x79x128xi32, #tpu.memory_space<hbm>> -> memref<79x128xi32, #tpu.memory_space<hbm>>
      tpu.enqueue_dma source(%dma_start3A_15 : memref<79x128xi32, #tpu.memory_space<hbm>>) target(%arg7 : memref<79x128xi32, #tpu.memory_space<vmem>>) target_semaphore(%run_scoped3A : memref<!tpu.dma_semaphore, #tpu.memory_space<semaphore_mem>>)
      %dma_wait3A = arith.constant 0 : i32
      %dma_wait3A_16 = arith.constant 0 : i32
      %dma_wait3A_17 = tpu.memref_slice %arg3[%add3A, %dma_wait3A, %dma_wait3A_16] : memref<32x79x128xi32, #tpu.memory_space<hbm>> -> memref<1x79x128xi32, #tpu.memory_space<hbm>>
      %dma_wait3A_18 = tpu.memref_squeeze %dma_wait3A_17 : memref<1x79x128xi32, #tpu.memory_space<hbm>> -> memref<79x128xi32, #tpu.memory_space<hbm>>
      %dma_wait3A_19 = arith.constant 0 : i32
      %dma_wait3A_20 = arith.constant 0 : i32
      %dma_wait3A_21 = tpu.memref_slice %arg3[%add3A, %dma_wait3A_19, %dma_wait3A_20] : memref<32x79x128xi32, #tpu.memory_space<hbm>> -> memref<1x79x128xi32, #tpu.memory_space<hbm>>
      %dma_wait3A_22 = tpu.memref_squeeze %dma_wait3A_21 : memref<1x79x128xi32, #tpu.memory_space<hbm>> -> memref<79x128xi32, #tpu.memory_space<hbm>>
      tpu.wait_dma2 semaphore(%run_scoped3A : memref<!tpu.dma_semaphore, #tpu.memory_space<semaphore_mem>>) src(%dma_wait3A_22 : memref<79x128xi32, #tpu.memory_space<hbm>>) dst(%arg7 : memref<79x128xi32, #tpu.memory_space<vmem>>)
      tpu.yield
    }) : () -> ()
    "tpu.region"() ({
      %run_scoped3A = tpu.sem_alloc : memref<!tpu.dma_semaphore, #tpu.memory_space<semaphore_mem>>
      %dma_start3A = arith.constant 0 : i32
      %dma_start3A_9 = arith.constant 0 : i32
      %dma_start3A_10 = tpu.memref_slice %arg4[%add3A, %dma_start3A, %dma_start3A_9] : memref<32x79x128xi32, #tpu.memory_space<hbm>> -> memref<1x79x128xi32, #tpu.memory_space<hbm>>
      %dma_start3A_11 = tpu.memref_squeeze %dma_start3A_10 : memref<1x79x128xi32, #tpu.memory_space<hbm>> -> memref<79x128xi32, #tpu.memory_space<hbm>>
      %dma_start3A_12 = arith.constant 0 : i32
      %dma_start3A_13 = arith.constant 0 : i32
      %dma_start3A_14 = tpu.memref_slice %arg4[%add3A, %dma_start3A_12, %dma_start3A_13] : memref<32x79x128xi32, #tpu.memory_space<hbm>> -> memref<1x79x128xi32, #tpu.memory_space<hbm>>
      %dma_start3A_15 = tpu.memref_squeeze %dma_start3A_14 : memref<1x79x128xi32, #tpu.memory_space<hbm>> -> memref<79x128xi32, #tpu.memory_space<hbm>>
      tpu.enqueue_dma source(%dma_start3A_15 : memref<79x128xi32, #tpu.memory_space<hbm>>) target(%arg8 : memref<79x128xi32, #tpu.memory_space<vmem>>) target_semaphore(%run_scoped3A : memref<!tpu.dma_semaphore, #tpu.memory_space<semaphore_mem>>)
      %dma_wait3A = arith.constant 0 : i32
      %dma_wait3A_16 = arith.constant 0 : i32
      %dma_wait3A_17 = tpu.memref_slice %arg4[%add3A, %dma_wait3A, %dma_wait3A_16] : memref<32x79x128xi32, #tpu.memory_space<hbm>> -> memref<1x79x128xi32, #tpu.memory_space<hbm>>
      %dma_wait3A_18 = tpu.memref_squeeze %dma_wait3A_17 : memref<1x79x128xi32, #tpu.memory_space<hbm>> -> memref<79x128xi32, #tpu.memory_space<hbm>>
      %dma_wait3A_19 = arith.constant 0 : i32
      %dma_wait3A_20 = arith.constant 0 : i32
      %dma_wait3A_21 = tpu.memref_slice %arg4[%add3A, %dma_wait3A_19, %dma_wait3A_20] : memref<32x79x128xi32, #tpu.memory_space<hbm>> -> memref<1x79x128xi32, #tpu.memory_space<hbm>>
      %dma_wait3A_22 = tpu.memref_squeeze %dma_wait3A_21 : memref<1x79x128xi32, #tpu.memory_space<hbm>> -> memref<79x128xi32, #tpu.memory_space<hbm>>
      tpu.wait_dma2 semaphore(%run_scoped3A : memref<!tpu.dma_semaphore, #tpu.memory_space<semaphore_mem>>) src(%dma_wait3A_22 : memref<79x128xi32, #tpu.memory_space<hbm>>) dst(%arg8 : memref<79x128xi32, #tpu.memory_space<vmem>>)
      tpu.yield
    }) : () -> ()
    %barrier3A = arith.constant 0 : index
    tpu.barrier barrier_id(%barrier3A)
    %scan3A = arith.constant 0 : i32
    %scan3A_3 = arith.constant 0 : i32
    %scan3A_4 = arith.constant 79 : i32
    %scan3A_5 = arith.addi %scan3A_3, %scan3A_4 : i32
    %scan3A_6 = arith.constant 1 : i32
    scf.for %scan3A_9 = %scan3A_3 to %scan3A_5 step %scan3A_6  : i32 {
      %dma_start3A = arith.constant 0 : i32
      %dma_start3A_10 = tpu.memref_slice %arg7[%scan3A_9, %dma_start3A] : memref<79x128xi32, #tpu.memory_space<vmem>> -> memref<1x128xi32, #tpu.memory_space<vmem>>
      %dma_start3A_11 = tpu.memref_squeeze %dma_start3A_10 : memref<1x128xi32, #tpu.memory_space<vmem>> -> memref<128xi32, #tpu.memory_space<vmem>>
      %dma_start3A_12 = arith.constant 0 : i32
      %dma_start3A_13 = arith.constant 0 : i32
      %dma_start3A_14 = tpu.memref_slice %arg2[%dma_start3A_12, %dma_start3A_13] : memref<10000x128xf32, #tpu.memory_space<hbm>> -> memref<10000x128xf32, #tpu.memory_space<hbm>>
      tpu.enqueue_indirect_dma source(%dma_start3A_14 : memref<10000x128xf32, #tpu.memory_space<hbm>>) target(%arg9 : memref<128x128xf32, #tpu.memory_space<vmem>>) offsets(%dma_start3A_11 : memref<128xi32, #tpu.memory_space<vmem>>) semaphore(%arg11 : memref<!tpu.dma_semaphore, #tpu.memory_space<semaphore_mem>>)
      %dma_wait3A = arith.constant 0 : i32
      %dma_wait3A_15 = tpu.memref_slice %arg7[%scan3A_9, %dma_wait3A] : memref<79x128xi32, #tpu.memory_space<vmem>> -> memref<1x128xi32, #tpu.memory_space<vmem>>
      %dma_wait3A_16 = tpu.memref_squeeze %dma_wait3A_15 : memref<1x128xi32, #tpu.memory_space<vmem>> -> memref<128xi32, #tpu.memory_space<vmem>>
      %dma_wait3A_17 = arith.constant 0 : i32
      %dma_wait3A_18 = arith.constant 0 : i32
      %dma_wait3A_19 = tpu.memref_slice %arg2[%dma_wait3A_17, %dma_wait3A_18] : memref<10000x128xf32, #tpu.memory_space<hbm>> -> memref<10000x128xf32, #tpu.memory_space<hbm>>
      tpu.wait_indirect_dma semaphore(%arg11 : memref<!tpu.dma_semaphore, #tpu.memory_space<semaphore_mem>>) src(%dma_wait3A_19 : memref<10000x128xf32, #tpu.memory_space<hbm>>) dst(%arg9 : memref<128x128xf32, #tpu.memory_space<vmem>>)
      "tpu.region"() ({
        %run_scoped3A = tpu.sem_alloc : memref<!tpu.dma_semaphore, #tpu.memory_space<semaphore_mem>>
        %dma_start3A_20 = arith.constant 0 : i32
        %dma_start3A_21 = tpu.memref_slice %arg8[%scan3A_9, %dma_start3A_20] : memref<79x128xi32, #tpu.memory_space<vmem>> -> memref<1x128xi32, #tpu.memory_space<vmem>>
        %dma_start3A_22 = tpu.memref_squeeze %dma_start3A_21 : memref<1x128xi32, #tpu.memory_space<vmem>> -> memref<128xi32, #tpu.memory_space<vmem>>
        %dma_start3A_23 = arith.constant 0 : i32
        %dma_start3A_24 = arith.constant 0 : i32
        %dma_start3A_25 = tpu.memref_slice %arg10[%dma_start3A_23, %dma_start3A_24] : memref<10112x128xf32, #tpu.memory_space<vmem_shared>> -> memref<10112x128xf32, #tpu.memory_space<vmem_shared>>
        tpu.enqueue_indirect_dma source(%arg9 : memref<128x128xf32, #tpu.memory_space<vmem>>) target(%dma_start3A_25 : memref<10112x128xf32, #tpu.memory_space<vmem_shared>>) offsets(%dma_start3A_22 : memref<128xi32, #tpu.memory_space<vmem>>) semaphore(%run_scoped3A : memref<!tpu.dma_semaphore, #tpu.memory_space<semaphore_mem>>) {add = true}
        %dma_wait3A_26 = arith.constant 0 : i32
        %dma_wait3A_27 = tpu.memref_slice %arg8[%scan3A_9, %dma_wait3A_26] : memref<79x128xi32, #tpu.memory_space<vmem>> -> memref<1x128xi32, #tpu.memory_space<vmem>>
        %dma_wait3A_28 = tpu.memref_squeeze %dma_wait3A_27 : memref<1x128xi32, #tpu.memory_space<vmem>> -> memref<128xi32, #tpu.memory_space<vmem>>
        %dma_wait3A_29 = arith.constant 0 : i32
        %dma_wait3A_30 = arith.constant 0 : i32
        %dma_wait3A_31 = tpu.memref_slice %arg10[%dma_wait3A_29, %dma_wait3A_30] : memref<10112x128xf32, #tpu.memory_space<vmem_shared>> -> memref<10112x128xf32, #tpu.memory_space<vmem_shared>>
        tpu.wait_indirect_dma semaphore(%run_scoped3A : memref<!tpu.dma_semaphore, #tpu.memory_space<semaphore_mem>>) src(%arg9 : memref<128x128xf32, #tpu.memory_space<vmem>>) dst(%dma_wait3A_31 : memref<10112x128xf32, #tpu.memory_space<vmem_shared>>)
        tpu.yield
      }) : () -> ()
    }
    %scan3A_7 = arith.constant 79 : i32
    %barrier3A_8 = arith.constant 0 : index
    tpu.barrier barrier_id(%barrier3A_8)
    "tpu.region"() ({
      %run_scoped3A = tpu.sem_alloc : memref<!tpu.dma_semaphore, #tpu.memory_space<semaphore_mem>>
      %dma_start3A = arith.constant 0 : i32
      %dma_start3A_9 = tpu.memref_slice %arg6[%arg0, %mul3A_2, %dma_start3A] : memref<2x10112x128xf32, #tpu.memory_space<hbm>> -> memref<1x632x128xf32, #tpu.memory_space<hbm>>
      %dma_start3A_10 = tpu.memref_squeeze %dma_start3A_9 : memref<1x632x128xf32, #tpu.memory_space<hbm>> -> memref<632x128xf32, #tpu.memory_space<hbm>>
      %dma_start3A_11 = arith.constant 0 : i32
      %dma_start3A_12 = tpu.memref_slice %arg10[%mul3A_2, %dma_start3A_11] : memref<10112x128xf32, #tpu.memory_space<vmem_shared>> -> memref<632x128xf32, #tpu.memory_space<vmem_shared>>
      tpu.enqueue_dma source(%dma_start3A_12 : memref<632x128xf32, #tpu.memory_space<vmem_shared>>) target(%dma_start3A_10 : memref<632x128xf32, #tpu.memory_space<hbm>>) target_semaphore(%run_scoped3A : memref<!tpu.dma_semaphore, #tpu.memory_space<semaphore_mem>>)
      %dma_wait3A = arith.constant 0 : i32
      %dma_wait3A_13 = tpu.memref_slice %arg6[%arg0, %mul3A_2, %dma_wait3A] : memref<2x10112x128xf32, #tpu.memory_space<hbm>> -> memref<1x632x128xf32, #tpu.memory_space<hbm>>
      %dma_wait3A_14 = tpu.memref_squeeze %dma_wait3A_13 : memref<1x632x128xf32, #tpu.memory_space<hbm>> -> memref<632x128xf32, #tpu.memory_space<hbm>>
      %dma_wait3A_15 = arith.constant 0 : i32
      %dma_wait3A_16 = tpu.memref_slice %arg10[%mul3A_2, %dma_wait3A_15] : memref<10112x128xf32, #tpu.memory_space<vmem_shared>> -> memref<632x128xf32, #tpu.memory_space<vmem_shared>>
      tpu.wait_dma2 semaphore(%run_scoped3A : memref<!tpu.dma_semaphore, #tpu.memory_space<semaphore_mem>>) src(%dma_wait3A_16 : memref<632x128xf32, #tpu.memory_space<vmem_shared>>) dst(%dma_wait3A_14 : memref<632x128xf32, #tpu.memory_space<hbm>>)
      tpu.yield
    }) : () -> ()
    return
  }
}

#map = affine_map<(d0, d1) -> (0, 0)>
#map1 = affine_map<(d0, d1) -> (0, 0, 0)>
module attributes {stable_mosaic.version = 14 : i64} {
  func.func @_agg_body(%arg0: i32, %arg1: i32, %arg2: memref<10000x128xf32, #tpu.memory_space<hbm>>, %arg3: memref<32x79x128xi32, #tpu.memory_space<hbm>>, %arg4: memref<32x79x128xi32, #tpu.memory_space<hbm>>, %arg5: memref<10112x128xf32, #tpu.memory_space<hbm>>, %arg6: memref<2x10112x128xf32, #tpu.memory_space<hbm>>, %arg7: memref<79x128xi32, #tpu.memory_space<vmem>>, %arg8: memref<79x128xi32, #tpu.memory_space<vmem>>, %arg9: memref<128x128xf32, #tpu.memory_space<vmem>>, %arg10: memref<10112x128xf32, #tpu.memory_space<vmem_shared>>, %arg11: memref<!tpu.dma_semaphore, #tpu.memory_space<semaphore_mem>>) attributes {dimension_semantics = [#tpu.dimension_semantics<core_parallel>, #tpu.dimension_semantics<subcore_parallel>], iteration_bounds = array<i64: 2, 16>, scalar_prefetch = 0 : i64, scratch_operands = 5 : i64, tpu.core_type = #tpu.core_type<sc_vector_subcore>, window_params = [{transform_indices = #map}, {transform_indices = #map1}, {transform_indices = #map1}, {transform_indices = #map}, {transform_indices = #map1}]} {
    %mul3A = arith.constant 16 : i32
    %mul3A_0 = arith.muli %arg0, %mul3A : i32
    %add3A = arith.addi %mul3A_0, %arg1 : i32
    %mul3A_1 = arith.constant 632 : i32
    %mul3A_2 = arith.muli %arg1, %mul3A_1 : i32
    "tpu.region"() ({
      %run_scoped3A = tpu.sem_alloc : memref<!tpu.dma_semaphore, #tpu.memory_space<semaphore_mem>>
      %dma_start3A = arith.constant 0 : i32
      %dma_start3A_9 = tpu.memref_slice %arg10[%mul3A_2, %dma_start3A] : memref<10112x128xf32, #tpu.memory_space<vmem_shared>> -> memref<632x128xf32, #tpu.memory_space<vmem_shared>>
      %dma_start3A_10 = arith.constant 0 : i32
      %dma_start3A_11 = tpu.memref_slice %arg5[%mul3A_2, %dma_start3A_10] : memref<10112x128xf32, #tpu.memory_space<hbm>> -> memref<632x128xf32, #tpu.memory_space<hbm>>
      tpu.enqueue_dma source(%dma_start3A_11 : memref<632x128xf32, #tpu.memory_space<hbm>>) target(%dma_start3A_9 : memref<632x128xf32, #tpu.memory_space<vmem_shared>>) target_semaphore(%run_scoped3A : memref<!tpu.dma_semaphore, #tpu.memory_space<semaphore_mem>>)
      %dma_wait3A = arith.constant 0 : i32
      %dma_wait3A_12 = tpu.memref_slice %arg10[%mul3A_2, %dma_wait3A] : memref<10112x128xf32, #tpu.memory_space<vmem_shared>> -> memref<632x128xf32, #tpu.memory_space<vmem_shared>>
      %dma_wait3A_13 = arith.constant 0 : i32
      %dma_wait3A_14 = tpu.memref_slice %arg5[%mul3A_2, %dma_wait3A_13] : memref<10112x128xf32, #tpu.memory_space<hbm>> -> memref<632x128xf32, #tpu.memory_space<hbm>>
      tpu.wait_dma2 semaphore(%run_scoped3A : memref<!tpu.dma_semaphore, #tpu.memory_space<semaphore_mem>>) src(%dma_wait3A_14 : memref<632x128xf32, #tpu.memory_space<hbm>>) dst(%dma_wait3A_12 : memref<632x128xf32, #tpu.memory_space<vmem_shared>>)
      tpu.yield
    }) : () -> ()
    "tpu.region"() ({
      %run_scoped3A = tpu.sem_alloc : memref<!tpu.dma_semaphore, #tpu.memory_space<semaphore_mem>>
      %dma_start3A = arith.constant 0 : i32
      %dma_start3A_9 = arith.constant 0 : i32
      %dma_start3A_10 = tpu.memref_slice %arg3[%add3A, %dma_start3A, %dma_start3A_9] : memref<32x79x128xi32, #tpu.memory_space<hbm>> -> memref<1x79x128xi32, #tpu.memory_space<hbm>>
      %dma_start3A_11 = tpu.memref_squeeze %dma_start3A_10 : memref<1x79x128xi32, #tpu.memory_space<hbm>> -> memref<79x128xi32, #tpu.memory_space<hbm>>
      %dma_start3A_12 = arith.constant 0 : i32
      %dma_start3A_13 = arith.constant 0 : i32
      %dma_start3A_14 = tpu.memref_slice %arg3[%add3A, %dma_start3A_12, %dma_start3A_13] : memref<32x79x128xi32, #tpu.memory_space<hbm>> -> memref<1x79x128xi32, #tpu.memory_space<hbm>>
      %dma_start3A_15 = tpu.memref_squeeze %dma_start3A_14 : memref<1x79x128xi32, #tpu.memory_space<hbm>> -> memref<79x128xi32, #tpu.memory_space<hbm>>
      tpu.enqueue_dma source(%dma_start3A_15 : memref<79x128xi32, #tpu.memory_space<hbm>>) target(%arg7 : memref<79x128xi32, #tpu.memory_space<vmem>>) target_semaphore(%run_scoped3A : memref<!tpu.dma_semaphore, #tpu.memory_space<semaphore_mem>>)
      %dma_wait3A = arith.constant 0 : i32
      %dma_wait3A_16 = arith.constant 0 : i32
      %dma_wait3A_17 = tpu.memref_slice %arg3[%add3A, %dma_wait3A, %dma_wait3A_16] : memref<32x79x128xi32, #tpu.memory_space<hbm>> -> memref<1x79x128xi32, #tpu.memory_space<hbm>>
      %dma_wait3A_18 = tpu.memref_squeeze %dma_wait3A_17 : memref<1x79x128xi32, #tpu.memory_space<hbm>> -> memref<79x128xi32, #tpu.memory_space<hbm>>
      %dma_wait3A_19 = arith.constant 0 : i32
      %dma_wait3A_20 = arith.constant 0 : i32
      %dma_wait3A_21 = tpu.memref_slice %arg3[%add3A, %dma_wait3A_19, %dma_wait3A_20] : memref<32x79x128xi32, #tpu.memory_space<hbm>> -> memref<1x79x128xi32, #tpu.memory_space<hbm>>
      %dma_wait3A_22 = tpu.memref_squeeze %dma_wait3A_21 : memref<1x79x128xi32, #tpu.memory_space<hbm>> -> memref<79x128xi32, #tpu.memory_space<hbm>>
      tpu.wait_dma2 semaphore(%run_scoped3A : memref<!tpu.dma_semaphore, #tpu.memory_space<semaphore_mem>>) src(%dma_wait3A_22 : memref<79x128xi32, #tpu.memory_space<hbm>>) dst(%arg7 : memref<79x128xi32, #tpu.memory_space<vmem>>)
      tpu.yield
    }) : () -> ()
    "tpu.region"() ({
      %run_scoped3A = tpu.sem_alloc : memref<!tpu.dma_semaphore, #tpu.memory_space<semaphore_mem>>
      %dma_start3A = arith.constant 0 : i32
      %dma_start3A_9 = arith.constant 0 : i32
      %dma_start3A_10 = tpu.memref_slice %arg4[%add3A, %dma_start3A, %dma_start3A_9] : memref<32x79x128xi32, #tpu.memory_space<hbm>> -> memref<1x79x128xi32, #tpu.memory_space<hbm>>
      %dma_start3A_11 = tpu.memref_squeeze %dma_start3A_10 : memref<1x79x128xi32, #tpu.memory_space<hbm>> -> memref<79x128xi32, #tpu.memory_space<hbm>>
      %dma_start3A_12 = arith.constant 0 : i32
      %dma_start3A_13 = arith.constant 0 : i32
      %dma_start3A_14 = tpu.memref_slice %arg4[%add3A, %dma_start3A_12, %dma_start3A_13] : memref<32x79x128xi32, #tpu.memory_space<hbm>> -> memref<1x79x128xi32, #tpu.memory_space<hbm>>
      %dma_start3A_15 = tpu.memref_squeeze %dma_start3A_14 : memref<1x79x128xi32, #tpu.memory_space<hbm>> -> memref<79x128xi32, #tpu.memory_space<hbm>>
      tpu.enqueue_dma source(%dma_start3A_15 : memref<79x128xi32, #tpu.memory_space<hbm>>) target(%arg8 : memref<79x128xi32, #tpu.memory_space<vmem>>) target_semaphore(%run_scoped3A : memref<!tpu.dma_semaphore, #tpu.memory_space<semaphore_mem>>)
      %dma_wait3A = arith.constant 0 : i32
      %dma_wait3A_16 = arith.constant 0 : i32
      %dma_wait3A_17 = tpu.memref_slice %arg4[%add3A, %dma_wait3A, %dma_wait3A_16] : memref<32x79x128xi32, #tpu.memory_space<hbm>> -> memref<1x79x128xi32, #tpu.memory_space<hbm>>
      %dma_wait3A_18 = tpu.memref_squeeze %dma_wait3A_17 : memref<1x79x128xi32, #tpu.memory_space<hbm>> -> memref<79x128xi32, #tpu.memory_space<hbm>>
      %dma_wait3A_19 = arith.constant 0 : i32
      %dma_wait3A_20 = arith.constant 0 : i32
      %dma_wait3A_21 = tpu.memref_slice %arg4[%add3A, %dma_wait3A_19, %dma_wait3A_20] : memref<32x79x128xi32, #tpu.memory_space<hbm>> -> memref<1x79x128xi32, #tpu.memory_space<hbm>>
      %dma_wait3A_22 = tpu.memref_squeeze %dma_wait3A_21 : memref<1x79x128xi32, #tpu.memory_space<hbm>> -> memref<79x128xi32, #tpu.memory_space<hbm>>
      tpu.wait_dma2 semaphore(%run_scoped3A : memref<!tpu.dma_semaphore, #tpu.memory_space<semaphore_mem>>) src(%dma_wait3A_22 : memref<79x128xi32, #tpu.memory_space<hbm>>) dst(%arg8 : memref<79x128xi32, #tpu.memory_space<vmem>>)
      tpu.yield
    }) : () -> ()
    %barrier3A = arith.constant 0 : index
    tpu.barrier barrier_id(%barrier3A)
    %scan3A = arith.constant 0 : i32
    %scan3A_3 = arith.constant 0 : i32
    %scan3A_4 = arith.constant 79 : i32
    %scan3A_5 = arith.addi %scan3A_3, %scan3A_4 : i32
    %scan3A_6 = arith.constant 1 : i32
    scf.for %scan3A_9 = %scan3A_3 to %scan3A_5 step %scan3A_6  : i32 {
      %dma_start3A = arith.constant 0 : i32
      %dma_start3A_10 = tpu.memref_slice %arg7[%scan3A_9, %dma_start3A] : memref<79x128xi32, #tpu.memory_space<vmem>> -> memref<1x128xi32, #tpu.memory_space<vmem>>
      %dma_start3A_11 = tpu.memref_squeeze %dma_start3A_10 : memref<1x128xi32, #tpu.memory_space<vmem>> -> memref<128xi32, #tpu.memory_space<vmem>>
      %dma_start3A_12 = arith.constant 0 : i32
      %dma_start3A_13 = arith.constant 0 : i32
      %dma_start3A_14 = tpu.memref_slice %arg2[%dma_start3A_12, %dma_start3A_13] : memref<10000x128xf32, #tpu.memory_space<hbm>> -> memref<10000x128xf32, #tpu.memory_space<hbm>>
      tpu.enqueue_indirect_dma source(%dma_start3A_14 : memref<10000x128xf32, #tpu.memory_space<hbm>>) target(%arg9 : memref<128x128xf32, #tpu.memory_space<vmem>>) offsets(%dma_start3A_11 : memref<128xi32, #tpu.memory_space<vmem>>) semaphore(%arg11 : memref<!tpu.dma_semaphore, #tpu.memory_space<semaphore_mem>>)
      %dma_wait3A = arith.constant 0 : i32
      %dma_wait3A_15 = tpu.memref_slice %arg7[%scan3A_9, %dma_wait3A] : memref<79x128xi32, #tpu.memory_space<vmem>> -> memref<1x128xi32, #tpu.memory_space<vmem>>
      %dma_wait3A_16 = tpu.memref_squeeze %dma_wait3A_15 : memref<1x128xi32, #tpu.memory_space<vmem>> -> memref<128xi32, #tpu.memory_space<vmem>>
      %dma_wait3A_17 = arith.constant 0 : i32
      %dma_wait3A_18 = arith.constant 0 : i32
      %dma_wait3A_19 = tpu.memref_slice %arg2[%dma_wait3A_17, %dma_wait3A_18] : memref<10000x128xf32, #tpu.memory_space<hbm>> -> memref<10000x128xf32, #tpu.memory_space<hbm>>
      tpu.wait_indirect_dma semaphore(%arg11 : memref<!tpu.dma_semaphore, #tpu.memory_space<semaphore_mem>>) src(%dma_wait3A_19 : memref<10000x128xf32, #tpu.memory_space<hbm>>) dst(%arg9 : memref<128x128xf32, #tpu.memory_space<vmem>>)
      "tpu.region"() ({
        %run_scoped3A = tpu.sem_alloc : memref<!tpu.dma_semaphore, #tpu.memory_space<semaphore_mem>>
        %dma_start3A_20 = arith.constant 0 : i32
        %dma_start3A_21 = tpu.memref_slice %arg8[%scan3A_9, %dma_start3A_20] : memref<79x128xi32, #tpu.memory_space<vmem>> -> memref<1x128xi32, #tpu.memory_space<vmem>>
        %dma_start3A_22 = tpu.memref_squeeze %dma_start3A_21 : memref<1x128xi32, #tpu.memory_space<vmem>> -> memref<128xi32, #tpu.memory_space<vmem>>
        %dma_start3A_23 = arith.constant 0 : i32
        %dma_start3A_24 = arith.constant 0 : i32
        %dma_start3A_25 = tpu.memref_slice %arg10[%dma_start3A_23, %dma_start3A_24] : memref<10112x128xf32, #tpu.memory_space<vmem_shared>> -> memref<10112x128xf32, #tpu.memory_space<vmem_shared>>
        tpu.enqueue_indirect_dma source(%arg9 : memref<128x128xf32, #tpu.memory_space<vmem>>) target(%dma_start3A_25 : memref<10112x128xf32, #tpu.memory_space<vmem_shared>>) offsets(%dma_start3A_22 : memref<128xi32, #tpu.memory_space<vmem>>) semaphore(%run_scoped3A : memref<!tpu.dma_semaphore, #tpu.memory_space<semaphore_mem>>) {add = true}
        %dma_wait3A_26 = arith.constant 0 : i32
        %dma_wait3A_27 = tpu.memref_slice %arg8[%scan3A_9, %dma_wait3A_26] : memref<79x128xi32, #tpu.memory_space<vmem>> -> memref<1x128xi32, #tpu.memory_space<vmem>>
        %dma_wait3A_28 = tpu.memref_squeeze %dma_wait3A_27 : memref<1x128xi32, #tpu.memory_space<vmem>> -> memref<128xi32, #tpu.memory_space<vmem>>
        %dma_wait3A_29 = arith.constant 0 : i32
        %dma_wait3A_30 = arith.constant 0 : i32
        %dma_wait3A_31 = tpu.memref_slice %arg10[%dma_wait3A_29, %dma_wait3A_30] : memref<10112x128xf32, #tpu.memory_space<vmem_shared>> -> memref<10112x128xf32, #tpu.memory_space<vmem_shared>>
        tpu.wait_indirect_dma semaphore(%run_scoped3A : memref<!tpu.dma_semaphore, #tpu.memory_space<semaphore_mem>>) src(%arg9 : memref<128x128xf32, #tpu.memory_space<vmem>>) dst(%dma_wait3A_31 : memref<10112x128xf32, #tpu.memory_space<vmem_shared>>)
        tpu.yield
      }) : () -> ()
    }
    %scan3A_7 = arith.constant 79 : i32
    %barrier3A_8 = arith.constant 0 : index
    tpu.barrier barrier_id(%barrier3A_8)
    "tpu.region"() ({
      %run_scoped3A = tpu.sem_alloc : memref<!tpu.dma_semaphore, #tpu.memory_space<semaphore_mem>>
      %dma_start3A = arith.constant 0 : i32
      %dma_start3A_9 = tpu.memref_slice %arg6[%arg0, %mul3A_2, %dma_start3A] : memref<2x10112x128xf32, #tpu.memory_space<hbm>> -> memref<1x632x128xf32, #tpu.memory_space<hbm>>
      %dma_start3A_10 = tpu.memref_squeeze %dma_start3A_9 : memref<1x632x128xf32, #tpu.memory_space<hbm>> -> memref<632x128xf32, #tpu.memory_space<hbm>>
      %dma_start3A_11 = arith.constant 0 : i32
      %dma_start3A_12 = tpu.memref_slice %arg10[%mul3A_2, %dma_start3A_11] : memref<10112x128xf32, #tpu.memory_space<vmem_shared>> -> memref<632x128xf32, #tpu.memory_space<vmem_shared>>
      tpu.enqueue_dma source(%dma_start3A_12 : memref<632x128xf32, #tpu.memory_space<vmem_shared>>) target(%dma_start3A_10 : memref<632x128xf32, #tpu.memory_space<hbm>>) target_semaphore(%run_scoped3A : memref<!tpu.dma_semaphore, #tpu.memory_space<semaphore_mem>>)
      %dma_wait3A = arith.constant 0 : i32
      %dma_wait3A_13 = tpu.memref_slice %arg6[%arg0, %mul3A_2, %dma_wait3A] : memref<2x10112x128xf32, #tpu.memory_space<hbm>> -> memref<1x632x128xf32, #tpu.memory_space<hbm>>
      %dma_wait3A_14 = tpu.memref_squeeze %dma_wait3A_13 : memref<1x632x128xf32, #tpu.memory_space<hbm>> -> memref<632x128xf32, #tpu.memory_space<hbm>>
      %dma_wait3A_15 = arith.constant 0 : i32
      %dma_wait3A_16 = tpu.memref_slice %arg10[%mul3A_2, %dma_wait3A_15] : memref<10112x128xf32, #tpu.memory_space<vmem_shared>> -> memref<632x128xf32, #tpu.memory_space<vmem_shared>>
      tpu.wait_dma2 semaphore(%run_scoped3A : memref<!tpu.dma_semaphore, #tpu.memory_space<semaphore_mem>>) src(%dma_wait3A_16 : memref<632x128xf32, #tpu.memory_space<vmem_shared>>) dst(%dma_wait3A_14 : memref<632x128xf32, #tpu.memory_space<hbm>>)
      tpu.yield
    }) : () -> ()
    return
  }
}

#map = affine_map<(d0, d1) -> (0, 0)>
module attributes {stable_mosaic.version = 14 : i64} {
  func.func @_hist_body(%arg0: i32, %arg1: i32, %arg2: memref<32x10112xi32, #tpu.memory_space<hbm>>, %arg3: memref<32x10112xi32, #tpu.memory_space<hbm>>, %arg4: memref<32x10112xf32, #tpu.memory_space<hbm>>, %arg5: memref<32x10112xf32, #tpu.memory_space<hbm>>, %arg6: memref<10112xi32, #tpu.memory_space<vmem>>, %arg7: memref<10112xi32, #tpu.memory_space<vmem>>, %arg8: memref<10112xf32, #tpu.memory_space<vmem>>, %arg9: memref<10112xf32, #tpu.memory_space<vmem>>) attributes {dimension_semantics = [#tpu.dimension_semantics<core_parallel>, #tpu.dimension_semantics<subcore_parallel>], iteration_bounds = array<i64: 2, 16>, scalar_prefetch = 0 : i64, scratch_operands = 4 : i64, tpu.core_type = #tpu.core_type<sc_vector_subcore>, window_params = [{transform_indices = #map}, {transform_indices = #map}, {transform_indices = #map}, {transform_indices = #map}]} {
    %mul3A = arith.constant 16 : i32
    %mul3A_0 = arith.muli %arg0, %mul3A : i32
    %add3A = arith.addi %mul3A_0, %arg1 : i32
    "tpu.region"() ({
      %run_scoped3A = tpu.sem_alloc : memref<!tpu.dma_semaphore, #tpu.memory_space<semaphore_mem>>
      %dma_start3A = arith.constant 0 : i32
      %dma_start3A_15 = tpu.memref_slice %arg2[%add3A, %dma_start3A] : memref<32x10112xi32, #tpu.memory_space<hbm>> -> memref<1x10112xi32, #tpu.memory_space<hbm>>
      %dma_start3A_16 = tpu.memref_squeeze %dma_start3A_15 : memref<1x10112xi32, #tpu.memory_space<hbm>> -> memref<10112xi32, #tpu.memory_space<hbm>>
      %dma_start3A_17 = arith.constant 0 : i32
      %dma_start3A_18 = tpu.memref_slice %arg2[%add3A, %dma_start3A_17] : memref<32x10112xi32, #tpu.memory_space<hbm>> -> memref<1x10112xi32, #tpu.memory_space<hbm>>
      %dma_start3A_19 = tpu.memref_squeeze %dma_start3A_18 : memref<1x10112xi32, #tpu.memory_space<hbm>> -> memref<10112xi32, #tpu.memory_space<hbm>>
      tpu.enqueue_dma source(%dma_start3A_19 : memref<10112xi32, #tpu.memory_space<hbm>>) target(%arg6 : memref<10112xi32, #tpu.memory_space<vmem>>) target_semaphore(%run_scoped3A : memref<!tpu.dma_semaphore, #tpu.memory_space<semaphore_mem>>)
      %dma_wait3A = arith.constant 0 : i32
      %dma_wait3A_20 = tpu.memref_slice %arg2[%add3A, %dma_wait3A] : memref<32x10112xi32, #tpu.memory_space<hbm>> -> memref<1x10112xi32, #tpu.memory_space<hbm>>
      %dma_wait3A_21 = tpu.memref_squeeze %dma_wait3A_20 : memref<1x10112xi32, #tpu.memory_space<hbm>> -> memref<10112xi32, #tpu.memory_space<hbm>>
      %dma_wait3A_22 = arith.constant 0 : i32
      %dma_wait3A_23 = tpu.memref_slice %arg2[%add3A, %dma_wait3A_22] : memref<32x10112xi32, #tpu.memory_space<hbm>> -> memref<1x10112xi32, #tpu.memory_space<hbm>>
      %dma_wait3A_24 = tpu.memref_squeeze %dma_wait3A_23 : memref<1x10112xi32, #tpu.memory_space<hbm>> -> memref<10112xi32, #tpu.memory_space<hbm>>
      tpu.wait_dma2 semaphore(%run_scoped3A : memref<!tpu.dma_semaphore, #tpu.memory_space<semaphore_mem>>) src(%dma_wait3A_24 : memref<10112xi32, #tpu.memory_space<hbm>>) dst(%arg6 : memref<10112xi32, #tpu.memory_space<vmem>>)
      tpu.yield
    }) : () -> ()
    "tpu.region"() ({
      %run_scoped3A = tpu.sem_alloc : memref<!tpu.dma_semaphore, #tpu.memory_space<semaphore_mem>>
      %dma_start3A = arith.constant 0 : i32
      %dma_start3A_15 = tpu.memref_slice %arg3[%add3A, %dma_start3A] : memref<32x10112xi32, #tpu.memory_space<hbm>> -> memref<1x10112xi32, #tpu.memory_space<hbm>>
      %dma_start3A_16 = tpu.memref_squeeze %dma_start3A_15 : memref<1x10112xi32, #tpu.memory_space<hbm>> -> memref<10112xi32, #tpu.memory_space<hbm>>
      %dma_start3A_17 = arith.constant 0 : i32
      %dma_start3A_18 = tpu.memref_slice %arg3[%add3A, %dma_start3A_17] : memref<32x10112xi32, #tpu.memory_space<hbm>> -> memref<1x10112xi32, #tpu.memory_space<hbm>>
      %dma_start3A_19 = tpu.memref_squeeze %dma_start3A_18 : memref<1x10112xi32, #tpu.memory_space<hbm>> -> memref<10112xi32, #tpu.memory_space<hbm>>
      tpu.enqueue_dma source(%dma_start3A_19 : memref<10112xi32, #tpu.memory_space<hbm>>) target(%arg7 : memref<10112xi32, #tpu.memory_space<vmem>>) target_semaphore(%run_scoped3A : memref<!tpu.dma_semaphore, #tpu.memory_space<semaphore_mem>>)
      %dma_wait3A = arith.constant 0 : i32
      %dma_wait3A_20 = tpu.memref_slice %arg3[%add3A, %dma_wait3A] : memref<32x10112xi32, #tpu.memory_space<hbm>> -> memref<1x10112xi32, #tpu.memory_space<hbm>>
      %dma_wait3A_21 = tpu.memref_squeeze %dma_wait3A_20 : memref<1x10112xi32, #tpu.memory_space<hbm>> -> memref<10112xi32, #tpu.memory_space<hbm>>
      %dma_wait3A_22 = arith.constant 0 : i32
      %dma_wait3A_23 = tpu.memref_slice %arg3[%add3A, %dma_wait3A_22] : memref<32x10112xi32, #tpu.memory_space<hbm>> -> memref<1x10112xi32, #tpu.memory_space<hbm>>
      %dma_wait3A_24 = tpu.memref_squeeze %dma_wait3A_23 : memref<1x10112xi32, #tpu.memory_space<hbm>> -> memref<10112xi32, #tpu.memory_space<hbm>>
      tpu.wait_dma2 semaphore(%run_scoped3A : memref<!tpu.dma_semaphore, #tpu.memory_space<semaphore_mem>>) src(%dma_wait3A_24 : memref<10112xi32, #tpu.memory_space<hbm>>) dst(%arg7 : memref<10112xi32, #tpu.memory_space<vmem>>)
      tpu.yield
    }) : () -> ()
    %broadcast_in_dim3A = arith.constant 0.000000e+00 : f32
    %broadcast_in_dim3A_1 = vector.broadcast %broadcast_in_dim3A : f32 to vector<16xf32>
    %scan3A = arith.constant 0 : i32
    %scan3A_2 = arith.constant 0 : i32
    %scan3A_3 = arith.constant 632 : i32
    %scan3A_4 = arith.addi %scan3A_2, %scan3A_3 : i32
    %scan3A_5 = arith.constant 1 : i32
    scf.for %scan3A_15 = %scan3A_2 to %scan3A_4 step %scan3A_5  : i32 {
      %mul3A_16 = arith.constant 16 : i32
      %mul3A_17 = arith.muli %scan3A_15, %mul3A_16 : i32
      %swap3A = arith.index_cast %mul3A_17 : i32 to index
      %swap3A_18 = tpu.vector_load %arg8[%swap3A] {strides = array<i32>} : memref<10112xf32, #tpu.memory_space<vmem>>, vector<16xf32>,
      tpu.vector_store %arg8[%swap3A], %broadcast_in_dim3A_1 {strides = array<i32>} : memref<10112xf32, #tpu.memory_space<vmem>>, vector<16xf32>,
      %mul3A_19 = arith.constant 16 : i32
      %mul3A_20 = arith.muli %scan3A_15, %mul3A_19 : i32
      %swap3A_21 = arith.index_cast %mul3A_20 : i32 to index
      %swap3A_22 = tpu.vector_load %arg9[%swap3A_21] {strides = array<i32>} : memref<10112xf32, #tpu.memory_space<vmem>>, vector<16xf32>,
      tpu.vector_store %arg9[%swap3A_21], %broadcast_in_dim3A_1 {strides = array<i32>} : memref<10112xf32, #tpu.memory_space<vmem>>, vector<16xf32>,
    }
    %scan3A_6 = arith.constant 632 : i32
    %broadcast_in_dim3A_7 = arith.constant 1.000000e+00 : f32
    %broadcast_in_dim3A_8 = vector.broadcast %broadcast_in_dim3A_7 : f32 to vector<16xf32>
    %scan3A_9 = arith.constant 0 : i32
    %scan3A_10 = arith.constant 0 : i32
    %scan3A_11 = arith.constant 632 : i32
    %scan3A_12 = arith.addi %scan3A_10, %scan3A_11 : i32
    %scan3A_13 = arith.constant 1 : i32
    scf.for %scan3A_15 = %scan3A_10 to %scan3A_12 step %scan3A_13  : i32 {
      %mul3A_16 = arith.constant 16 : i32
      %mul3A_17 = arith.muli %scan3A_15, %mul3A_16 : i32
      %get3A = arith.index_cast %mul3A_17 : i32 to index
      %get3A_18 = tpu.vector_load %arg6[%get3A] {strides = array<i32>} : memref<10112xi32, #tpu.memory_space<vmem>>, vector<16xi32>,
      tpu.vector_store_idx %arg8[%get3A_18], %broadcast_in_dim3A_8 {add = true} : memref<10112xf32, #tpu.memory_space<vmem>>[vector<16xi32>], vector<16xf32>,
      %mul3A_19 = arith.constant 16 : i32
      %mul3A_20 = arith.muli %scan3A_15, %mul3A_19 : i32
      %get3A_21 = arith.index_cast %mul3A_20 : i32 to index
      %get3A_22 = tpu.vector_load %arg7[%get3A_21] {strides = array<i32>} : memref<10112xi32, #tpu.memory_space<vmem>>, vector<16xi32>,
      tpu.vector_store_idx %arg9[%get3A_22], %broadcast_in_dim3A_8 {add = true} : memref<10112xf32, #tpu.memory_space<vmem>>[vector<16xi32>], vector<16xf32>,
    }
    %scan3A_14 = arith.constant 632 : i32
    "tpu.region"() ({
      %run_scoped3A = tpu.sem_alloc : memref<!tpu.dma_semaphore, #tpu.memory_space<semaphore_mem>>
      %dma_start3A = arith.constant 0 : i32
      %dma_start3A_15 = tpu.memref_slice %arg4[%add3A, %dma_start3A] : memref<32x10112xf32, #tpu.memory_space<hbm>> -> memref<1x10112xf32, #tpu.memory_space<hbm>>
      %dma_start3A_16 = tpu.memref_squeeze %dma_start3A_15 : memref<1x10112xf32, #tpu.memory_space<hbm>> -> memref<10112xf32, #tpu.memory_space<hbm>>
      %dma_start3A_17 = arith.constant 0 : i32
      %dma_start3A_18 = tpu.memref_slice %arg4[%add3A, %dma_start3A_17] : memref<32x10112xf32, #tpu.memory_space<hbm>> -> memref<1x10112xf32, #tpu.memory_space<hbm>>
      %dma_start3A_19 = tpu.memref_squeeze %dma_start3A_18 : memref<1x10112xf32, #tpu.memory_space<hbm>> -> memref<10112xf32, #tpu.memory_space<hbm>>
      tpu.enqueue_dma source(%arg8 : memref<10112xf32, #tpu.memory_space<vmem>>) target(%dma_start3A_19 : memref<10112xf32, #tpu.memory_space<hbm>>) target_semaphore(%run_scoped3A : memref<!tpu.dma_semaphore, #tpu.memory_space<semaphore_mem>>)
      %dma_wait3A = arith.constant 0 : i32
      %dma_wait3A_20 = tpu.memref_slice %arg4[%add3A, %dma_wait3A] : memref<32x10112xf32, #tpu.memory_space<hbm>> -> memref<1x10112xf32, #tpu.memory_space<hbm>>
      %dma_wait3A_21 = tpu.memref_squeeze %dma_wait3A_20 : memref<1x10112xf32, #tpu.memory_space<hbm>> -> memref<10112xf32, #tpu.memory_space<hbm>>
      %dma_wait3A_22 = arith.constant 0 : i32
      %dma_wait3A_23 = tpu.memref_slice %arg4[%add3A, %dma_wait3A_22] : memref<32x10112xf32, #tpu.memory_space<hbm>> -> memref<1x10112xf32, #tpu.memory_space<hbm>>
      %dma_wait3A_24 = tpu.memref_squeeze %dma_wait3A_23 : memref<1x10112xf32, #tpu.memory_space<hbm>> -> memref<10112xf32, #tpu.memory_space<hbm>>
      tpu.wait_dma2 semaphore(%run_scoped3A : memref<!tpu.dma_semaphore, #tpu.memory_space<semaphore_mem>>) src(%arg8 : memref<10112xf32, #tpu.memory_space<vmem>>) dst(%dma_wait3A_24 : memref<10112xf32, #tpu.memory_space<hbm>>)
      tpu.yield
    }) : () -> ()
    "tpu.region"() ({
      %run_scoped3A = tpu.sem_alloc : memref<!tpu.dma_semaphore, #tpu.memory_space<semaphore_mem>>
      %dma_start3A = arith.constant 0 : i32
      %dma_start3A_15 = tpu.memref_slice %arg5[%add3A, %dma_start3A] : memref<32x10112xf32, #tpu.memory_space<hbm>> -> memref<1x10112xf32, #tpu.memory_space<hbm>>
      %dma_start3A_16 = tpu.memref_squeeze %dma_start3A_15 : memref<1x10112xf32, #tpu.memory_space<hbm>> -> memref<10112xf32, #tpu.memory_space<hbm>>
      %dma_start3A_17 = arith.constant 0 : i32
      %dma_start3A_18 = tpu.memref_slice %arg5[%add3A, %dma_start3A_17] : memref<32x10112xf32, #tpu.memory_space<hbm>> -> memref<1x10112xf32, #tpu.memory_space<hbm>>
      %dma_start3A_19 = tpu.memref_squeeze %dma_start3A_18 : memref<1x10112xf32, #tpu.memory_space<hbm>> -> memref<10112xf32, #tpu.memory_space<hbm>>
      tpu.enqueue_dma source(%arg9 : memref<10112xf32, #tpu.memory_space<vmem>>) target(%dma_start3A_19 : memref<10112xf32, #tpu.memory_space<hbm>>) target_semaphore(%run_scoped3A : memref<!tpu.dma_semaphore, #tpu.memory_space<semaphore_mem>>)
      %dma_wait3A = arith.constant 0 : i32
      %dma_wait3A_20 = tpu.memref_slice %arg5[%add3A, %dma_wait3A] : memref<32x10112xf32, #tpu.memory_space<hbm>> -> memref<1x10112xf32, #tpu.memory_space<hbm>>
      %dma_wait3A_21 = tpu.memref_squeeze %dma_wait3A_20 : memref<1x10112xf32, #tpu.memory_space<hbm>> -> memref<10112xf32, #tpu.memory_space<hbm>>
      %dma_wait3A_22 = arith.constant 0 : i32
      %dma_wait3A_23 = tpu.memref_slice %arg5[%add3A, %dma_wait3A_22] : memref<32x10112xf32, #tpu.memory_space<hbm>> -> memref<1x10112xf32, #tpu.memory_space<hbm>>
      %dma_wait3A_24 = tpu.memref_squeeze %dma_wait3A_23 : memref<1x10112xf32, #tpu.memory_space<hbm>> -> memref<10112xf32, #tpu.memory_space<hbm>>
      tpu.wait_dma2 semaphore(%run_scoped3A : memref<!tpu.dma_semaphore, #tpu.memory_space<semaphore_mem>>) src(%arg9 : memref<10112xf32, #tpu.memory_space<vmem>>) dst(%dma_wait3A_24 : memref<10112xf32, #tpu.memory_space<hbm>>)
      tpu.yield
    }) : () -> ()
    return
  }
}

#map = affine_map<(d0, d1) -> (0, 0)>
#map1 = affine_map<(d0, d1) -> (0, 0, 0)>
module attributes {stable_mosaic.version = 14 : i64} {
  func.func @_agg_body(%arg0: i32, %arg1: i32, %arg2: memref<10000x128xf32, #tpu.memory_space<hbm>>, %arg3: memref<32x79x128xi32, #tpu.memory_space<hbm>>, %arg4: memref<32x79x128xi32, #tpu.memory_space<hbm>>, %arg5: memref<10112x128xf32, #tpu.memory_space<hbm>>, %arg6: memref<2x10112x128xf32, #tpu.memory_space<hbm>>, %arg7: memref<79x128xi32, #tpu.memory_space<vmem>>, %arg8: memref<79x128xi32, #tpu.memory_space<vmem>>, %arg9: memref<128x128xf32, #tpu.memory_space<vmem>>, %arg10: memref<10112x128xf32, #tpu.memory_space<vmem_shared>>, %arg11: memref<!tpu.dma_semaphore, #tpu.memory_space<semaphore_mem>>) attributes {dimension_semantics = [#tpu.dimension_semantics<core_parallel>, #tpu.dimension_semantics<subcore_parallel>], iteration_bounds = array<i64: 2, 16>, scalar_prefetch = 0 : i64, scratch_operands = 5 : i64, tpu.core_type = #tpu.core_type<sc_vector_subcore>, window_params = [{transform_indices = #map}, {transform_indices = #map1}, {transform_indices = #map1}, {transform_indices = #map}, {transform_indices = #map1}]} {
    %mul3A = arith.constant 16 : i32
    %mul3A_0 = arith.muli %arg0, %mul3A : i32
    %add3A = arith.addi %mul3A_0, %arg1 : i32
    %mul3A_1 = arith.constant 632 : i32
    %mul3A_2 = arith.muli %arg1, %mul3A_1 : i32
    "tpu.region"() ({
      %run_scoped3A = tpu.sem_alloc : memref<!tpu.dma_semaphore, #tpu.memory_space<semaphore_mem>>
      %dma_start3A = arith.constant 0 : i32
      %dma_start3A_9 = tpu.memref_slice %arg10[%mul3A_2, %dma_start3A] : memref<10112x128xf32, #tpu.memory_space<vmem_shared>> -> memref<632x128xf32, #tpu.memory_space<vmem_shared>>
      %dma_start3A_10 = arith.constant 0 : i32
      %dma_start3A_11 = tpu.memref_slice %arg5[%mul3A_2, %dma_start3A_10] : memref<10112x128xf32, #tpu.memory_space<hbm>> -> memref<632x128xf32, #tpu.memory_space<hbm>>
      tpu.enqueue_dma source(%dma_start3A_11 : memref<632x128xf32, #tpu.memory_space<hbm>>) target(%dma_start3A_9 : memref<632x128xf32, #tpu.memory_space<vmem_shared>>) target_semaphore(%run_scoped3A : memref<!tpu.dma_semaphore, #tpu.memory_space<semaphore_mem>>)
      %dma_wait3A = arith.constant 0 : i32
      %dma_wait3A_12 = tpu.memref_slice %arg10[%mul3A_2, %dma_wait3A] : memref<10112x128xf32, #tpu.memory_space<vmem_shared>> -> memref<632x128xf32, #tpu.memory_space<vmem_shared>>
      %dma_wait3A_13 = arith.constant 0 : i32
      %dma_wait3A_14 = tpu.memref_slice %arg5[%mul3A_2, %dma_wait3A_13] : memref<10112x128xf32, #tpu.memory_space<hbm>> -> memref<632x128xf32, #tpu.memory_space<hbm>>
      tpu.wait_dma2 semaphore(%run_scoped3A : memref<!tpu.dma_semaphore, #tpu.memory_space<semaphore_mem>>) src(%dma_wait3A_14 : memref<632x128xf32, #tpu.memory_space<hbm>>) dst(%dma_wait3A_12 : memref<632x128xf32, #tpu.memory_space<vmem_shared>>)
      tpu.yield
    }) : () -> ()
    "tpu.region"() ({
      %run_scoped3A = tpu.sem_alloc : memref<!tpu.dma_semaphore, #tpu.memory_space<semaphore_mem>>
      %dma_start3A = arith.constant 0 : i32
      %dma_start3A_9 = arith.constant 0 : i32
      %dma_start3A_10 = tpu.memref_slice %arg3[%add3A, %dma_start3A, %dma_start3A_9] : memref<32x79x128xi32, #tpu.memory_space<hbm>> -> memref<1x79x128xi32, #tpu.memory_space<hbm>>
      %dma_start3A_11 = tpu.memref_squeeze %dma_start3A_10 : memref<1x79x128xi32, #tpu.memory_space<hbm>> -> memref<79x128xi32, #tpu.memory_space<hbm>>
      %dma_start3A_12 = arith.constant 0 : i32
      %dma_start3A_13 = arith.constant 0 : i32
      %dma_start3A_14 = tpu.memref_slice %arg3[%add3A, %dma_start3A_12, %dma_start3A_13] : memref<32x79x128xi32, #tpu.memory_space<hbm>> -> memref<1x79x128xi32, #tpu.memory_space<hbm>>
      %dma_start3A_15 = tpu.memref_squeeze %dma_start3A_14 : memref<1x79x128xi32, #tpu.memory_space<hbm>> -> memref<79x128xi32, #tpu.memory_space<hbm>>
      tpu.enqueue_dma source(%dma_start3A_15 : memref<79x128xi32, #tpu.memory_space<hbm>>) target(%arg7 : memref<79x128xi32, #tpu.memory_space<vmem>>) target_semaphore(%run_scoped3A : memref<!tpu.dma_semaphore, #tpu.memory_space<semaphore_mem>>)
      %dma_wait3A = arith.constant 0 : i32
      %dma_wait3A_16 = arith.constant 0 : i32
      %dma_wait3A_17 = tpu.memref_slice %arg3[%add3A, %dma_wait3A, %dma_wait3A_16] : memref<32x79x128xi32, #tpu.memory_space<hbm>> -> memref<1x79x128xi32, #tpu.memory_space<hbm>>
      %dma_wait3A_18 = tpu.memref_squeeze %dma_wait3A_17 : memref<1x79x128xi32, #tpu.memory_space<hbm>> -> memref<79x128xi32, #tpu.memory_space<hbm>>
      %dma_wait3A_19 = arith.constant 0 : i32
      %dma_wait3A_20 = arith.constant 0 : i32
      %dma_wait3A_21 = tpu.memref_slice %arg3[%add3A, %dma_wait3A_19, %dma_wait3A_20] : memref<32x79x128xi32, #tpu.memory_space<hbm>> -> memref<1x79x128xi32, #tpu.memory_space<hbm>>
      %dma_wait3A_22 = tpu.memref_squeeze %dma_wait3A_21 : memref<1x79x128xi32, #tpu.memory_space<hbm>> -> memref<79x128xi32, #tpu.memory_space<hbm>>
      tpu.wait_dma2 semaphore(%run_scoped3A : memref<!tpu.dma_semaphore, #tpu.memory_space<semaphore_mem>>) src(%dma_wait3A_22 : memref<79x128xi32, #tpu.memory_space<hbm>>) dst(%arg7 : memref<79x128xi32, #tpu.memory_space<vmem>>)
      tpu.yield
    }) : () -> ()
    "tpu.region"() ({
      %run_scoped3A = tpu.sem_alloc : memref<!tpu.dma_semaphore, #tpu.memory_space<semaphore_mem>>
      %dma_start3A = arith.constant 0 : i32
      %dma_start3A_9 = arith.constant 0 : i32
      %dma_start3A_10 = tpu.memref_slice %arg4[%add3A, %dma_start3A, %dma_start3A_9] : memref<32x79x128xi32, #tpu.memory_space<hbm>> -> memref<1x79x128xi32, #tpu.memory_space<hbm>>
      %dma_start3A_11 = tpu.memref_squeeze %dma_start3A_10 : memref<1x79x128xi32, #tpu.memory_space<hbm>> -> memref<79x128xi32, #tpu.memory_space<hbm>>
      %dma_start3A_12 = arith.constant 0 : i32
      %dma_start3A_13 = arith.constant 0 : i32
      %dma_start3A_14 = tpu.memref_slice %arg4[%add3A, %dma_start3A_12, %dma_start3A_13] : memref<32x79x128xi32, #tpu.memory_space<hbm>> -> memref<1x79x128xi32, #tpu.memory_space<hbm>>
      %dma_start3A_15 = tpu.memref_squeeze %dma_start3A_14 : memref<1x79x128xi32, #tpu.memory_space<hbm>> -> memref<79x128xi32, #tpu.memory_space<hbm>>
      tpu.enqueue_dma source(%dma_start3A_15 : memref<79x128xi32, #tpu.memory_space<hbm>>) target(%arg8 : memref<79x128xi32, #tpu.memory_space<vmem>>) target_semaphore(%run_scoped3A : memref<!tpu.dma_semaphore, #tpu.memory_space<semaphore_mem>>)
      %dma_wait3A = arith.constant 0 : i32
      %dma_wait3A_16 = arith.constant 0 : i32
      %dma_wait3A_17 = tpu.memref_slice %arg4[%add3A, %dma_wait3A, %dma_wait3A_16] : memref<32x79x128xi32, #tpu.memory_space<hbm>> -> memref<1x79x128xi32, #tpu.memory_space<hbm>>
      %dma_wait3A_18 = tpu.memref_squeeze %dma_wait3A_17 : memref<1x79x128xi32, #tpu.memory_space<hbm>> -> memref<79x128xi32, #tpu.memory_space<hbm>>
      %dma_wait3A_19 = arith.constant 0 : i32
      %dma_wait3A_20 = arith.constant 0 : i32
      %dma_wait3A_21 = tpu.memref_slice %arg4[%add3A, %dma_wait3A_19, %dma_wait3A_20] : memref<32x79x128xi32, #tpu.memory_space<hbm>> -> memref<1x79x128xi32, #tpu.memory_space<hbm>>
      %dma_wait3A_22 = tpu.memref_squeeze %dma_wait3A_21 : memref<1x79x128xi32, #tpu.memory_space<hbm>> -> memref<79x128xi32, #tpu.memory_space<hbm>>
      tpu.wait_dma2 semaphore(%run_scoped3A : memref<!tpu.dma_semaphore, #tpu.memory_space<semaphore_mem>>) src(%dma_wait3A_22 : memref<79x128xi32, #tpu.memory_space<hbm>>) dst(%arg8 : memref<79x128xi32, #tpu.memory_space<vmem>>)
      tpu.yield
    }) : () -> ()
    %barrier3A = arith.constant 0 : index
    tpu.barrier barrier_id(%barrier3A)
    %scan3A = arith.constant 0 : i32
    %scan3A_3 = arith.constant 0 : i32
    %scan3A_4 = arith.constant 79 : i32
    %scan3A_5 = arith.addi %scan3A_3, %scan3A_4 : i32
    %scan3A_6 = arith.constant 1 : i32
    scf.for %scan3A_9 = %scan3A_3 to %scan3A_5 step %scan3A_6  : i32 {
      %dma_start3A = arith.constant 0 : i32
      %dma_start3A_10 = tpu.memref_slice %arg7[%scan3A_9, %dma_start3A] : memref<79x128xi32, #tpu.memory_space<vmem>> -> memref<1x128xi32, #tpu.memory_space<vmem>>
      %dma_start3A_11 = tpu.memref_squeeze %dma_start3A_10 : memref<1x128xi32, #tpu.memory_space<vmem>> -> memref<128xi32, #tpu.memory_space<vmem>>
      %dma_start3A_12 = arith.constant 0 : i32
      %dma_start3A_13 = arith.constant 0 : i32
      %dma_start3A_14 = tpu.memref_slice %arg2[%dma_start3A_12, %dma_start3A_13] : memref<10000x128xf32, #tpu.memory_space<hbm>> -> memref<10000x128xf32, #tpu.memory_space<hbm>>
      tpu.enqueue_indirect_dma source(%dma_start3A_14 : memref<10000x128xf32, #tpu.memory_space<hbm>>) target(%arg9 : memref<128x128xf32, #tpu.memory_space<vmem>>) offsets(%dma_start3A_11 : memref<128xi32, #tpu.memory_space<vmem>>) semaphore(%arg11 : memref<!tpu.dma_semaphore, #tpu.memory_space<semaphore_mem>>)
      %dma_wait3A = arith.constant 0 : i32
      %dma_wait3A_15 = tpu.memref_slice %arg7[%scan3A_9, %dma_wait3A] : memref<79x128xi32, #tpu.memory_space<vmem>> -> memref<1x128xi32, #tpu.memory_space<vmem>>
      %dma_wait3A_16 = tpu.memref_squeeze %dma_wait3A_15 : memref<1x128xi32, #tpu.memory_space<vmem>> -> memref<128xi32, #tpu.memory_space<vmem>>
      %dma_wait3A_17 = arith.constant 0 : i32
      %dma_wait3A_18 = arith.constant 0 : i32
      %dma_wait3A_19 = tpu.memref_slice %arg2[%dma_wait3A_17, %dma_wait3A_18] : memref<10000x128xf32, #tpu.memory_space<hbm>> -> memref<10000x128xf32, #tpu.memory_space<hbm>>
      tpu.wait_indirect_dma semaphore(%arg11 : memref<!tpu.dma_semaphore, #tpu.memory_space<semaphore_mem>>) src(%dma_wait3A_19 : memref<10000x128xf32, #tpu.memory_space<hbm>>) dst(%arg9 : memref<128x128xf32, #tpu.memory_space<vmem>>)
      "tpu.region"() ({
        %run_scoped3A = tpu.sem_alloc : memref<!tpu.dma_semaphore, #tpu.memory_space<semaphore_mem>>
        %dma_start3A_20 = arith.constant 0 : i32
        %dma_start3A_21 = tpu.memref_slice %arg8[%scan3A_9, %dma_start3A_20] : memref<79x128xi32, #tpu.memory_space<vmem>> -> memref<1x128xi32, #tpu.memory_space<vmem>>
        %dma_start3A_22 = tpu.memref_squeeze %dma_start3A_21 : memref<1x128xi32, #tpu.memory_space<vmem>> -> memref<128xi32, #tpu.memory_space<vmem>>
        %dma_start3A_23 = arith.constant 0 : i32
        %dma_start3A_24 = arith.constant 0 : i32
        %dma_start3A_25 = tpu.memref_slice %arg10[%dma_start3A_23, %dma_start3A_24] : memref<10112x128xf32, #tpu.memory_space<vmem_shared>> -> memref<10112x128xf32, #tpu.memory_space<vmem_shared>>
        tpu.enqueue_indirect_dma source(%arg9 : memref<128x128xf32, #tpu.memory_space<vmem>>) target(%dma_start3A_25 : memref<10112x128xf32, #tpu.memory_space<vmem_shared>>) offsets(%dma_start3A_22 : memref<128xi32, #tpu.memory_space<vmem>>) semaphore(%run_scoped3A : memref<!tpu.dma_semaphore, #tpu.memory_space<semaphore_mem>>) {add = true}
        %dma_wait3A_26 = arith.constant 0 : i32
        %dma_wait3A_27 = tpu.memref_slice %arg8[%scan3A_9, %dma_wait3A_26] : memref<79x128xi32, #tpu.memory_space<vmem>> -> memref<1x128xi32, #tpu.memory_space<vmem>>
        %dma_wait3A_28 = tpu.memref_squeeze %dma_wait3A_27 : memref<1x128xi32, #tpu.memory_space<vmem>> -> memref<128xi32, #tpu.memory_space<vmem>>
        %dma_wait3A_29 = arith.constant 0 : i32
        %dma_wait3A_30 = arith.constant 0 : i32
        %dma_wait3A_31 = tpu.memref_slice %arg10[%dma_wait3A_29, %dma_wait3A_30] : memref<10112x128xf32, #tpu.memory_space<vmem_shared>> -> memref<10112x128xf32, #tpu.memory_space<vmem_shared>>
        tpu.wait_indirect_dma semaphore(%run_scoped3A : memref<!tpu.dma_semaphore, #tpu.memory_space<semaphore_mem>>) src(%arg9 : memref<128x128xf32, #tpu.memory_space<vmem>>) dst(%dma_wait3A_31 : memref<10112x128xf32, #tpu.memory_space<vmem_shared>>)
        tpu.yield
      }) : () -> ()
    }
    %scan3A_7 = arith.constant 79 : i32
    %barrier3A_8 = arith.constant 0 : index
    tpu.barrier barrier_id(%barrier3A_8)
    "tpu.region"() ({
      %run_scoped3A = tpu.sem_alloc : memref<!tpu.dma_semaphore, #tpu.memory_space<semaphore_mem>>
      %dma_start3A = arith.constant 0 : i32
      %dma_start3A_9 = tpu.memref_slice %arg6[%arg0, %mul3A_2, %dma_start3A] : memref<2x10112x128xf32, #tpu.memory_space<hbm>> -> memref<1x632x128xf32, #tpu.memory_space<hbm>>
      %dma_start3A_10 = tpu.memref_squeeze %dma_start3A_9 : memref<1x632x128xf32, #tpu.memory_space<hbm>> -> memref<632x128xf32, #tpu.memory_space<hbm>>
      %dma_start3A_11 = arith.constant 0 : i32
      %dma_start3A_12 = tpu.memref_slice %arg10[%mul3A_2, %dma_start3A_11] : memref<10112x128xf32, #tpu.memory_space<vmem_shared>> -> memref<632x128xf32, #tpu.memory_space<vmem_shared>>
      tpu.enqueue_dma source(%dma_start3A_12 : memref<632x128xf32, #tpu.memory_space<vmem_shared>>) target(%dma_start3A_10 : memref<632x128xf32, #tpu.memory_space<hbm>>) target_semaphore(%run_scoped3A : memref<!tpu.dma_semaphore, #tpu.memory_space<semaphore_mem>>)
      %dma_wait3A = arith.constant 0 : i32
      %dma_wait3A_13 = tpu.memref_slice %arg6[%arg0, %mul3A_2, %dma_wait3A] : memref<2x10112x128xf32, #tpu.memory_space<hbm>> -> memref<1x632x128xf32, #tpu.memory_space<hbm>>
      %dma_wait3A_14 = tpu.memref_squeeze %dma_wait3A_13 : memref<1x632x128xf32, #tpu.memory_space<hbm>> -> memref<632x128xf32, #tpu.memory_space<hbm>>
      %dma_wait3A_15 = arith.constant 0 : i32
      %dma_wait3A_16 = tpu.memref_slice %arg10[%mul3A_2, %dma_wait3A_15] : memref<10112x128xf32, #tpu.memory_space<vmem_shared>> -> memref<632x128xf32, #tpu.memory_space<vmem_shared>>
      tpu.wait_dma2 semaphore(%run_scoped3A : memref<!tpu.dma_semaphore, #tpu.memory_space<semaphore_mem>>) src(%dma_wait3A_16 : memref<632x128xf32, #tpu.memory_space<vmem_shared>>) dst(%dma_wait3A_14 : memref<632x128xf32, #tpu.memory_space<hbm>>)
      tpu.yield
    }) : () -> ()
    return
  }
}

#map = affine_map<(d0, d1) -> (0, 0)>
#map1 = affine_map<(d0, d1) -> (0, 0, 0)>
module attributes {stable_mosaic.version = 14 : i64} {
  func.func @_agg_body(%arg0: i32, %arg1: i32, %arg2: memref<10000x128xf32, #tpu.memory_space<hbm>>, %arg3: memref<32x79x128xi32, #tpu.memory_space<hbm>>, %arg4: memref<32x79x128xi32, #tpu.memory_space<hbm>>, %arg5: memref<10112x128xf32, #tpu.memory_space<hbm>>, %arg6: memref<2x10112x128xf32, #tpu.memory_space<hbm>>, %arg7: memref<79x128xi32, #tpu.memory_space<vmem>>, %arg8: memref<79x128xi32, #tpu.memory_space<vmem>>, %arg9: memref<128x128xf32, #tpu.memory_space<vmem>>, %arg10: memref<10112x128xf32, #tpu.memory_space<vmem_shared>>, %arg11: memref<!tpu.dma_semaphore, #tpu.memory_space<semaphore_mem>>) attributes {dimension_semantics = [#tpu.dimension_semantics<core_parallel>, #tpu.dimension_semantics<subcore_parallel>], iteration_bounds = array<i64: 2, 16>, scalar_prefetch = 0 : i64, scratch_operands = 5 : i64, tpu.core_type = #tpu.core_type<sc_vector_subcore>, window_params = [{transform_indices = #map}, {transform_indices = #map1}, {transform_indices = #map1}, {transform_indices = #map}, {transform_indices = #map1}]} {
    %mul3A = arith.constant 16 : i32
    %mul3A_0 = arith.muli %arg0, %mul3A : i32
    %add3A = arith.addi %mul3A_0, %arg1 : i32
    %mul3A_1 = arith.constant 632 : i32
    %mul3A_2 = arith.muli %arg1, %mul3A_1 : i32
    "tpu.region"() ({
      %run_scoped3A = tpu.sem_alloc : memref<!tpu.dma_semaphore, #tpu.memory_space<semaphore_mem>>
      %dma_start3A = arith.constant 0 : i32
      %dma_start3A_9 = tpu.memref_slice %arg10[%mul3A_2, %dma_start3A] : memref<10112x128xf32, #tpu.memory_space<vmem_shared>> -> memref<632x128xf32, #tpu.memory_space<vmem_shared>>
      %dma_start3A_10 = arith.constant 0 : i32
      %dma_start3A_11 = tpu.memref_slice %arg5[%mul3A_2, %dma_start3A_10] : memref<10112x128xf32, #tpu.memory_space<hbm>> -> memref<632x128xf32, #tpu.memory_space<hbm>>
      tpu.enqueue_dma source(%dma_start3A_11 : memref<632x128xf32, #tpu.memory_space<hbm>>) target(%dma_start3A_9 : memref<632x128xf32, #tpu.memory_space<vmem_shared>>) target_semaphore(%run_scoped3A : memref<!tpu.dma_semaphore, #tpu.memory_space<semaphore_mem>>)
      %dma_wait3A = arith.constant 0 : i32
      %dma_wait3A_12 = tpu.memref_slice %arg10[%mul3A_2, %dma_wait3A] : memref<10112x128xf32, #tpu.memory_space<vmem_shared>> -> memref<632x128xf32, #tpu.memory_space<vmem_shared>>
      %dma_wait3A_13 = arith.constant 0 : i32
      %dma_wait3A_14 = tpu.memref_slice %arg5[%mul3A_2, %dma_wait3A_13] : memref<10112x128xf32, #tpu.memory_space<hbm>> -> memref<632x128xf32, #tpu.memory_space<hbm>>
      tpu.wait_dma2 semaphore(%run_scoped3A : memref<!tpu.dma_semaphore, #tpu.memory_space<semaphore_mem>>) src(%dma_wait3A_14 : memref<632x128xf32, #tpu.memory_space<hbm>>) dst(%dma_wait3A_12 : memref<632x128xf32, #tpu.memory_space<vmem_shared>>)
      tpu.yield
    }) : () -> ()
    "tpu.region"() ({
      %run_scoped3A = tpu.sem_alloc : memref<!tpu.dma_semaphore, #tpu.memory_space<semaphore_mem>>
      %dma_start3A = arith.constant 0 : i32
      %dma_start3A_9 = arith.constant 0 : i32
      %dma_start3A_10 = tpu.memref_slice %arg3[%add3A, %dma_start3A, %dma_start3A_9] : memref<32x79x128xi32, #tpu.memory_space<hbm>> -> memref<1x79x128xi32, #tpu.memory_space<hbm>>
      %dma_start3A_11 = tpu.memref_squeeze %dma_start3A_10 : memref<1x79x128xi32, #tpu.memory_space<hbm>> -> memref<79x128xi32, #tpu.memory_space<hbm>>
      %dma_start3A_12 = arith.constant 0 : i32
      %dma_start3A_13 = arith.constant 0 : i32
      %dma_start3A_14 = tpu.memref_slice %arg3[%add3A, %dma_start3A_12, %dma_start3A_13] : memref<32x79x128xi32, #tpu.memory_space<hbm>> -> memref<1x79x128xi32, #tpu.memory_space<hbm>>
      %dma_start3A_15 = tpu.memref_squeeze %dma_start3A_14 : memref<1x79x128xi32, #tpu.memory_space<hbm>> -> memref<79x128xi32, #tpu.memory_space<hbm>>
      tpu.enqueue_dma source(%dma_start3A_15 : memref<79x128xi32, #tpu.memory_space<hbm>>) target(%arg7 : memref<79x128xi32, #tpu.memory_space<vmem>>) target_semaphore(%run_scoped3A : memref<!tpu.dma_semaphore, #tpu.memory_space<semaphore_mem>>)
      %dma_wait3A = arith.constant 0 : i32
      %dma_wait3A_16 = arith.constant 0 : i32
      %dma_wait3A_17 = tpu.memref_slice %arg3[%add3A, %dma_wait3A, %dma_wait3A_16] : memref<32x79x128xi32, #tpu.memory_space<hbm>> -> memref<1x79x128xi32, #tpu.memory_space<hbm>>
      %dma_wait3A_18 = tpu.memref_squeeze %dma_wait3A_17 : memref<1x79x128xi32, #tpu.memory_space<hbm>> -> memref<79x128xi32, #tpu.memory_space<hbm>>
      %dma_wait3A_19 = arith.constant 0 : i32
      %dma_wait3A_20 = arith.constant 0 : i32
      %dma_wait3A_21 = tpu.memref_slice %arg3[%add3A, %dma_wait3A_19, %dma_wait3A_20] : memref<32x79x128xi32, #tpu.memory_space<hbm>> -> memref<1x79x128xi32, #tpu.memory_space<hbm>>
      %dma_wait3A_22 = tpu.memref_squeeze %dma_wait3A_21 : memref<1x79x128xi32, #tpu.memory_space<hbm>> -> memref<79x128xi32, #tpu.memory_space<hbm>>
      tpu.wait_dma2 semaphore(%run_scoped3A : memref<!tpu.dma_semaphore, #tpu.memory_space<semaphore_mem>>) src(%dma_wait3A_22 : memref<79x128xi32, #tpu.memory_space<hbm>>) dst(%arg7 : memref<79x128xi32, #tpu.memory_space<vmem>>)
      tpu.yield
    }) : () -> ()
    "tpu.region"() ({
      %run_scoped3A = tpu.sem_alloc : memref<!tpu.dma_semaphore, #tpu.memory_space<semaphore_mem>>
      %dma_start3A = arith.constant 0 : i32
      %dma_start3A_9 = arith.constant 0 : i32
      %dma_start3A_10 = tpu.memref_slice %arg4[%add3A, %dma_start3A, %dma_start3A_9] : memref<32x79x128xi32, #tpu.memory_space<hbm>> -> memref<1x79x128xi32, #tpu.memory_space<hbm>>
      %dma_start3A_11 = tpu.memref_squeeze %dma_start3A_10 : memref<1x79x128xi32, #tpu.memory_space<hbm>> -> memref<79x128xi32, #tpu.memory_space<hbm>>
      %dma_start3A_12 = arith.constant 0 : i32
      %dma_start3A_13 = arith.constant 0 : i32
      %dma_start3A_14 = tpu.memref_slice %arg4[%add3A, %dma_start3A_12, %dma_start3A_13] : memref<32x79x128xi32, #tpu.memory_space<hbm>> -> memref<1x79x128xi32, #tpu.memory_space<hbm>>
      %dma_start3A_15 = tpu.memref_squeeze %dma_start3A_14 : memref<1x79x128xi32, #tpu.memory_space<hbm>> -> memref<79x128xi32, #tpu.memory_space<hbm>>
      tpu.enqueue_dma source(%dma_start3A_15 : memref<79x128xi32, #tpu.memory_space<hbm>>) target(%arg8 : memref<79x128xi32, #tpu.memory_space<vmem>>) target_semaphore(%run_scoped3A : memref<!tpu.dma_semaphore, #tpu.memory_space<semaphore_mem>>)
      %dma_wait3A = arith.constant 0 : i32
      %dma_wait3A_16 = arith.constant 0 : i32
      %dma_wait3A_17 = tpu.memref_slice %arg4[%add3A, %dma_wait3A, %dma_wait3A_16] : memref<32x79x128xi32, #tpu.memory_space<hbm>> -> memref<1x79x128xi32, #tpu.memory_space<hbm>>
      %dma_wait3A_18 = tpu.memref_squeeze %dma_wait3A_17 : memref<1x79x128xi32, #tpu.memory_space<hbm>> -> memref<79x128xi32, #tpu.memory_space<hbm>>
      %dma_wait3A_19 = arith.constant 0 : i32
      %dma_wait3A_20 = arith.constant 0 : i32
      %dma_wait3A_21 = tpu.memref_slice %arg4[%add3A, %dma_wait3A_19, %dma_wait3A_20] : memref<32x79x128xi32, #tpu.memory_space<hbm>> -> memref<1x79x128xi32, #tpu.memory_space<hbm>>
      %dma_wait3A_22 = tpu.memref_squeeze %dma_wait3A_21 : memref<1x79x128xi32, #tpu.memory_space<hbm>> -> memref<79x128xi32, #tpu.memory_space<hbm>>
      tpu.wait_dma2 semaphore(%run_scoped3A : memref<!tpu.dma_semaphore, #tpu.memory_space<semaphore_mem>>) src(%dma_wait3A_22 : memref<79x128xi32, #tpu.memory_space<hbm>>) dst(%arg8 : memref<79x128xi32, #tpu.memory_space<vmem>>)
      tpu.yield
    }) : () -> ()
    %barrier3A = arith.constant 0 : index
    tpu.barrier barrier_id(%barrier3A)
    %scan3A = arith.constant 0 : i32
    %scan3A_3 = arith.constant 0 : i32
    %scan3A_4 = arith.constant 79 : i32
    %scan3A_5 = arith.addi %scan3A_3, %scan3A_4 : i32
    %scan3A_6 = arith.constant 1 : i32
    scf.for %scan3A_9 = %scan3A_3 to %scan3A_5 step %scan3A_6  : i32 {
      %dma_start3A = arith.constant 0 : i32
      %dma_start3A_10 = tpu.memref_slice %arg7[%scan3A_9, %dma_start3A] : memref<79x128xi32, #tpu.memory_space<vmem>> -> memref<1x128xi32, #tpu.memory_space<vmem>>
      %dma_start3A_11 = tpu.memref_squeeze %dma_start3A_10 : memref<1x128xi32, #tpu.memory_space<vmem>> -> memref<128xi32, #tpu.memory_space<vmem>>
      %dma_start3A_12 = arith.constant 0 : i32
      %dma_start3A_13 = arith.constant 0 : i32
      %dma_start3A_14 = tpu.memref_slice %arg2[%dma_start3A_12, %dma_start3A_13] : memref<10000x128xf32, #tpu.memory_space<hbm>> -> memref<10000x128xf32, #tpu.memory_space<hbm>>
      tpu.enqueue_indirect_dma source(%dma_start3A_14 : memref<10000x128xf32, #tpu.memory_space<hbm>>) target(%arg9 : memref<128x128xf32, #tpu.memory_space<vmem>>) offsets(%dma_start3A_11 : memref<128xi32, #tpu.memory_space<vmem>>) semaphore(%arg11 : memref<!tpu.dma_semaphore, #tpu.memory_space<semaphore_mem>>)
      %dma_wait3A = arith.constant 0 : i32
      %dma_wait3A_15 = tpu.memref_slice %arg7[%scan3A_9, %dma_wait3A] : memref<79x128xi32, #tpu.memory_space<vmem>> -> memref<1x128xi32, #tpu.memory_space<vmem>>
      %dma_wait3A_16 = tpu.memref_squeeze %dma_wait3A_15 : memref<1x128xi32, #tpu.memory_space<vmem>> -> memref<128xi32, #tpu.memory_space<vmem>>
      %dma_wait3A_17 = arith.constant 0 : i32
      %dma_wait3A_18 = arith.constant 0 : i32
      %dma_wait3A_19 = tpu.memref_slice %arg2[%dma_wait3A_17, %dma_wait3A_18] : memref<10000x128xf32, #tpu.memory_space<hbm>> -> memref<10000x128xf32, #tpu.memory_space<hbm>>
      tpu.wait_indirect_dma semaphore(%arg11 : memref<!tpu.dma_semaphore, #tpu.memory_space<semaphore_mem>>) src(%dma_wait3A_19 : memref<10000x128xf32, #tpu.memory_space<hbm>>) dst(%arg9 : memref<128x128xf32, #tpu.memory_space<vmem>>)
      "tpu.region"() ({
        %run_scoped3A = tpu.sem_alloc : memref<!tpu.dma_semaphore, #tpu.memory_space<semaphore_mem>>
        %dma_start3A_20 = arith.constant 0 : i32
        %dma_start3A_21 = tpu.memref_slice %arg8[%scan3A_9, %dma_start3A_20] : memref<79x128xi32, #tpu.memory_space<vmem>> -> memref<1x128xi32, #tpu.memory_space<vmem>>
        %dma_start3A_22 = tpu.memref_squeeze %dma_start3A_21 : memref<1x128xi32, #tpu.memory_space<vmem>> -> memref<128xi32, #tpu.memory_space<vmem>>
        %dma_start3A_23 = arith.constant 0 : i32
        %dma_start3A_24 = arith.constant 0 : i32
        %dma_start3A_25 = tpu.memref_slice %arg10[%dma_start3A_23, %dma_start3A_24] : memref<10112x128xf32, #tpu.memory_space<vmem_shared>> -> memref<10112x128xf32, #tpu.memory_space<vmem_shared>>
        tpu.enqueue_indirect_dma source(%arg9 : memref<128x128xf32, #tpu.memory_space<vmem>>) target(%dma_start3A_25 : memref<10112x128xf32, #tpu.memory_space<vmem_shared>>) offsets(%dma_start3A_22 : memref<128xi32, #tpu.memory_space<vmem>>) semaphore(%run_scoped3A : memref<!tpu.dma_semaphore, #tpu.memory_space<semaphore_mem>>) {add = true}
        %dma_wait3A_26 = arith.constant 0 : i32
        %dma_wait3A_27 = tpu.memref_slice %arg8[%scan3A_9, %dma_wait3A_26] : memref<79x128xi32, #tpu.memory_space<vmem>> -> memref<1x128xi32, #tpu.memory_space<vmem>>
        %dma_wait3A_28 = tpu.memref_squeeze %dma_wait3A_27 : memref<1x128xi32, #tpu.memory_space<vmem>> -> memref<128xi32, #tpu.memory_space<vmem>>
        %dma_wait3A_29 = arith.constant 0 : i32
        %dma_wait3A_30 = arith.constant 0 : i32
        %dma_wait3A_31 = tpu.memref_slice %arg10[%dma_wait3A_29, %dma_wait3A_30] : memref<10112x128xf32, #tpu.memory_space<vmem_shared>> -> memref<10112x128xf32, #tpu.memory_space<vmem_shared>>
        tpu.wait_indirect_dma semaphore(%run_scoped3A : memref<!tpu.dma_semaphore, #tpu.memory_space<semaphore_mem>>) src(%arg9 : memref<128x128xf32, #tpu.memory_space<vmem>>) dst(%dma_wait3A_31 : memref<10112x128xf32, #tpu.memory_space<vmem_shared>>)
        tpu.yield
      }) : () -> ()
    }
    %scan3A_7 = arith.constant 79 : i32
    %barrier3A_8 = arith.constant 0 : index
    tpu.barrier barrier_id(%barrier3A_8)
    "tpu.region"() ({
      %run_scoped3A = tpu.sem_alloc : memref<!tpu.dma_semaphore, #tpu.memory_space<semaphore_mem>>
      %dma_start3A = arith.constant 0 : i32
      %dma_start3A_9 = tpu.memref_slice %arg6[%arg0, %mul3A_2, %dma_start3A] : memref<2x10112x128xf32, #tpu.memory_space<hbm>> -> memref<1x632x128xf32, #tpu.memory_space<hbm>>
      %dma_start3A_10 = tpu.memref_squeeze %dma_start3A_9 : memref<1x632x128xf32, #tpu.memory_space<hbm>> -> memref<632x128xf32, #tpu.memory_space<hbm>>
      %dma_start3A_11 = arith.constant 0 : i32
      %dma_start3A_12 = tpu.memref_slice %arg10[%mul3A_2, %dma_start3A_11] : memref<10112x128xf32, #tpu.memory_space<vmem_shared>> -> memref<632x128xf32, #tpu.memory_space<vmem_shared>>
      tpu.enqueue_dma source(%dma_start3A_12 : memref<632x128xf32, #tpu.memory_space<vmem_shared>>) target(%dma_start3A_10 : memref<632x128xf32, #tpu.memory_space<hbm>>) target_semaphore(%run_scoped3A : memref<!tpu.dma_semaphore, #tpu.memory_space<semaphore_mem>>)
      %dma_wait3A = arith.constant 0 : i32
      %dma_wait3A_13 = tpu.memref_slice %arg6[%arg0, %mul3A_2, %dma_wait3A] : memref<2x10112x128xf32, #tpu.memory_space<hbm>> -> memref<1x632x128xf32, #tpu.memory_space<hbm>>
      %dma_wait3A_14 = tpu.memref_squeeze %dma_wait3A_13 : memref<1x632x128xf32, #tpu.memory_space<hbm>> -> memref<632x128xf32, #tpu.memory_space<hbm>>
      %dma_wait3A_15 = arith.constant 0 : i32
      %dma_wait3A_16 = tpu.memref_slice %arg10[%mul3A_2, %dma_wait3A_15] : memref<10112x128xf32, #tpu.memory_space<vmem_shared>> -> memref<632x128xf32, #tpu.memory_space<vmem_shared>>
      tpu.wait_dma2 semaphore(%run_scoped3A : memref<!tpu.dma_semaphore, #tpu.memory_space<semaphore_mem>>) src(%dma_wait3A_16 : memref<632x128xf32, #tpu.memory_space<vmem_shared>>) dst(%dma_wait3A_14 : memref<632x128xf32, #tpu.memory_space<hbm>>)
      tpu.yield
    }) : () -> ()
    return
  }
}

#map = affine_map<(d0, d1) -> (0, 0)>
#map1 = affine_map<(d0, d1) -> (0, 0, 0)>
module attributes {stable_mosaic.version = 14 : i64} {
  func.func @_agg_body(%arg0: i32, %arg1: i32, %arg2: memref<10000x128xf32, #tpu.memory_space<hbm>>, %arg3: memref<32x79x128xi32, #tpu.memory_space<hbm>>, %arg4: memref<32x79x128xi32, #tpu.memory_space<hbm>>, %arg5: memref<10112x128xf32, #tpu.memory_space<hbm>>, %arg6: memref<2x10112x128xf32, #tpu.memory_space<hbm>>, %arg7: memref<79x128xi32, #tpu.memory_space<vmem>>, %arg8: memref<79x128xi32, #tpu.memory_space<vmem>>, %arg9: memref<128x128xf32, #tpu.memory_space<vmem>>, %arg10: memref<10112x128xf32, #tpu.memory_space<vmem_shared>>, %arg11: memref<!tpu.dma_semaphore, #tpu.memory_space<semaphore_mem>>) attributes {dimension_semantics = [#tpu.dimension_semantics<core_parallel>, #tpu.dimension_semantics<subcore_parallel>], iteration_bounds = array<i64: 2, 16>, scalar_prefetch = 0 : i64, scratch_operands = 5 : i64, tpu.core_type = #tpu.core_type<sc_vector_subcore>, window_params = [{transform_indices = #map}, {transform_indices = #map1}, {transform_indices = #map1}, {transform_indices = #map}, {transform_indices = #map1}]} {
    %mul3A = arith.constant 16 : i32
    %mul3A_0 = arith.muli %arg0, %mul3A : i32
    %add3A = arith.addi %mul3A_0, %arg1 : i32
    %mul3A_1 = arith.constant 632 : i32
    %mul3A_2 = arith.muli %arg1, %mul3A_1 : i32
    "tpu.region"() ({
      %run_scoped3A = tpu.sem_alloc : memref<!tpu.dma_semaphore, #tpu.memory_space<semaphore_mem>>
      %dma_start3A = arith.constant 0 : i32
      %dma_start3A_9 = tpu.memref_slice %arg10[%mul3A_2, %dma_start3A] : memref<10112x128xf32, #tpu.memory_space<vmem_shared>> -> memref<632x128xf32, #tpu.memory_space<vmem_shared>>
      %dma_start3A_10 = arith.constant 0 : i32
      %dma_start3A_11 = tpu.memref_slice %arg5[%mul3A_2, %dma_start3A_10] : memref<10112x128xf32, #tpu.memory_space<hbm>> -> memref<632x128xf32, #tpu.memory_space<hbm>>
      tpu.enqueue_dma source(%dma_start3A_11 : memref<632x128xf32, #tpu.memory_space<hbm>>) target(%dma_start3A_9 : memref<632x128xf32, #tpu.memory_space<vmem_shared>>) target_semaphore(%run_scoped3A : memref<!tpu.dma_semaphore, #tpu.memory_space<semaphore_mem>>)
      %dma_wait3A = arith.constant 0 : i32
      %dma_wait3A_12 = tpu.memref_slice %arg10[%mul3A_2, %dma_wait3A] : memref<10112x128xf32, #tpu.memory_space<vmem_shared>> -> memref<632x128xf32, #tpu.memory_space<vmem_shared>>
      %dma_wait3A_13 = arith.constant 0 : i32
      %dma_wait3A_14 = tpu.memref_slice %arg5[%mul3A_2, %dma_wait3A_13] : memref<10112x128xf32, #tpu.memory_space<hbm>> -> memref<632x128xf32, #tpu.memory_space<hbm>>
      tpu.wait_dma2 semaphore(%run_scoped3A : memref<!tpu.dma_semaphore, #tpu.memory_space<semaphore_mem>>) src(%dma_wait3A_14 : memref<632x128xf32, #tpu.memory_space<hbm>>) dst(%dma_wait3A_12 : memref<632x128xf32, #tpu.memory_space<vmem_shared>>)
      tpu.yield
    }) : () -> ()
    "tpu.region"() ({
      %run_scoped3A = tpu.sem_alloc : memref<!tpu.dma_semaphore, #tpu.memory_space<semaphore_mem>>
      %dma_start3A = arith.constant 0 : i32
      %dma_start3A_9 = arith.constant 0 : i32
      %dma_start3A_10 = tpu.memref_slice %arg3[%add3A, %dma_start3A, %dma_start3A_9] : memref<32x79x128xi32, #tpu.memory_space<hbm>> -> memref<1x79x128xi32, #tpu.memory_space<hbm>>
      %dma_start3A_11 = tpu.memref_squeeze %dma_start3A_10 : memref<1x79x128xi32, #tpu.memory_space<hbm>> -> memref<79x128xi32, #tpu.memory_space<hbm>>
      %dma_start3A_12 = arith.constant 0 : i32
      %dma_start3A_13 = arith.constant 0 : i32
      %dma_start3A_14 = tpu.memref_slice %arg3[%add3A, %dma_start3A_12, %dma_start3A_13] : memref<32x79x128xi32, #tpu.memory_space<hbm>> -> memref<1x79x128xi32, #tpu.memory_space<hbm>>
      %dma_start3A_15 = tpu.memref_squeeze %dma_start3A_14 : memref<1x79x128xi32, #tpu.memory_space<hbm>> -> memref<79x128xi32, #tpu.memory_space<hbm>>
      tpu.enqueue_dma source(%dma_start3A_15 : memref<79x128xi32, #tpu.memory_space<hbm>>) target(%arg7 : memref<79x128xi32, #tpu.memory_space<vmem>>) target_semaphore(%run_scoped3A : memref<!tpu.dma_semaphore, #tpu.memory_space<semaphore_mem>>)
      %dma_wait3A = arith.constant 0 : i32
      %dma_wait3A_16 = arith.constant 0 : i32
      %dma_wait3A_17 = tpu.memref_slice %arg3[%add3A, %dma_wait3A, %dma_wait3A_16] : memref<32x79x128xi32, #tpu.memory_space<hbm>> -> memref<1x79x128xi32, #tpu.memory_space<hbm>>
      %dma_wait3A_18 = tpu.memref_squeeze %dma_wait3A_17 : memref<1x79x128xi32, #tpu.memory_space<hbm>> -> memref<79x128xi32, #tpu.memory_space<hbm>>
      %dma_wait3A_19 = arith.constant 0 : i32
      %dma_wait3A_20 = arith.constant 0 : i32
      %dma_wait3A_21 = tpu.memref_slice %arg3[%add3A, %dma_wait3A_19, %dma_wait3A_20] : memref<32x79x128xi32, #tpu.memory_space<hbm>> -> memref<1x79x128xi32, #tpu.memory_space<hbm>>
      %dma_wait3A_22 = tpu.memref_squeeze %dma_wait3A_21 : memref<1x79x128xi32, #tpu.memory_space<hbm>> -> memref<79x128xi32, #tpu.memory_space<hbm>>
      tpu.wait_dma2 semaphore(%run_scoped3A : memref<!tpu.dma_semaphore, #tpu.memory_space<semaphore_mem>>) src(%dma_wait3A_22 : memref<79x128xi32, #tpu.memory_space<hbm>>) dst(%arg7 : memref<79x128xi32, #tpu.memory_space<vmem>>)
      tpu.yield
    }) : () -> ()
    "tpu.region"() ({
      %run_scoped3A = tpu.sem_alloc : memref<!tpu.dma_semaphore, #tpu.memory_space<semaphore_mem>>
      %dma_start3A = arith.constant 0 : i32
      %dma_start3A_9 = arith.constant 0 : i32
      %dma_start3A_10 = tpu.memref_slice %arg4[%add3A, %dma_start3A, %dma_start3A_9] : memref<32x79x128xi32, #tpu.memory_space<hbm>> -> memref<1x79x128xi32, #tpu.memory_space<hbm>>
      %dma_start3A_11 = tpu.memref_squeeze %dma_start3A_10 : memref<1x79x128xi32, #tpu.memory_space<hbm>> -> memref<79x128xi32, #tpu.memory_space<hbm>>
      %dma_start3A_12 = arith.constant 0 : i32
      %dma_start3A_13 = arith.constant 0 : i32
      %dma_start3A_14 = tpu.memref_slice %arg4[%add3A, %dma_start3A_12, %dma_start3A_13] : memref<32x79x128xi32, #tpu.memory_space<hbm>> -> memref<1x79x128xi32, #tpu.memory_space<hbm>>
      %dma_start3A_15 = tpu.memref_squeeze %dma_start3A_14 : memref<1x79x128xi32, #tpu.memory_space<hbm>> -> memref<79x128xi32, #tpu.memory_space<hbm>>
      tpu.enqueue_dma source(%dma_start3A_15 : memref<79x128xi32, #tpu.memory_space<hbm>>) target(%arg8 : memref<79x128xi32, #tpu.memory_space<vmem>>) target_semaphore(%run_scoped3A : memref<!tpu.dma_semaphore, #tpu.memory_space<semaphore_mem>>)
      %dma_wait3A = arith.constant 0 : i32
      %dma_wait3A_16 = arith.constant 0 : i32
      %dma_wait3A_17 = tpu.memref_slice %arg4[%add3A, %dma_wait3A, %dma_wait3A_16] : memref<32x79x128xi32, #tpu.memory_space<hbm>> -> memref<1x79x128xi32, #tpu.memory_space<hbm>>
      %dma_wait3A_18 = tpu.memref_squeeze %dma_wait3A_17 : memref<1x79x128xi32, #tpu.memory_space<hbm>> -> memref<79x128xi32, #tpu.memory_space<hbm>>
      %dma_wait3A_19 = arith.constant 0 : i32
      %dma_wait3A_20 = arith.constant 0 : i32
      %dma_wait3A_21 = tpu.memref_slice %arg4[%add3A, %dma_wait3A_19, %dma_wait3A_20] : memref<32x79x128xi32, #tpu.memory_space<hbm>> -> memref<1x79x128xi32, #tpu.memory_space<hbm>>
      %dma_wait3A_22 = tpu.memref_squeeze %dma_wait3A_21 : memref<1x79x128xi32, #tpu.memory_space<hbm>> -> memref<79x128xi32, #tpu.memory_space<hbm>>
      tpu.wait_dma2 semaphore(%run_scoped3A : memref<!tpu.dma_semaphore, #tpu.memory_space<semaphore_mem>>) src(%dma_wait3A_22 : memref<79x128xi32, #tpu.memory_space<hbm>>) dst(%arg8 : memref<79x128xi32, #tpu.memory_space<vmem>>)
      tpu.yield
    }) : () -> ()
    %barrier3A = arith.constant 0 : index
    tpu.barrier barrier_id(%barrier3A)
    %scan3A = arith.constant 0 : i32
    %scan3A_3 = arith.constant 0 : i32
    %scan3A_4 = arith.constant 79 : i32
    %scan3A_5 = arith.addi %scan3A_3, %scan3A_4 : i32
    %scan3A_6 = arith.constant 1 : i32
    scf.for %scan3A_9 = %scan3A_3 to %scan3A_5 step %scan3A_6  : i32 {
      %dma_start3A = arith.constant 0 : i32
      %dma_start3A_10 = tpu.memref_slice %arg7[%scan3A_9, %dma_start3A] : memref<79x128xi32, #tpu.memory_space<vmem>> -> memref<1x128xi32, #tpu.memory_space<vmem>>
      %dma_start3A_11 = tpu.memref_squeeze %dma_start3A_10 : memref<1x128xi32, #tpu.memory_space<vmem>> -> memref<128xi32, #tpu.memory_space<vmem>>
      %dma_start3A_12 = arith.constant 0 : i32
      %dma_start3A_13 = arith.constant 0 : i32
      %dma_start3A_14 = tpu.memref_slice %arg2[%dma_start3A_12, %dma_start3A_13] : memref<10000x128xf32, #tpu.memory_space<hbm>> -> memref<10000x128xf32, #tpu.memory_space<hbm>>
      tpu.enqueue_indirect_dma source(%dma_start3A_14 : memref<10000x128xf32, #tpu.memory_space<hbm>>) target(%arg9 : memref<128x128xf32, #tpu.memory_space<vmem>>) offsets(%dma_start3A_11 : memref<128xi32, #tpu.memory_space<vmem>>) semaphore(%arg11 : memref<!tpu.dma_semaphore, #tpu.memory_space<semaphore_mem>>)
      %dma_wait3A = arith.constant 0 : i32
      %dma_wait3A_15 = tpu.memref_slice %arg7[%scan3A_9, %dma_wait3A] : memref<79x128xi32, #tpu.memory_space<vmem>> -> memref<1x128xi32, #tpu.memory_space<vmem>>
      %dma_wait3A_16 = tpu.memref_squeeze %dma_wait3A_15 : memref<1x128xi32, #tpu.memory_space<vmem>> -> memref<128xi32, #tpu.memory_space<vmem>>
      %dma_wait3A_17 = arith.constant 0 : i32
      %dma_wait3A_18 = arith.constant 0 : i32
      %dma_wait3A_19 = tpu.memref_slice %arg2[%dma_wait3A_17, %dma_wait3A_18] : memref<10000x128xf32, #tpu.memory_space<hbm>> -> memref<10000x128xf32, #tpu.memory_space<hbm>>
      tpu.wait_indirect_dma semaphore(%arg11 : memref<!tpu.dma_semaphore, #tpu.memory_space<semaphore_mem>>) src(%dma_wait3A_19 : memref<10000x128xf32, #tpu.memory_space<hbm>>) dst(%arg9 : memref<128x128xf32, #tpu.memory_space<vmem>>)
      "tpu.region"() ({
        %run_scoped3A = tpu.sem_alloc : memref<!tpu.dma_semaphore, #tpu.memory_space<semaphore_mem>>
        %dma_start3A_20 = arith.constant 0 : i32
        %dma_start3A_21 = tpu.memref_slice %arg8[%scan3A_9, %dma_start3A_20] : memref<79x128xi32, #tpu.memory_space<vmem>> -> memref<1x128xi32, #tpu.memory_space<vmem>>
        %dma_start3A_22 = tpu.memref_squeeze %dma_start3A_21 : memref<1x128xi32, #tpu.memory_space<vmem>> -> memref<128xi32, #tpu.memory_space<vmem>>
        %dma_start3A_23 = arith.constant 0 : i32
        %dma_start3A_24 = arith.constant 0 : i32
        %dma_start3A_25 = tpu.memref_slice %arg10[%dma_start3A_23, %dma_start3A_24] : memref<10112x128xf32, #tpu.memory_space<vmem_shared>> -> memref<10112x128xf32, #tpu.memory_space<vmem_shared>>
        tpu.enqueue_indirect_dma source(%arg9 : memref<128x128xf32, #tpu.memory_space<vmem>>) target(%dma_start3A_25 : memref<10112x128xf32, #tpu.memory_space<vmem_shared>>) offsets(%dma_start3A_22 : memref<128xi32, #tpu.memory_space<vmem>>) semaphore(%run_scoped3A : memref<!tpu.dma_semaphore, #tpu.memory_space<semaphore_mem>>) {add = true}
        %dma_wait3A_26 = arith.constant 0 : i32
        %dma_wait3A_27 = tpu.memref_slice %arg8[%scan3A_9, %dma_wait3A_26] : memref<79x128xi32, #tpu.memory_space<vmem>> -> memref<1x128xi32, #tpu.memory_space<vmem>>
        %dma_wait3A_28 = tpu.memref_squeeze %dma_wait3A_27 : memref<1x128xi32, #tpu.memory_space<vmem>> -> memref<128xi32, #tpu.memory_space<vmem>>
        %dma_wait3A_29 = arith.constant 0 : i32
        %dma_wait3A_30 = arith.constant 0 : i32
        %dma_wait3A_31 = tpu.memref_slice %arg10[%dma_wait3A_29, %dma_wait3A_30] : memref<10112x128xf32, #tpu.memory_space<vmem_shared>> -> memref<10112x128xf32, #tpu.memory_space<vmem_shared>>
        tpu.wait_indirect_dma semaphore(%run_scoped3A : memref<!tpu.dma_semaphore, #tpu.memory_space<semaphore_mem>>) src(%arg9 : memref<128x128xf32, #tpu.memory_space<vmem>>) dst(%dma_wait3A_31 : memref<10112x128xf32, #tpu.memory_space<vmem_shared>>)
        tpu.yield
      }) : () -> ()
    }
    %scan3A_7 = arith.constant 79 : i32
    %barrier3A_8 = arith.constant 0 : index
    tpu.barrier barrier_id(%barrier3A_8)
    "tpu.region"() ({
      %run_scoped3A = tpu.sem_alloc : memref<!tpu.dma_semaphore, #tpu.memory_space<semaphore_mem>>
      %dma_start3A = arith.constant 0 : i32
      %dma_start3A_9 = tpu.memref_slice %arg6[%arg0, %mul3A_2, %dma_start3A] : memref<2x10112x128xf32, #tpu.memory_space<hbm>> -> memref<1x632x128xf32, #tpu.memory_space<hbm>>
      %dma_start3A_10 = tpu.memref_squeeze %dma_start3A_9 : memref<1x632x128xf32, #tpu.memory_space<hbm>> -> memref<632x128xf32, #tpu.memory_space<hbm>>
      %dma_start3A_11 = arith.constant 0 : i32
      %dma_start3A_12 = tpu.memref_slice %arg10[%mul3A_2, %dma_start3A_11] : memref<10112x128xf32, #tpu.memory_space<vmem_shared>> -> memref<632x128xf32, #tpu.memory_space<vmem_shared>>
      tpu.enqueue_dma source(%dma_start3A_12 : memref<632x128xf32, #tpu.memory_space<vmem_shared>>) target(%dma_start3A_10 : memref<632x128xf32, #tpu.memory_space<hbm>>) target_semaphore(%run_scoped3A : memref<!tpu.dma_semaphore, #tpu.memory_space<semaphore_mem>>)
      %dma_wait3A = arith.constant 0 : i32
      %dma_wait3A_13 = tpu.memref_slice %arg6[%arg0, %mul3A_2, %dma_wait3A] : memref<2x10112x128xf32, #tpu.memory_space<hbm>> -> memref<1x632x128xf32, #tpu.memory_space<hbm>>
      %dma_wait3A_14 = tpu.memref_squeeze %dma_wait3A_13 : memref<1x632x128xf32, #tpu.memory_space<hbm>> -> memref<632x128xf32, #tpu.memory_space<hbm>>
      %dma_wait3A_15 = arith.constant 0 : i32
      %dma_wait3A_16 = tpu.memref_slice %arg10[%mul3A_2, %dma_wait3A_15] : memref<10112x128xf32, #tpu.memory_space<vmem_shared>> -> memref<632x128xf32, #tpu.memory_space<vmem_shared>>
      tpu.wait_dma2 semaphore(%run_scoped3A : memref<!tpu.dma_semaphore, #tpu.memory_space<semaphore_mem>>) src(%dma_wait3A_16 : memref<632x128xf32, #tpu.memory_space<vmem_shared>>) dst(%dma_wait3A_14 : memref<632x128xf32, #tpu.memory_space<hbm>>)
      tpu.yield
    }) : () -> ()
    return
  }
}

#map = affine_map<(d0, d1) -> (0, 0)>
#map1 = affine_map<(d0, d1) -> (0, 0, 0)>
module attributes {stable_mosaic.version = 14 : i64} {
  func.func @_agg_body(%arg0: i32, %arg1: i32, %arg2: memref<10000x128xf32, #tpu.memory_space<hbm>>, %arg3: memref<32x79x128xi32, #tpu.memory_space<hbm>>, %arg4: memref<32x79x128xi32, #tpu.memory_space<hbm>>, %arg5: memref<10112x128xf32, #tpu.memory_space<hbm>>, %arg6: memref<2x10112x128xf32, #tpu.memory_space<hbm>>, %arg7: memref<79x128xi32, #tpu.memory_space<vmem>>, %arg8: memref<79x128xi32, #tpu.memory_space<vmem>>, %arg9: memref<128x128xf32, #tpu.memory_space<vmem>>, %arg10: memref<10112x128xf32, #tpu.memory_space<vmem_shared>>, %arg11: memref<!tpu.dma_semaphore, #tpu.memory_space<semaphore_mem>>) attributes {dimension_semantics = [#tpu.dimension_semantics<core_parallel>, #tpu.dimension_semantics<subcore_parallel>], iteration_bounds = array<i64: 2, 16>, scalar_prefetch = 0 : i64, scratch_operands = 5 : i64, tpu.core_type = #tpu.core_type<sc_vector_subcore>, window_params = [{transform_indices = #map}, {transform_indices = #map1}, {transform_indices = #map1}, {transform_indices = #map}, {transform_indices = #map1}]} {
    %mul3A = arith.constant 16 : i32
    %mul3A_0 = arith.muli %arg0, %mul3A : i32
    %add3A = arith.addi %mul3A_0, %arg1 : i32
    %mul3A_1 = arith.constant 632 : i32
    %mul3A_2 = arith.muli %arg1, %mul3A_1 : i32
    "tpu.region"() ({
      %run_scoped3A = tpu.sem_alloc : memref<!tpu.dma_semaphore, #tpu.memory_space<semaphore_mem>>
      %dma_start3A = arith.constant 0 : i32
      %dma_start3A_9 = tpu.memref_slice %arg10[%mul3A_2, %dma_start3A] : memref<10112x128xf32, #tpu.memory_space<vmem_shared>> -> memref<632x128xf32, #tpu.memory_space<vmem_shared>>
      %dma_start3A_10 = arith.constant 0 : i32
      %dma_start3A_11 = tpu.memref_slice %arg5[%mul3A_2, %dma_start3A_10] : memref<10112x128xf32, #tpu.memory_space<hbm>> -> memref<632x128xf32, #tpu.memory_space<hbm>>
      tpu.enqueue_dma source(%dma_start3A_11 : memref<632x128xf32, #tpu.memory_space<hbm>>) target(%dma_start3A_9 : memref<632x128xf32, #tpu.memory_space<vmem_shared>>) target_semaphore(%run_scoped3A : memref<!tpu.dma_semaphore, #tpu.memory_space<semaphore_mem>>)
      %dma_wait3A = arith.constant 0 : i32
      %dma_wait3A_12 = tpu.memref_slice %arg10[%mul3A_2, %dma_wait3A] : memref<10112x128xf32, #tpu.memory_space<vmem_shared>> -> memref<632x128xf32, #tpu.memory_space<vmem_shared>>
      %dma_wait3A_13 = arith.constant 0 : i32
      %dma_wait3A_14 = tpu.memref_slice %arg5[%mul3A_2, %dma_wait3A_13] : memref<10112x128xf32, #tpu.memory_space<hbm>> -> memref<632x128xf32, #tpu.memory_space<hbm>>
      tpu.wait_dma2 semaphore(%run_scoped3A : memref<!tpu.dma_semaphore, #tpu.memory_space<semaphore_mem>>) src(%dma_wait3A_14 : memref<632x128xf32, #tpu.memory_space<hbm>>) dst(%dma_wait3A_12 : memref<632x128xf32, #tpu.memory_space<vmem_shared>>)
      tpu.yield
    }) : () -> ()
    "tpu.region"() ({
      %run_scoped3A = tpu.sem_alloc : memref<!tpu.dma_semaphore, #tpu.memory_space<semaphore_mem>>
      %dma_start3A = arith.constant 0 : i32
      %dma_start3A_9 = arith.constant 0 : i32
      %dma_start3A_10 = tpu.memref_slice %arg3[%add3A, %dma_start3A, %dma_start3A_9] : memref<32x79x128xi32, #tpu.memory_space<hbm>> -> memref<1x79x128xi32, #tpu.memory_space<hbm>>
      %dma_start3A_11 = tpu.memref_squeeze %dma_start3A_10 : memref<1x79x128xi32, #tpu.memory_space<hbm>> -> memref<79x128xi32, #tpu.memory_space<hbm>>
      %dma_start3A_12 = arith.constant 0 : i32
      %dma_start3A_13 = arith.constant 0 : i32
      %dma_start3A_14 = tpu.memref_slice %arg3[%add3A, %dma_start3A_12, %dma_start3A_13] : memref<32x79x128xi32, #tpu.memory_space<hbm>> -> memref<1x79x128xi32, #tpu.memory_space<hbm>>
      %dma_start3A_15 = tpu.memref_squeeze %dma_start3A_14 : memref<1x79x128xi32, #tpu.memory_space<hbm>> -> memref<79x128xi32, #tpu.memory_space<hbm>>
      tpu.enqueue_dma source(%dma_start3A_15 : memref<79x128xi32, #tpu.memory_space<hbm>>) target(%arg7 : memref<79x128xi32, #tpu.memory_space<vmem>>) target_semaphore(%run_scoped3A : memref<!tpu.dma_semaphore, #tpu.memory_space<semaphore_mem>>)
      %dma_wait3A = arith.constant 0 : i32
      %dma_wait3A_16 = arith.constant 0 : i32
      %dma_wait3A_17 = tpu.memref_slice %arg3[%add3A, %dma_wait3A, %dma_wait3A_16] : memref<32x79x128xi32, #tpu.memory_space<hbm>> -> memref<1x79x128xi32, #tpu.memory_space<hbm>>
      %dma_wait3A_18 = tpu.memref_squeeze %dma_wait3A_17 : memref<1x79x128xi32, #tpu.memory_space<hbm>> -> memref<79x128xi32, #tpu.memory_space<hbm>>
      %dma_wait3A_19 = arith.constant 0 : i32
      %dma_wait3A_20 = arith.constant 0 : i32
      %dma_wait3A_21 = tpu.memref_slice %arg3[%add3A, %dma_wait3A_19, %dma_wait3A_20] : memref<32x79x128xi32, #tpu.memory_space<hbm>> -> memref<1x79x128xi32, #tpu.memory_space<hbm>>
      %dma_wait3A_22 = tpu.memref_squeeze %dma_wait3A_21 : memref<1x79x128xi32, #tpu.memory_space<hbm>> -> memref<79x128xi32, #tpu.memory_space<hbm>>
      tpu.wait_dma2 semaphore(%run_scoped3A : memref<!tpu.dma_semaphore, #tpu.memory_space<semaphore_mem>>) src(%dma_wait3A_22 : memref<79x128xi32, #tpu.memory_space<hbm>>) dst(%arg7 : memref<79x128xi32, #tpu.memory_space<vmem>>)
      tpu.yield
    }) : () -> ()
    "tpu.region"() ({
      %run_scoped3A = tpu.sem_alloc : memref<!tpu.dma_semaphore, #tpu.memory_space<semaphore_mem>>
      %dma_start3A = arith.constant 0 : i32
      %dma_start3A_9 = arith.constant 0 : i32
      %dma_start3A_10 = tpu.memref_slice %arg4[%add3A, %dma_start3A, %dma_start3A_9] : memref<32x79x128xi32, #tpu.memory_space<hbm>> -> memref<1x79x128xi32, #tpu.memory_space<hbm>>
      %dma_start3A_11 = tpu.memref_squeeze %dma_start3A_10 : memref<1x79x128xi32, #tpu.memory_space<hbm>> -> memref<79x128xi32, #tpu.memory_space<hbm>>
      %dma_start3A_12 = arith.constant 0 : i32
      %dma_start3A_13 = arith.constant 0 : i32
      %dma_start3A_14 = tpu.memref_slice %arg4[%add3A, %dma_start3A_12, %dma_start3A_13] : memref<32x79x128xi32, #tpu.memory_space<hbm>> -> memref<1x79x128xi32, #tpu.memory_space<hbm>>
      %dma_start3A_15 = tpu.memref_squeeze %dma_start3A_14 : memref<1x79x128xi32, #tpu.memory_space<hbm>> -> memref<79x128xi32, #tpu.memory_space<hbm>>
      tpu.enqueue_dma source(%dma_start3A_15 : memref<79x128xi32, #tpu.memory_space<hbm>>) target(%arg8 : memref<79x128xi32, #tpu.memory_space<vmem>>) target_semaphore(%run_scoped3A : memref<!tpu.dma_semaphore, #tpu.memory_space<semaphore_mem>>)
      %dma_wait3A = arith.constant 0 : i32
      %dma_wait3A_16 = arith.constant 0 : i32
      %dma_wait3A_17 = tpu.memref_slice %arg4[%add3A, %dma_wait3A, %dma_wait3A_16] : memref<32x79x128xi32, #tpu.memory_space<hbm>> -> memref<1x79x128xi32, #tpu.memory_space<hbm>>
      %dma_wait3A_18 = tpu.memref_squeeze %dma_wait3A_17 : memref<1x79x128xi32, #tpu.memory_space<hbm>> -> memref<79x128xi32, #tpu.memory_space<hbm>>
      %dma_wait3A_19 = arith.constant 0 : i32
      %dma_wait3A_20 = arith.constant 0 : i32
      %dma_wait3A_21 = tpu.memref_slice %arg4[%add3A, %dma_wait3A_19, %dma_wait3A_20] : memref<32x79x128xi32, #tpu.memory_space<hbm>> -> memref<1x79x128xi32, #tpu.memory_space<hbm>>
      %dma_wait3A_22 = tpu.memref_squeeze %dma_wait3A_21 : memref<1x79x128xi32, #tpu.memory_space<hbm>> -> memref<79x128xi32, #tpu.memory_space<hbm>>
      tpu.wait_dma2 semaphore(%run_scoped3A : memref<!tpu.dma_semaphore, #tpu.memory_space<semaphore_mem>>) src(%dma_wait3A_22 : memref<79x128xi32, #tpu.memory_space<hbm>>) dst(%arg8 : memref<79x128xi32, #tpu.memory_space<vmem>>)
      tpu.yield
    }) : () -> ()
    %barrier3A = arith.constant 0 : index
    tpu.barrier barrier_id(%barrier3A)
    %scan3A = arith.constant 0 : i32
    %scan3A_3 = arith.constant 0 : i32
    %scan3A_4 = arith.constant 79 : i32
    %scan3A_5 = arith.addi %scan3A_3, %scan3A_4 : i32
    %scan3A_6 = arith.constant 1 : i32
    scf.for %scan3A_9 = %scan3A_3 to %scan3A_5 step %scan3A_6  : i32 {
      %dma_start3A = arith.constant 0 : i32
      %dma_start3A_10 = tpu.memref_slice %arg7[%scan3A_9, %dma_start3A] : memref<79x128xi32, #tpu.memory_space<vmem>> -> memref<1x128xi32, #tpu.memory_space<vmem>>
      %dma_start3A_11 = tpu.memref_squeeze %dma_start3A_10 : memref<1x128xi32, #tpu.memory_space<vmem>> -> memref<128xi32, #tpu.memory_space<vmem>>
      %dma_start3A_12 = arith.constant 0 : i32
      %dma_start3A_13 = arith.constant 0 : i32
      %dma_start3A_14 = tpu.memref_slice %arg2[%dma_start3A_12, %dma_start3A_13] : memref<10000x128xf32, #tpu.memory_space<hbm>> -> memref<10000x128xf32, #tpu.memory_space<hbm>>
      tpu.enqueue_indirect_dma source(%dma_start3A_14 : memref<10000x128xf32, #tpu.memory_space<hbm>>) target(%arg9 : memref<128x128xf32, #tpu.memory_space<vmem>>) offsets(%dma_start3A_11 : memref<128xi32, #tpu.memory_space<vmem>>) semaphore(%arg11 : memref<!tpu.dma_semaphore, #tpu.memory_space<semaphore_mem>>)
      %dma_wait3A = arith.constant 0 : i32
      %dma_wait3A_15 = tpu.memref_slice %arg7[%scan3A_9, %dma_wait3A] : memref<79x128xi32, #tpu.memory_space<vmem>> -> memref<1x128xi32, #tpu.memory_space<vmem>>
      %dma_wait3A_16 = tpu.memref_squeeze %dma_wait3A_15 : memref<1x128xi32, #tpu.memory_space<vmem>> -> memref<128xi32, #tpu.memory_space<vmem>>
      %dma_wait3A_17 = arith.constant 0 : i32
      %dma_wait3A_18 = arith.constant 0 : i32
      %dma_wait3A_19 = tpu.memref_slice %arg2[%dma_wait3A_17, %dma_wait3A_18] : memref<10000x128xf32, #tpu.memory_space<hbm>> -> memref<10000x128xf32, #tpu.memory_space<hbm>>
      tpu.wait_indirect_dma semaphore(%arg11 : memref<!tpu.dma_semaphore, #tpu.memory_space<semaphore_mem>>) src(%dma_wait3A_19 : memref<10000x128xf32, #tpu.memory_space<hbm>>) dst(%arg9 : memref<128x128xf32, #tpu.memory_space<vmem>>)
      "tpu.region"() ({
        %run_scoped3A = tpu.sem_alloc : memref<!tpu.dma_semaphore, #tpu.memory_space<semaphore_mem>>
        %dma_start3A_20 = arith.constant 0 : i32
        %dma_start3A_21 = tpu.memref_slice %arg8[%scan3A_9, %dma_start3A_20] : memref<79x128xi32, #tpu.memory_space<vmem>> -> memref<1x128xi32, #tpu.memory_space<vmem>>
        %dma_start3A_22 = tpu.memref_squeeze %dma_start3A_21 : memref<1x128xi32, #tpu.memory_space<vmem>> -> memref<128xi32, #tpu.memory_space<vmem>>
        %dma_start3A_23 = arith.constant 0 : i32
        %dma_start3A_24 = arith.constant 0 : i32
        %dma_start3A_25 = tpu.memref_slice %arg10[%dma_start3A_23, %dma_start3A_24] : memref<10112x128xf32, #tpu.memory_space<vmem_shared>> -> memref<10112x128xf32, #tpu.memory_space<vmem_shared>>
        tpu.enqueue_indirect_dma source(%arg9 : memref<128x128xf32, #tpu.memory_space<vmem>>) target(%dma_start3A_25 : memref<10112x128xf32, #tpu.memory_space<vmem_shared>>) offsets(%dma_start3A_22 : memref<128xi32, #tpu.memory_space<vmem>>) semaphore(%run_scoped3A : memref<!tpu.dma_semaphore, #tpu.memory_space<semaphore_mem>>) {add = true}
        %dma_wait3A_26 = arith.constant 0 : i32
        %dma_wait3A_27 = tpu.memref_slice %arg8[%scan3A_9, %dma_wait3A_26] : memref<79x128xi32, #tpu.memory_space<vmem>> -> memref<1x128xi32, #tpu.memory_space<vmem>>
        %dma_wait3A_28 = tpu.memref_squeeze %dma_wait3A_27 : memref<1x128xi32, #tpu.memory_space<vmem>> -> memref<128xi32, #tpu.memory_space<vmem>>
        %dma_wait3A_29 = arith.constant 0 : i32
        %dma_wait3A_30 = arith.constant 0 : i32
        %dma_wait3A_31 = tpu.memref_slice %arg10[%dma_wait3A_29, %dma_wait3A_30] : memref<10112x128xf32, #tpu.memory_space<vmem_shared>> -> memref<10112x128xf32, #tpu.memory_space<vmem_shared>>
        tpu.wait_indirect_dma semaphore(%run_scoped3A : memref<!tpu.dma_semaphore, #tpu.memory_space<semaphore_mem>>) src(%arg9 : memref<128x128xf32, #tpu.memory_space<vmem>>) dst(%dma_wait3A_31 : memref<10112x128xf32, #tpu.memory_space<vmem_shared>>)
        tpu.yield
      }) : () -> ()
    }
    %scan3A_7 = arith.constant 79 : i32
    %barrier3A_8 = arith.constant 0 : index
    tpu.barrier barrier_id(%barrier3A_8)
    "tpu.region"() ({
      %run_scoped3A = tpu.sem_alloc : memref<!tpu.dma_semaphore, #tpu.memory_space<semaphore_mem>>
      %dma_start3A = arith.constant 0 : i32
      %dma_start3A_9 = tpu.memref_slice %arg6[%arg0, %mul3A_2, %dma_start3A] : memref<2x10112x128xf32, #tpu.memory_space<hbm>> -> memref<1x632x128xf32, #tpu.memory_space<hbm>>
      %dma_start3A_10 = tpu.memref_squeeze %dma_start3A_9 : memref<1x632x128xf32, #tpu.memory_space<hbm>> -> memref<632x128xf32, #tpu.memory_space<hbm>>
      %dma_start3A_11 = arith.constant 0 : i32
      %dma_start3A_12 = tpu.memref_slice %arg10[%mul3A_2, %dma_start3A_11] : memref<10112x128xf32, #tpu.memory_space<vmem_shared>> -> memref<632x128xf32, #tpu.memory_space<vmem_shared>>
      tpu.enqueue_dma source(%dma_start3A_12 : memref<632x128xf32, #tpu.memory_space<vmem_shared>>) target(%dma_start3A_10 : memref<632x128xf32, #tpu.memory_space<hbm>>) target_semaphore(%run_scoped3A : memref<!tpu.dma_semaphore, #tpu.memory_space<semaphore_mem>>)
      %dma_wait3A = arith.constant 0 : i32
      %dma_wait3A_13 = tpu.memref_slice %arg6[%arg0, %mul3A_2, %dma_wait3A] : memref<2x10112x128xf32, #tpu.memory_space<hbm>> -> memref<1x632x128xf32, #tpu.memory_space<hbm>>
      %dma_wait3A_14 = tpu.memref_squeeze %dma_wait3A_13 : memref<1x632x128xf32, #tpu.memory_space<hbm>> -> memref<632x128xf32, #tpu.memory_space<hbm>>
      %dma_wait3A_15 = arith.constant 0 : i32
      %dma_wait3A_16 = tpu.memref_slice %arg10[%mul3A_2, %dma_wait3A_15] : memref<10112x128xf32, #tpu.memory_space<vmem_shared>> -> memref<632x128xf32, #tpu.memory_space<vmem_shared>>
      tpu.wait_dma2 semaphore(%run_scoped3A : memref<!tpu.dma_semaphore, #tpu.memory_space<semaphore_mem>>) src(%dma_wait3A_16 : memref<632x128xf32, #tpu.memory_space<vmem_shared>>) dst(%dma_wait3A_14 : memref<632x128xf32, #tpu.memory_space<hbm>>)
      tpu.yield
    }) : () -> ()
    return
  }
}

module attributes {stable_mosaic.version = 14 : i64} {
  func.func @_prep_body(%arg0: i32, %arg1: memref<1000x128xf32, #tpu.memory_space<vmem>>, %arg2: memref<128x128xf32, #tpu.memory_space<vmem>>, %arg3: memref<1x128xf32, #tpu.memory_space<vmem>>, %arg4: memref<128x128xf32, #tpu.memory_space<vmem>>, %arg5: memref<1000x128xf32, #tpu.memory_space<vmem>>, %arg6: memref<1000x128xf32, #tpu.memory_space<vmem>>) attributes {dimension_semantics = [#tpu.dimension_semantics<arbitrary>], iteration_bounds = array<i64: 10>, scalar_prefetch = 0 : i64, scratch_operands = 0 : i64, tpu.core_type = #tpu.core_type<tc>, window_params = [{transform_indices = @transform_0, window_bounds = array<i64: 1000, 128>}, {pipeline_mode = #tpu.pipeline_mode<synchronous>, transform_indices = @transform_1, window_bounds = array<i64: 128, 128>}, {pipeline_mode = #tpu.pipeline_mode<synchronous>, transform_indices = @transform_2, window_bounds = array<i64: 1, 128>}, {pipeline_mode = #tpu.pipeline_mode<synchronous>, transform_indices = @transform_3, window_bounds = array<i64: 128, 128>}, {transform_indices = @transform_4, window_bounds = array<i64: 1000, 128>}, {transform_indices = @transform_5, window_bounds = array<i64: 1000, 128>}]} {
    %get3A = arith.constant 0 : index
    %get3A_0 = arith.constant 0 : index
    %get3A_1 = vector.load %arg1[%get3A, %get3A_0] : memref<1000x128xf32, #tpu.memory_space<vmem>>, vector<1000x128xf32>
    %get3A_2 = arith.constant 0 : index
    %get3A_3 = arith.constant 0 : index
    %get3A_4 = vector.load %arg2[%get3A_2, %get3A_3] : memref<128x128xf32, #tpu.memory_space<vmem>>, vector<128x128xf32>
    %dot_general3A = arith.constant dense<0.000000e+00> : vector<1000x128xf32>
    %dot_general3A_5 = tpu.matmul %get3A_1, %get3A_4, %dot_general3A {dimension_numbers = #tpu.dot_dimension_numbers<[1], [0], [0], [1], [0, 0, 1, 1], [], []>, precision = #tpu.contract_precision<fp32>, transpose_lhs_hint = false} : vector<1000x128xf32>, vector<128x128xf32>, vector<1000x128xf32> -> vector<1000x128xf32>
    %get3A_6 = arith.constant 0 : index
    %get3A_7 = arith.constant 0 : index
    %get3A_8 = vector.load %arg3[%get3A_6, %get3A_7] : memref<1x128xf32, #tpu.memory_space<vmem>>, vector<1x128xf32>
    %add3A = vector.broadcast %get3A_8 : vector<1x128xf32> to vector<1000x128xf32>
    %add3A_9 = arith.addf %dot_general3A_5, %add3A : vector<1000x128xf32>
    %max3A = arith.constant 0.000000e+00 : f32
    %max3A_10 = vector.broadcast %max3A : f32 to vector<1000x128xf32>
    %max3A_11 = arith.maximumf %add3A_9, %max3A_10 : vector<1000x128xf32>
    %swap3A = arith.constant 0 : index
    %swap3A_12 = arith.constant 0 : index
    %swap3A_13 = vector.load %arg5[%swap3A, %swap3A_12] : memref<1000x128xf32, #tpu.memory_space<vmem>>, vector<1000x128xf32>
    tpu.vector_store %arg5[%swap3A, %swap3A_12], %max3A_11 {strides = array<i32>} : memref<1000x128xf32, #tpu.memory_space<vmem>>, vector<1000x128xf32>,
    %get3A_14 = arith.constant 0 : index
    %get3A_15 = arith.constant 0 : index
    %get3A_16 = vector.load %arg4[%get3A_14, %get3A_15] : memref<128x128xf32, #tpu.memory_space<vmem>>, vector<128x128xf32>
    %dot_general3A_17 = arith.constant dense<0.000000e+00> : vector<1000x128xf32>
    %dot_general3A_18 = tpu.matmul %max3A_11, %get3A_16, %dot_general3A_17 {dimension_numbers = #tpu.dot_dimension_numbers<[1], [0], [0], [1], [0, 0, 1, 1], [], []>, precision = #tpu.contract_precision<fp32>, transpose_lhs_hint = false} : vector<1000x128xf32>, vector<128x128xf32>, vector<1000x128xf32> -> vector<1000x128xf32>
    %swap3A_19 = arith.constant 0 : index
    %swap3A_20 = arith.constant 0 : index
    %swap3A_21 = vector.load %arg6[%swap3A_19, %swap3A_20] : memref<1000x128xf32, #tpu.memory_space<vmem>>, vector<1000x128xf32>
    tpu.vector_store %arg6[%swap3A_19, %swap3A_20], %dot_general3A_18 {strides = array<i32>} : memref<1000x128xf32, #tpu.memory_space<vmem>>, vector<1000x128xf32>,
    return
  }
  func.func @transform_0(%arg0: i32) -> (i32, i32) {
    %c0_i32 = arith.constant 0 : i32
    %c0_i32_0 = arith.constant 0 : i32
    return %arg0, %c0_i32 : i32, i32
  }
  func.func @transform_1(%arg0: i32) -> (i32, i32) {
    %c0_i32 = arith.constant 0 : i32
    %c0_i32_0 = arith.constant 0 : i32
    %c0_i32_1 = arith.constant 0 : i32
    return %c0_i32, %c0_i32_0 : i32, i32
  }
  func.func @transform_2(%arg0: i32) -> (i32, i32) {
    %c0_i32 = arith.constant 0 : i32
    %c0_i32_0 = arith.constant 0 : i32
    %c0_i32_1 = arith.constant 0 : i32
    return %c0_i32, %c0_i32_0 : i32, i32
  }
  func.func @transform_3(%arg0: i32) -> (i32, i32) {
    %c0_i32 = arith.constant 0 : i32
    %c0_i32_0 = arith.constant 0 : i32
    %c0_i32_1 = arith.constant 0 : i32
    return %c0_i32, %c0_i32_0 : i32, i32
  }
  func.func @transform_4(%arg0: i32) -> (i32, i32) {
    %c0_i32 = arith.constant 0 : i32
    %c0_i32_0 = arith.constant 0 : i32
    return %arg0, %c0_i32 : i32, i32
  }
  func.func @transform_5(%arg0: i32) -> (i32, i32) {
    %c0_i32 = arith.constant 0 : i32
    %c0_i32_0 = arith.constant 0 : i32
    return %arg0, %c0_i32 : i32, i32
  }
}

module attributes {stable_mosaic.version = 14 : i64} {
  func.func @_deg_body(%arg0: memref<32x10112xf32, #tpu.memory_space<vmem>>, %arg1: memref<32x10112xf32, #tpu.memory_space<vmem>>, %arg2: memref<10112xf32, #tpu.memory_space<vmem>>, %arg3: memref<10112xf32, #tpu.memory_space<vmem>>) attributes {dimension_semantics = [], scalar_prefetch = 0 : i64, scratch_operands = 0 : i64, tpu.core_type = #tpu.core_type<tc>} {
    %get3A = arith.constant 0 : index
    %get3A_0 = arith.constant 0 : index
    %get3A_1 = vector.load %arg0[%get3A, %get3A_0] : memref<32x10112xf32, #tpu.memory_space<vmem>>, vector<32x10112xf32>
    %reduce_sum3A = arith.constant dense<0.000000e+00> : vector<10112xf32>
    %reduce_sum3A_2 = vector.multi_reduction <add>, %get3A_1, %reduce_sum3A [0] : vector<32x10112xf32> to vector<10112xf32>
    %gt3A = arith.constant 0.000000e+00 : f32
    %gt3A_3 = vector.broadcast %gt3A : f32 to vector<10112xf32>
    %gt3A_4 = arith.cmpf ogt, %reduce_sum3A_2, %gt3A_3 : vector<10112xf32>
    %div3A = arith.constant 1.000000e+00 : f32
    %div3A_5 = vector.broadcast %div3A : f32 to vector<10112xf32>
    %div3A_6 = arith.divf %div3A_5, %reduce_sum3A_2 : vector<10112xf32>
    %jit3A = arith.constant 0.000000e+00 : f32
    %broadcast_in_dim3A = vector.broadcast %jit3A : f32 to vector<10112xf32>
    %select_n3A = arith.select %gt3A_4, %div3A_6, %broadcast_in_dim3A : vector<10112xi1>, vector<10112xf32>
    %swap3A = arith.constant 0 : index
    %swap3A_7 = vector.load %arg2[%swap3A] : memref<10112xf32, #tpu.memory_space<vmem>>, vector<10112xf32>
    tpu.vector_store %arg2[%swap3A], %select_n3A {strides = array<i32>} : memref<10112xf32, #tpu.memory_space<vmem>>, vector<10112xf32>,
    %get3A_8 = arith.constant 0 : index
    %get3A_9 = arith.constant 0 : index
    %get3A_10 = vector.load %arg1[%get3A_8, %get3A_9] : memref<32x10112xf32, #tpu.memory_space<vmem>>, vector<32x10112xf32>
    %reduce_sum3A_11 = arith.constant dense<0.000000e+00> : vector<10112xf32>
    %reduce_sum3A_12 = vector.multi_reduction <add>, %get3A_10, %reduce_sum3A_11 [0] : vector<32x10112xf32> to vector<10112xf32>
    %gt3A_13 = arith.constant 0.000000e+00 : f32
    %gt3A_14 = vector.broadcast %gt3A_13 : f32 to vector<10112xf32>
    %gt3A_15 = arith.cmpf ogt, %reduce_sum3A_12, %gt3A_14 : vector<10112xf32>
    %div3A_16 = arith.constant 1.000000e+00 : f32
    %div3A_17 = vector.broadcast %div3A_16 : f32 to vector<10112xf32>
    %div3A_18 = arith.divf %div3A_17, %reduce_sum3A_12 : vector<10112xf32>
    %jit3A_19 = arith.constant 0.000000e+00 : f32
    %broadcast_in_dim3A_20 = vector.broadcast %jit3A_19 : f32 to vector<10112xf32>
    %select_n3A_21 = arith.select %gt3A_15, %div3A_18, %broadcast_in_dim3A_20 : vector<10112xi1>, vector<10112xf32>
    %swap3A_22 = arith.constant 0 : index
    %swap3A_23 = vector.load %arg3[%swap3A_22] : memref<10112xf32, #tpu.memory_space<vmem>>, vector<10112xf32>
    tpu.vector_store %arg3[%swap3A_22], %select_n3A_21 {strides = array<i32>} : memref<10112xf32, #tpu.memory_space<vmem>>, vector<10112xf32>,
    return
  }
}

module attributes {stable_mosaic.version = 14 : i64} {
  func.func @_scale_body(%arg0: i32, %arg1: memref<2x1000x128xf32, #tpu.memory_space<vmem>>, %arg2: memref<1000x1xf32, #tpu.memory_space<vmem>>, %arg3: memref<1000x128xf32, #tpu.memory_space<vmem>>) attributes {dimension_semantics = [#tpu.dimension_semantics<arbitrary>], iteration_bounds = array<i64: 10>, scalar_prefetch = 0 : i64, scratch_operands = 0 : i64, tpu.core_type = #tpu.core_type<tc>, window_params = [{transform_indices = @transform_0, window_bounds = array<i64: 2, 1000, 128>}, {transform_indices = @transform_1, window_bounds = array<i64: 1000, 1>}, {transform_indices = @transform_2, window_bounds = array<i64: 1000, 128>}]} {
    %get3A = arith.constant 0 : index
    %get3A_0 = arith.constant 0 : index
    %get3A_1 = arith.constant 0 : index
    %get3A_2 = vector.load %arg1[%get3A, %get3A_0, %get3A_1] : memref<2x1000x128xf32, #tpu.memory_space<vmem>>, vector<1x1000x128xf32>
    %get3A_3 = vector.shape_cast %get3A_2 : vector<1x1000x128xf32> to vector<1000x128xf32>
    %get3A_4 = arith.constant 1 : index
    %get3A_5 = arith.constant 0 : index
    %get3A_6 = arith.constant 0 : index
    %get3A_7 = vector.load %arg1[%get3A_4, %get3A_5, %get3A_6] : memref<2x1000x128xf32, #tpu.memory_space<vmem>>, vector<1x1000x128xf32>
    %get3A_8 = vector.shape_cast %get3A_7 : vector<1x1000x128xf32> to vector<1000x128xf32>
    %add3A = arith.addf %get3A_3, %get3A_8 : vector<1000x128xf32>
    %get3A_9 = arith.constant 0 : index
    %get3A_10 = arith.constant 0 : index
    %get3A_11 = vector.load %arg2[%get3A_9, %get3A_10] : memref<1000x1xf32, #tpu.memory_space<vmem>>, vector<1000x1xf32>
    %mul3A = vector.broadcast %get3A_11 : vector<1000x1xf32> to vector<1000x128xf32>
    %mul3A_12 = arith.mulf %add3A, %mul3A : vector<1000x128xf32>
    %swap3A = arith.constant 0 : index
    %swap3A_13 = arith.constant 0 : index
    %swap3A_14 = vector.load %arg3[%swap3A, %swap3A_13] : memref<1000x128xf32, #tpu.memory_space<vmem>>, vector<1000x128xf32>
    tpu.vector_store %arg3[%swap3A, %swap3A_13], %mul3A_12 {strides = array<i32>} : memref<1000x128xf32, #tpu.memory_space<vmem>>, vector<1000x128xf32>,
    return
  }
  func.func @transform_0(%arg0: i32) -> (i32, i32, i32) {
    %c0_i32 = arith.constant 0 : i32
    %c0_i32_0 = arith.constant 0 : i32
    %c0_i32_1 = arith.constant 0 : i32
    return %c0_i32, %arg0, %c0_i32_0 : i32, i32, i32
  }
  func.func @transform_1(%arg0: i32) -> (i32, i32) {
    %c0_i32 = arith.constant 0 : i32
    %c0_i32_0 = arith.constant 0 : i32
    return %arg0, %c0_i32 : i32, i32
  }
  func.func @transform_2(%arg0: i32) -> (i32, i32) {
    %c0_i32 = arith.constant 0 : i32
    %c0_i32_0 = arith.constant 0 : i32
    return %arg0, %c0_i32 : i32, i32
  }
}

module attributes {stable_mosaic.version = 14 : i64} {
  func.func @_layer_body(%arg0: i32, %arg1: memref<2x1000x128xf32, #tpu.memory_space<vmem>>, %arg2: memref<1000x1xf32, #tpu.memory_space<vmem>>, %arg3: memref<1x128xf32, #tpu.memory_space<vmem>>, %arg4: memref<1x128xf32, #tpu.memory_space<vmem>>, %arg5: memref<1x128xf32, #tpu.memory_space<vmem>>, %arg6: memref<1000x128xf32, #tpu.memory_space<vmem>>, %arg7: memref<128x128xf32, #tpu.memory_space<vmem>>, %arg8: memref<1000x128xf32, #tpu.memory_space<vmem>>, %arg9: memref<1000x128xf32, #tpu.memory_space<vmem>>) attributes {dimension_semantics = [#tpu.dimension_semantics<arbitrary>], iteration_bounds = array<i64: 10>, scalar_prefetch = 0 : i64, scratch_operands = 0 : i64, tpu.core_type = #tpu.core_type<tc>, window_params = [{transform_indices = @transform_0, window_bounds = array<i64: 2, 1000, 128>}, {transform_indices = @transform_1, window_bounds = array<i64: 1000, 1>}, {pipeline_mode = #tpu.pipeline_mode<synchronous>, transform_indices = @transform_2, window_bounds = array<i64: 1, 128>}, {pipeline_mode = #tpu.pipeline_mode<synchronous>, transform_indices = @transform_3, window_bounds = array<i64: 1, 128>}, {pipeline_mode = #tpu.pipeline_mode<synchronous>, transform_indices = @transform_4, window_bounds = array<i64: 1, 128>}, {transform_indices = @transform_5, window_bounds = array<i64: 1000, 128>}, {pipeline_mode = #tpu.pipeline_mode<synchronous>, transform_indices = @transform_6, window_bounds = array<i64: 128, 128>}, {transform_indices = @transform_7, window_bounds = array<i64: 1000, 128>}, {transform_indices = @transform_8, window_bounds = array<i64: 1000, 128>}]} {
    %get3A = arith.constant 0 : index
    %get3A_0 = arith.constant 0 : index
    %get3A_1 = arith.constant 0 : index
    %get3A_2 = vector.load %arg1[%get3A, %get3A_0, %get3A_1] : memref<2x1000x128xf32, #tpu.memory_space<vmem>>, vector<1x1000x128xf32>
    %get3A_3 = vector.shape_cast %get3A_2 : vector<1x1000x128xf32> to vector<1000x128xf32>
    %get3A_4 = arith.constant 1 : index
    %get3A_5 = arith.constant 0 : index
    %get3A_6 = arith.constant 0 : index
    %get3A_7 = vector.load %arg1[%get3A_4, %get3A_5, %get3A_6] : memref<2x1000x128xf32, #tpu.memory_space<vmem>>, vector<1x1000x128xf32>
    %get3A_8 = vector.shape_cast %get3A_7 : vector<1x1000x128xf32> to vector<1000x128xf32>
    %add3A = arith.addf %get3A_3, %get3A_8 : vector<1000x128xf32>
    %get3A_9 = arith.constant 0 : index
    %get3A_10 = arith.constant 0 : index
    %get3A_11 = vector.load %arg2[%get3A_9, %get3A_10] : memref<1000x1xf32, #tpu.memory_space<vmem>>, vector<1000x1xf32>
    %mul3A = vector.broadcast %get3A_11 : vector<1000x1xf32> to vector<1000x128xf32>
    %mul3A_12 = arith.mulf %add3A, %mul3A : vector<1000x128xf32>
    %get3A_13 = arith.constant 0 : index
    %get3A_14 = arith.constant 0 : index
    %get3A_15 = vector.load %arg3[%get3A_13, %get3A_14] : memref<1x128xf32, #tpu.memory_space<vmem>>, vector<1x128xf32>
    %add3A_16 = vector.broadcast %get3A_15 : vector<1x128xf32> to vector<1000x128xf32>
    %add3A_17 = arith.addf %mul3A_12, %add3A_16 : vector<1000x128xf32>
    %reduce_sum3A = arith.constant dense<0.000000e+00> : vector<1000xf32>
    %reduce_sum3A_18 = vector.multi_reduction <add>, %add3A_17, %reduce_sum3A [1] : vector<1000x128xf32> to vector<1000xf32>
    %broadcast_in_dim3A = vector.shape_cast %reduce_sum3A_18 : vector<1000xf32> to vector<1000x1xf32>
    %div3A = arith.constant 1.280000e+02 : f32
    %div3A_19 = vector.broadcast %div3A : f32 to vector<1000x1xf32>
    %div3A_20 = arith.divf %broadcast_in_dim3A, %div3A_19 : vector<1000x1xf32>
    %sub3A = vector.broadcast %div3A_20 : vector<1000x1xf32> to vector<1000x128xf32>
    %sub3A_21 = arith.subf %add3A_17, %sub3A : vector<1000x128xf32>
    %mul3A_22 = arith.mulf %sub3A_21, %sub3A_21 : vector<1000x128xf32>
    %reduce_sum3A_23 = arith.constant dense<0.000000e+00> : vector<1000xf32>
    %reduce_sum3A_24 = vector.multi_reduction <add>, %mul3A_22, %reduce_sum3A_23 [1] : vector<1000x128xf32> to vector<1000xf32>
    %broadcast_in_dim3A_25 = vector.shape_cast %reduce_sum3A_24 : vector<1000xf32> to vector<1000x1xf32>
    %div3A_26 = arith.constant 1.280000e+02 : f32
    %div3A_27 = vector.broadcast %div3A_26 : f32 to vector<1000x1xf32>
    %div3A_28 = arith.divf %broadcast_in_dim3A_25, %div3A_27 : vector<1000x1xf32>
    %add3A_29 = arith.constant 9.99999974E-6 : f32
    %add3A_30 = vector.broadcast %add3A_29 : f32 to vector<1000x1xf32>
    %add3A_31 = arith.addf %div3A_28, %add3A_30 : vector<1000x1xf32>
    %rsqrt3A = math.rsqrt %add3A_31 : vector<1000x1xf32>
    %mul3A_32 = vector.broadcast %rsqrt3A : vector<1000x1xf32> to vector<1000x128xf32>
    %mul3A_33 = arith.mulf %sub3A_21, %mul3A_32 : vector<1000x128xf32>
    %get3A_34 = arith.constant 0 : index
    %get3A_35 = arith.constant 0 : index
    %get3A_36 = vector.load %arg4[%get3A_34, %get3A_35] : memref<1x128xf32, #tpu.memory_space<vmem>>, vector<1x128xf32>
    %mul3A_37 = vector.broadcast %get3A_36 : vector<1x128xf32> to vector<1000x128xf32>
    %mul3A_38 = arith.mulf %mul3A_33, %mul3A_37 : vector<1000x128xf32>
    %get3A_39 = arith.constant 0 : index
    %get3A_40 = arith.constant 0 : index
    %get3A_41 = vector.load %arg5[%get3A_39, %get3A_40] : memref<1x128xf32, #tpu.memory_space<vmem>>, vector<1x128xf32>
    %add3A_42 = vector.broadcast %get3A_41 : vector<1x128xf32> to vector<1000x128xf32>
    %add3A_43 = arith.addf %mul3A_38, %add3A_42 : vector<1000x128xf32>
    %max3A = arith.constant 0.000000e+00 : f32
    %max3A_44 = vector.broadcast %max3A : f32 to vector<1000x128xf32>
    %max3A_45 = arith.maximumf %add3A_43, %max3A_44 : vector<1000x128xf32>
    %swap3A = arith.constant 0 : index
    %swap3A_46 = arith.constant 0 : index
    %swap3A_47 = vector.load %arg8[%swap3A, %swap3A_46] : memref<1000x128xf32, #tpu.memory_space<vmem>>, vector<1000x128xf32>
    tpu.vector_store %arg8[%swap3A, %swap3A_46], %max3A_45 {strides = array<i32>} : memref<1000x128xf32, #tpu.memory_space<vmem>>, vector<1000x128xf32>,
    %get3A_48 = arith.constant 0 : index
    %get3A_49 = arith.constant 0 : index
    %get3A_50 = vector.load %arg7[%get3A_48, %get3A_49] : memref<128x128xf32, #tpu.memory_space<vmem>>, vector<128x128xf32>
    %dot_general3A = arith.constant dense<0.000000e+00> : vector<1000x128xf32>
    %dot_general3A_51 = tpu.matmul %max3A_45, %get3A_50, %dot_general3A {dimension_numbers = #tpu.dot_dimension_numbers<[1], [0], [0], [1], [0, 0, 1, 1], [], []>, precision = #tpu.contract_precision<fp32>, transpose_lhs_hint = false} : vector<1000x128xf32>, vector<128x128xf32>, vector<1000x128xf32> -> vector<1000x128xf32>
    %swap3A_52 = arith.constant 0 : index
    %swap3A_53 = arith.constant 0 : index
    %swap3A_54 = vector.load %arg9[%swap3A_52, %swap3A_53] : memref<1000x128xf32, #tpu.memory_space<vmem>>, vector<1000x128xf32>
    tpu.vector_store %arg9[%swap3A_52, %swap3A_53], %dot_general3A_51 {strides = array<i32>} : memref<1000x128xf32, #tpu.memory_space<vmem>>, vector<1000x128xf32>,
    return
  }
  func.func @transform_0(%arg0: i32) -> (i32, i32, i32) {
    %c0_i32 = arith.constant 0 : i32
    %c0_i32_0 = arith.constant 0 : i32
    %c0_i32_1 = arith.constant 0 : i32
    return %c0_i32, %arg0, %c0_i32_0 : i32, i32, i32
  }
  func.func @transform_1(%arg0: i32) -> (i32, i32) {
    %c0_i32 = arith.constant 0 : i32
    %c0_i32_0 = arith.constant 0 : i32
    return %arg0, %c0_i32 : i32, i32
  }
  func.func @transform_2(%arg0: i32) -> (i32, i32) {
    %c0_i32 = arith.constant 0 : i32
    %c0_i32_0 = arith.constant 0 : i32
    %c0_i32_1 = arith.constant 0 : i32
    return %c0_i32, %c0_i32_0 : i32, i32
  }
  func.func @transform_3(%arg0: i32) -> (i32, i32) {
    %c0_i32 = arith.constant 0 : i32
    %c0_i32_0 = arith.constant 0 : i32
    %c0_i32_1 = arith.constant 0 : i32
    return %c0_i32, %c0_i32_0 : i32, i32
  }
  func.func @transform_4(%arg0: i32) -> (i32, i32) {
    %c0_i32 = arith.constant 0 : i32
    %c0_i32_0 = arith.constant 0 : i32
    %c0_i32_1 = arith.constant 0 : i32
    return %c0_i32, %c0_i32_0 : i32, i32
  }
  func.func @transform_5(%arg0: i32) -> (i32, i32) {
    %c0_i32 = arith.constant 0 : i32
    %c0_i32_0 = arith.constant 0 : i32
    return %arg0, %c0_i32 : i32, i32
  }
  func.func @transform_6(%arg0: i32) -> (i32, i32) {
    %c0_i32 = arith.constant 0 : i32
    %c0_i32_0 = arith.constant 0 : i32
    %c0_i32_1 = arith.constant 0 : i32
    return %c0_i32, %c0_i32_0 : i32, i32
  }
  func.func @transform_7(%arg0: i32) -> (i32, i32) {
    %c0_i32 = arith.constant 0 : i32
    %c0_i32_0 = arith.constant 0 : i32
    return %arg0, %c0_i32 : i32, i32
  }
  func.func @transform_8(%arg0: i32) -> (i32, i32) {
    %c0_i32 = arith.constant 0 : i32
    %c0_i32_0 = arith.constant 0 : i32
    return %arg0, %c0_i32 : i32, i32
  }
}

module attributes {stable_mosaic.version = 14 : i64} {
  func.func @_layer_body(%arg0: i32, %arg1: memref<2x1000x128xf32, #tpu.memory_space<vmem>>, %arg2: memref<1000x1xf32, #tpu.memory_space<vmem>>, %arg3: memref<1x128xf32, #tpu.memory_space<vmem>>, %arg4: memref<1x128xf32, #tpu.memory_space<vmem>>, %arg5: memref<1x128xf32, #tpu.memory_space<vmem>>, %arg6: memref<1000x128xf32, #tpu.memory_space<vmem>>, %arg7: memref<128x128xf32, #tpu.memory_space<vmem>>, %arg8: memref<1000x128xf32, #tpu.memory_space<vmem>>, %arg9: memref<1000x128xf32, #tpu.memory_space<vmem>>) attributes {dimension_semantics = [#tpu.dimension_semantics<arbitrary>], iteration_bounds = array<i64: 10>, scalar_prefetch = 0 : i64, scratch_operands = 0 : i64, tpu.core_type = #tpu.core_type<tc>, window_params = [{transform_indices = @transform_0, window_bounds = array<i64: 2, 1000, 128>}, {transform_indices = @transform_1, window_bounds = array<i64: 1000, 1>}, {pipeline_mode = #tpu.pipeline_mode<synchronous>, transform_indices = @transform_2, window_bounds = array<i64: 1, 128>}, {pipeline_mode = #tpu.pipeline_mode<synchronous>, transform_indices = @transform_3, window_bounds = array<i64: 1, 128>}, {pipeline_mode = #tpu.pipeline_mode<synchronous>, transform_indices = @transform_4, window_bounds = array<i64: 1, 128>}, {transform_indices = @transform_5, window_bounds = array<i64: 1000, 128>}, {pipeline_mode = #tpu.pipeline_mode<synchronous>, transform_indices = @transform_6, window_bounds = array<i64: 128, 128>}, {transform_indices = @transform_7, window_bounds = array<i64: 1000, 128>}, {transform_indices = @transform_8, window_bounds = array<i64: 1000, 128>}]} {
    %get3A = arith.constant 0 : index
    %get3A_0 = arith.constant 0 : index
    %get3A_1 = arith.constant 0 : index
    %get3A_2 = vector.load %arg1[%get3A, %get3A_0, %get3A_1] : memref<2x1000x128xf32, #tpu.memory_space<vmem>>, vector<1x1000x128xf32>
    %get3A_3 = vector.shape_cast %get3A_2 : vector<1x1000x128xf32> to vector<1000x128xf32>
    %get3A_4 = arith.constant 1 : index
    %get3A_5 = arith.constant 0 : index
    %get3A_6 = arith.constant 0 : index
    %get3A_7 = vector.load %arg1[%get3A_4, %get3A_5, %get3A_6] : memref<2x1000x128xf32, #tpu.memory_space<vmem>>, vector<1x1000x128xf32>
    %get3A_8 = vector.shape_cast %get3A_7 : vector<1x1000x128xf32> to vector<1000x128xf32>
    %add3A = arith.addf %get3A_3, %get3A_8 : vector<1000x128xf32>
    %get3A_9 = arith.constant 0 : index
    %get3A_10 = arith.constant 0 : index
    %get3A_11 = vector.load %arg2[%get3A_9, %get3A_10] : memref<1000x1xf32, #tpu.memory_space<vmem>>, vector<1000x1xf32>
    %mul3A = vector.broadcast %get3A_11 : vector<1000x1xf32> to vector<1000x128xf32>
    %mul3A_12 = arith.mulf %add3A, %mul3A : vector<1000x128xf32>
    %get3A_13 = arith.constant 0 : index
    %get3A_14 = arith.constant 0 : index
    %get3A_15 = vector.load %arg3[%get3A_13, %get3A_14] : memref<1x128xf32, #tpu.memory_space<vmem>>, vector<1x128xf32>
    %add3A_16 = vector.broadcast %get3A_15 : vector<1x128xf32> to vector<1000x128xf32>
    %add3A_17 = arith.addf %mul3A_12, %add3A_16 : vector<1000x128xf32>
    %reduce_sum3A = arith.constant dense<0.000000e+00> : vector<1000xf32>
    %reduce_sum3A_18 = vector.multi_reduction <add>, %add3A_17, %reduce_sum3A [1] : vector<1000x128xf32> to vector<1000xf32>
    %broadcast_in_dim3A = vector.shape_cast %reduce_sum3A_18 : vector<1000xf32> to vector<1000x1xf32>
    %div3A = arith.constant 1.280000e+02 : f32
    %div3A_19 = vector.broadcast %div3A : f32 to vector<1000x1xf32>
    %div3A_20 = arith.divf %broadcast_in_dim3A, %div3A_19 : vector<1000x1xf32>
    %sub3A = vector.broadcast %div3A_20 : vector<1000x1xf32> to vector<1000x128xf32>
    %sub3A_21 = arith.subf %add3A_17, %sub3A : vector<1000x128xf32>
    %mul3A_22 = arith.mulf %sub3A_21, %sub3A_21 : vector<1000x128xf32>
    %reduce_sum3A_23 = arith.constant dense<0.000000e+00> : vector<1000xf32>
    %reduce_sum3A_24 = vector.multi_reduction <add>, %mul3A_22, %reduce_sum3A_23 [1] : vector<1000x128xf32> to vector<1000xf32>
    %broadcast_in_dim3A_25 = vector.shape_cast %reduce_sum3A_24 : vector<1000xf32> to vector<1000x1xf32>
    %div3A_26 = arith.constant 1.280000e+02 : f32
    %div3A_27 = vector.broadcast %div3A_26 : f32 to vector<1000x1xf32>
    %div3A_28 = arith.divf %broadcast_in_dim3A_25, %div3A_27 : vector<1000x1xf32>
    %add3A_29 = arith.constant 9.99999974E-6 : f32
    %add3A_30 = vector.broadcast %add3A_29 : f32 to vector<1000x1xf32>
    %add3A_31 = arith.addf %div3A_28, %add3A_30 : vector<1000x1xf32>
    %rsqrt3A = math.rsqrt %add3A_31 : vector<1000x1xf32>
    %mul3A_32 = vector.broadcast %rsqrt3A : vector<1000x1xf32> to vector<1000x128xf32>
    %mul3A_33 = arith.mulf %sub3A_21, %mul3A_32 : vector<1000x128xf32>
    %get3A_34 = arith.constant 0 : index
    %get3A_35 = arith.constant 0 : index
    %get3A_36 = vector.load %arg4[%get3A_34, %get3A_35] : memref<1x128xf32, #tpu.memory_space<vmem>>, vector<1x128xf32>
    %mul3A_37 = vector.broadcast %get3A_36 : vector<1x128xf32> to vector<1000x128xf32>
    %mul3A_38 = arith.mulf %mul3A_33, %mul3A_37 : vector<1000x128xf32>
    %get3A_39 = arith.constant 0 : index
    %get3A_40 = arith.constant 0 : index
    %get3A_41 = vector.load %arg5[%get3A_39, %get3A_40] : memref<1x128xf32, #tpu.memory_space<vmem>>, vector<1x128xf32>
    %add3A_42 = vector.broadcast %get3A_41 : vector<1x128xf32> to vector<1000x128xf32>
    %add3A_43 = arith.addf %mul3A_38, %add3A_42 : vector<1000x128xf32>
    %max3A = arith.constant 0.000000e+00 : f32
    %max3A_44 = vector.broadcast %max3A : f32 to vector<1000x128xf32>
    %max3A_45 = arith.maximumf %add3A_43, %max3A_44 : vector<1000x128xf32>
    %get3A_46 = arith.constant 0 : index
    %get3A_47 = arith.constant 0 : index
    %get3A_48 = vector.load %arg6[%get3A_46, %get3A_47] : memref<1000x128xf32, #tpu.memory_space<vmem>>, vector<1000x128xf32>
    %add3A_49 = arith.addf %max3A_45, %get3A_48 : vector<1000x128xf32>
    %swap3A = arith.constant 0 : index
    %swap3A_50 = arith.constant 0 : index
    %swap3A_51 = vector.load %arg8[%swap3A, %swap3A_50] : memref<1000x128xf32, #tpu.memory_space<vmem>>, vector<1000x128xf32>
    tpu.vector_store %arg8[%swap3A, %swap3A_50], %add3A_49 {strides = array<i32>} : memref<1000x128xf32, #tpu.memory_space<vmem>>, vector<1000x128xf32>,
    %get3A_52 = arith.constant 0 : index
    %get3A_53 = arith.constant 0 : index
    %get3A_54 = vector.load %arg7[%get3A_52, %get3A_53] : memref<128x128xf32, #tpu.memory_space<vmem>>, vector<128x128xf32>
    %dot_general3A = arith.constant dense<0.000000e+00> : vector<1000x128xf32>
    %dot_general3A_55 = tpu.matmul %add3A_49, %get3A_54, %dot_general3A {dimension_numbers = #tpu.dot_dimension_numbers<[1], [0], [0], [1], [0, 0, 1, 1], [], []>, precision = #tpu.contract_precision<fp32>, transpose_lhs_hint = false} : vector<1000x128xf32>, vector<128x128xf32>, vector<1000x128xf32> -> vector<1000x128xf32>
    %swap3A_56 = arith.constant 0 : index
    %swap3A_57 = arith.constant 0 : index
    %swap3A_58 = vector.load %arg9[%swap3A_56, %swap3A_57] : memref<1000x128xf32, #tpu.memory_space<vmem>>, vector<1000x128xf32>
    tpu.vector_store %arg9[%swap3A_56, %swap3A_57], %dot_general3A_55 {strides = array<i32>} : memref<1000x128xf32, #tpu.memory_space<vmem>>, vector<1000x128xf32>,
    return
  }
  func.func @transform_0(%arg0: i32) -> (i32, i32, i32) {
    %c0_i32 = arith.constant 0 : i32
    %c0_i32_0 = arith.constant 0 : i32
    %c0_i32_1 = arith.constant 0 : i32
    return %c0_i32, %arg0, %c0_i32_0 : i32, i32, i32
  }
  func.func @transform_1(%arg0: i32) -> (i32, i32) {
    %c0_i32 = arith.constant 0 : i32
    %c0_i32_0 = arith.constant 0 : i32
    return %arg0, %c0_i32 : i32, i32
  }
  func.func @transform_2(%arg0: i32) -> (i32, i32) {
    %c0_i32 = arith.constant 0 : i32
    %c0_i32_0 = arith.constant 0 : i32
    %c0_i32_1 = arith.constant 0 : i32
    return %c0_i32, %c0_i32_0 : i32, i32
  }
  func.func @transform_3(%arg0: i32) -> (i32, i32) {
    %c0_i32 = arith.constant 0 : i32
    %c0_i32_0 = arith.constant 0 : i32
    %c0_i32_1 = arith.constant 0 : i32
    return %c0_i32, %c0_i32_0 : i32, i32
  }
  func.func @transform_4(%arg0: i32) -> (i32, i32) {
    %c0_i32 = arith.constant 0 : i32
    %c0_i32_0 = arith.constant 0 : i32
    %c0_i32_1 = arith.constant 0 : i32
    return %c0_i32, %c0_i32_0 : i32, i32
  }
  func.func @transform_5(%arg0: i32) -> (i32, i32) {
    %c0_i32 = arith.constant 0 : i32
    %c0_i32_0 = arith.constant 0 : i32
    return %arg0, %c0_i32 : i32, i32
  }
  func.func @transform_6(%arg0: i32) -> (i32, i32) {
    %c0_i32 = arith.constant 0 : i32
    %c0_i32_0 = arith.constant 0 : i32
    %c0_i32_1 = arith.constant 0 : i32
    return %c0_i32, %c0_i32_0 : i32, i32
  }
  func.func @transform_7(%arg0: i32) -> (i32, i32) {
    %c0_i32 = arith.constant 0 : i32
    %c0_i32_0 = arith.constant 0 : i32
    return %arg0, %c0_i32 : i32, i32
  }
  func.func @transform_8(%arg0: i32) -> (i32, i32) {
    %c0_i32 = arith.constant 0 : i32
    %c0_i32_0 = arith.constant 0 : i32
    return %arg0, %c0_i32 : i32, i32
  }
}

module attributes {stable_mosaic.version = 14 : i64} {
  func.func @_last_body(%arg0: i32, %arg1: memref<2x1000x128xf32, #tpu.memory_space<vmem>>, %arg2: memref<1000x1xf32, #tpu.memory_space<vmem>>, %arg3: memref<1x128xf32, #tpu.memory_space<vmem>>, %arg4: memref<1x128xf32, #tpu.memory_space<vmem>>, %arg5: memref<1x128xf32, #tpu.memory_space<vmem>>, %arg6: memref<1000x128xf32, #tpu.memory_space<vmem>>, %arg7: memref<1000x128xf32, #tpu.memory_space<vmem>>, %arg8: memref<256x128xf32, #tpu.memory_space<vmem>>, %arg9: memref<1x128xf32, #tpu.memory_space<vmem>>, %arg10: memref<128x64xf32, #tpu.memory_space<vmem>>, %arg11: memref<1x64xf32, #tpu.memory_space<vmem>>, %arg12: memref<64x32xf32, #tpu.memory_space<vmem>>, %arg13: memref<1x32xf32, #tpu.memory_space<vmem>>, %arg14: memref<32x2xf32, #tpu.memory_space<vmem>>, %arg15: memref<1x2xf32, #tpu.memory_space<vmem>>, %arg16: memref<1000x2xf32, #tpu.memory_space<vmem>>) attributes {dimension_semantics = [#tpu.dimension_semantics<arbitrary>], iteration_bounds = array<i64: 10>, scalar_prefetch = 0 : i64, scratch_operands = 0 : i64, tpu.core_type = #tpu.core_type<tc>, window_params = [{transform_indices = @transform_0, window_bounds = array<i64: 2, 1000, 128>}, {transform_indices = @transform_1, window_bounds = array<i64: 1000, 1>}, {pipeline_mode = #tpu.pipeline_mode<synchronous>, transform_indices = @transform_2, window_bounds = array<i64: 1, 128>}, {pipeline_mode = #tpu.pipeline_mode<synchronous>, transform_indices = @transform_3, window_bounds = array<i64: 1, 128>}, {pipeline_mode = #tpu.pipeline_mode<synchronous>, transform_indices = @transform_4, window_bounds = array<i64: 1, 128>}, {transform_indices = @transform_5, window_bounds = array<i64: 1000, 128>}, {transform_indices = @transform_6, window_bounds = array<i64: 1000, 128>}, {pipeline_mode = #tpu.pipeline_mode<synchronous>, transform_indices = @transform_7, window_bounds = array<i64: 256, 128>}, {pipeline_mode = #tpu.pipeline_mode<synchronous>, transform_indices = @transform_8, window_bounds = array<i64: 1, 128>}, {pipeline_mode = #tpu.pipeline_mode<synchronous>, transform_indices = @transform_9, window_bounds = array<i64: 128, 64>}, {pipeline_mode = #tpu.pipeline_mode<synchronous>, transform_indices = @transform_10, window_bounds = array<i64: 1, 64>}, {pipeline_mode = #tpu.pipeline_mode<synchronous>, transform_indices = @transform_11, window_bounds = array<i64: 64, 32>}, {pipeline_mode = #tpu.pipeline_mode<synchronous>, transform_indices = @transform_12, window_bounds = array<i64: 1, 32>}, {pipeline_mode = #tpu.pipeline_mode<synchronous>, transform_indices = @transform_13, window_bounds = array<i64: 32, 2>}, {pipeline_mode = #tpu.pipeline_mode<synchronous>, transform_indices = @transform_14, window_bounds = array<i64: 1, 2>}, {transform_indices = @transform_15, window_bounds = array<i64: 1000, 2>}]} {
    %get3A = arith.constant 0 : index
    %get3A_0 = arith.constant 0 : index
    %get3A_1 = arith.constant 0 : index
    %get3A_2 = vector.load %arg1[%get3A, %get3A_0, %get3A_1] : memref<2x1000x128xf32, #tpu.memory_space<vmem>>, vector<1x1000x128xf32>
    %get3A_3 = vector.shape_cast %get3A_2 : vector<1x1000x128xf32> to vector<1000x128xf32>
    %get3A_4 = arith.constant 1 : index
    %get3A_5 = arith.constant 0 : index
    %get3A_6 = arith.constant 0 : index
    %get3A_7 = vector.load %arg1[%get3A_4, %get3A_5, %get3A_6] : memref<2x1000x128xf32, #tpu.memory_space<vmem>>, vector<1x1000x128xf32>
    %get3A_8 = vector.shape_cast %get3A_7 : vector<1x1000x128xf32> to vector<1000x128xf32>
    %add3A = arith.addf %get3A_3, %get3A_8 : vector<1000x128xf32>
    %get3A_9 = arith.constant 0 : index
    %get3A_10 = arith.constant 0 : index
    %get3A_11 = vector.load %arg2[%get3A_9, %get3A_10] : memref<1000x1xf32, #tpu.memory_space<vmem>>, vector<1000x1xf32>
    %mul3A = vector.broadcast %get3A_11 : vector<1000x1xf32> to vector<1000x128xf32>
    %mul3A_12 = arith.mulf %add3A, %mul3A : vector<1000x128xf32>
    %get3A_13 = arith.constant 0 : index
    %get3A_14 = arith.constant 0 : index
    %get3A_15 = vector.load %arg3[%get3A_13, %get3A_14] : memref<1x128xf32, #tpu.memory_space<vmem>>, vector<1x128xf32>
    %add3A_16 = vector.broadcast %get3A_15 : vector<1x128xf32> to vector<1000x128xf32>
    %add3A_17 = arith.addf %mul3A_12, %add3A_16 : vector<1000x128xf32>
    %reduce_sum3A = arith.constant dense<0.000000e+00> : vector<1000xf32>
    %reduce_sum3A_18 = vector.multi_reduction <add>, %add3A_17, %reduce_sum3A [1] : vector<1000x128xf32> to vector<1000xf32>
    %broadcast_in_dim3A = vector.shape_cast %reduce_sum3A_18 : vector<1000xf32> to vector<1000x1xf32>
    %div3A = arith.constant 1.280000e+02 : f32
    %div3A_19 = vector.broadcast %div3A : f32 to vector<1000x1xf32>
    %div3A_20 = arith.divf %broadcast_in_dim3A, %div3A_19 : vector<1000x1xf32>
    %sub3A = vector.broadcast %div3A_20 : vector<1000x1xf32> to vector<1000x128xf32>
    %sub3A_21 = arith.subf %add3A_17, %sub3A : vector<1000x128xf32>
    %mul3A_22 = arith.mulf %sub3A_21, %sub3A_21 : vector<1000x128xf32>
    %reduce_sum3A_23 = arith.constant dense<0.000000e+00> : vector<1000xf32>
    %reduce_sum3A_24 = vector.multi_reduction <add>, %mul3A_22, %reduce_sum3A_23 [1] : vector<1000x128xf32> to vector<1000xf32>
    %broadcast_in_dim3A_25 = vector.shape_cast %reduce_sum3A_24 : vector<1000xf32> to vector<1000x1xf32>
    %div3A_26 = arith.constant 1.280000e+02 : f32
    %div3A_27 = vector.broadcast %div3A_26 : f32 to vector<1000x1xf32>
    %div3A_28 = arith.divf %broadcast_in_dim3A_25, %div3A_27 : vector<1000x1xf32>
    %add3A_29 = arith.constant 9.99999974E-6 : f32
    %add3A_30 = vector.broadcast %add3A_29 : f32 to vector<1000x1xf32>
    %add3A_31 = arith.addf %div3A_28, %add3A_30 : vector<1000x1xf32>
    %rsqrt3A = math.rsqrt %add3A_31 : vector<1000x1xf32>
    %mul3A_32 = vector.broadcast %rsqrt3A : vector<1000x1xf32> to vector<1000x128xf32>
    %mul3A_33 = arith.mulf %sub3A_21, %mul3A_32 : vector<1000x128xf32>
    %get3A_34 = arith.constant 0 : index
    %get3A_35 = arith.constant 0 : index
    %get3A_36 = vector.load %arg4[%get3A_34, %get3A_35] : memref<1x128xf32, #tpu.memory_space<vmem>>, vector<1x128xf32>
    %mul3A_37 = vector.broadcast %get3A_36 : vector<1x128xf32> to vector<1000x128xf32>
    %mul3A_38 = arith.mulf %mul3A_33, %mul3A_37 : vector<1000x128xf32>
    %get3A_39 = arith.constant 0 : index
    %get3A_40 = arith.constant 0 : index
    %get3A_41 = vector.load %arg5[%get3A_39, %get3A_40] : memref<1x128xf32, #tpu.memory_space<vmem>>, vector<1x128xf32>
    %add3A_42 = vector.broadcast %get3A_41 : vector<1x128xf32> to vector<1000x128xf32>
    %add3A_43 = arith.addf %mul3A_38, %add3A_42 : vector<1000x128xf32>
    %max3A = arith.constant 0.000000e+00 : f32
    %max3A_44 = vector.broadcast %max3A : f32 to vector<1000x128xf32>
    %max3A_45 = arith.maximumf %add3A_43, %max3A_44 : vector<1000x128xf32>
    %get3A_46 = arith.constant 0 : index
    %get3A_47 = arith.constant 0 : index
    %get3A_48 = vector.load %arg6[%get3A_46, %get3A_47] : memref<1000x128xf32, #tpu.memory_space<vmem>>, vector<1000x128xf32>
    %add3A_49 = arith.addf %max3A_45, %get3A_48 : vector<1000x128xf32>
    %get3A_50 = arith.constant 0 : index
    %get3A_51 = arith.constant 0 : index
    %get3A_52 = vector.load %arg7[%get3A_50, %get3A_51] : memref<1000x128xf32, #tpu.memory_space<vmem>>, vector<1000x128xf32>
    %add3A_53 = arith.addf %add3A_49, %get3A_52 : vector<1000x128xf32>
    %get3A_54 = arith.constant 0 : index
    %get3A_55 = arith.constant 0 : index
    %get3A_56 = vector.load %arg8[%get3A_54, %get3A_55] : memref<256x128xf32, #tpu.memory_space<vmem>>, vector<128x128xf32>
    %get3A_57 = arith.constant 128 : index
    %get3A_58 = arith.constant 0 : index
    %get3A_59 = vector.load %arg8[%get3A_57, %get3A_58] : memref<256x128xf32, #tpu.memory_space<vmem>>, vector<128x128xf32>
    %add3A_60 = arith.addf %get3A_56, %get3A_59 : vector<128x128xf32>
    %dot_general3A = arith.constant dense<0.000000e+00> : vector<1000x128xf32>
    %dot_general3A_61 = tpu.matmul %add3A_53, %add3A_60, %dot_general3A {dimension_numbers = #tpu.dot_dimension_numbers<[1], [0], [0], [1], [0, 0, 1, 1], [], []>, precision = #tpu.contract_precision<fp32>, transpose_lhs_hint = false} : vector<1000x128xf32>, vector<128x128xf32>, vector<1000x128xf32> -> vector<1000x128xf32>
    %get3A_62 = arith.constant 0 : index
    %get3A_63 = arith.constant 0 : index
    %get3A_64 = vector.load %arg9[%get3A_62, %get3A_63] : memref<1x128xf32, #tpu.memory_space<vmem>>, vector<1x128xf32>
    %add3A_65 = vector.broadcast %get3A_64 : vector<1x128xf32> to vector<1000x128xf32>
    %add3A_66 = arith.addf %dot_general3A_61, %add3A_65 : vector<1000x128xf32>
    %get3A_67 = arith.constant 0 : index
    %get3A_68 = arith.constant 0 : index
    %get3A_69 = vector.load %arg10[%get3A_67, %get3A_68] : memref<128x64xf32, #tpu.memory_space<vmem>>, vector<128x64xf32>
    %dot_general3A_70 = arith.constant dense<0.000000e+00> : vector<1000x64xf32>
    %dot_general3A_71 = tpu.matmul %add3A_66, %get3A_69, %dot_general3A_70 {dimension_numbers = #tpu.dot_dimension_numbers<[1], [0], [0], [1], [0, 0, 1, 1], [], []>, precision = #tpu.contract_precision<fp32>, transpose_lhs_hint = false} : vector<1000x128xf32>, vector<128x64xf32>, vector<1000x64xf32> -> vector<1000x64xf32>
    %get3A_72 = arith.constant 0 : index
    %get3A_73 = arith.constant 0 : index
    %get3A_74 = vector.load %arg11[%get3A_72, %get3A_73] : memref<1x64xf32, #tpu.memory_space<vmem>>, vector<1x64xf32>
    %add3A_75 = vector.broadcast %get3A_74 : vector<1x64xf32> to vector<1000x64xf32>
    %add3A_76 = arith.addf %dot_general3A_71, %add3A_75 : vector<1000x64xf32>
    %get3A_77 = arith.constant 0 : index
    %get3A_78 = arith.constant 0 : index
    %get3A_79 = vector.load %arg12[%get3A_77, %get3A_78] : memref<64x32xf32, #tpu.memory_space<vmem>>, vector<64x32xf32>
    %dot_general3A_80 = arith.constant dense<0.000000e+00> : vector<1000x32xf32>
    %dot_general3A_81 = tpu.matmul %add3A_76, %get3A_79, %dot_general3A_80 {dimension_numbers = #tpu.dot_dimension_numbers<[1], [0], [0], [1], [0, 0, 1, 1], [], []>, precision = #tpu.contract_precision<fp32>, transpose_lhs_hint = false} : vector<1000x64xf32>, vector<64x32xf32>, vector<1000x32xf32> -> vector<1000x32xf32>
    %get3A_82 = arith.constant 0 : index
    %get3A_83 = arith.constant 0 : index
    %get3A_84 = vector.load %arg13[%get3A_82, %get3A_83] : memref<1x32xf32, #tpu.memory_space<vmem>>, vector<1x32xf32>
    %add3A_85 = vector.broadcast %get3A_84 : vector<1x32xf32> to vector<1000x32xf32>
    %add3A_86 = arith.addf %dot_general3A_81, %add3A_85 : vector<1000x32xf32>
    %max3A_87 = arith.constant 0.000000e+00 : f32
    %max3A_88 = vector.broadcast %max3A_87 : f32 to vector<1000x32xf32>
    %max3A_89 = arith.maximumf %add3A_86, %max3A_88 : vector<1000x32xf32>
    %get3A_90 = arith.constant 0 : index
    %get3A_91 = arith.constant 0 : index
    %get3A_92 = vector.load %arg14[%get3A_90, %get3A_91] : memref<32x2xf32, #tpu.memory_space<vmem>>, vector<32x2xf32>
    %dot_general3A_93 = arith.constant dense<0.000000e+00> : vector<1000x2xf32>
    %dot_general3A_94 = tpu.matmul %max3A_89, %get3A_92, %dot_general3A_93 {dimension_numbers = #tpu.dot_dimension_numbers<[1], [0], [0], [1], [0, 0, 1, 1], [], []>, precision = #tpu.contract_precision<fp32>, transpose_lhs_hint = false} : vector<1000x32xf32>, vector<32x2xf32>, vector<1000x2xf32> -> vector<1000x2xf32>
    %get3A_95 = arith.constant 0 : index
    %get3A_96 = arith.constant 0 : index
    %get3A_97 = vector.load %arg15[%get3A_95, %get3A_96] : memref<1x2xf32, #tpu.memory_space<vmem>>, vector<1x2xf32>
    %add3A_98 = vector.broadcast %get3A_97 : vector<1x2xf32> to vector<1000x2xf32>
    %add3A_99 = arith.addf %dot_general3A_94, %add3A_98 : vector<1000x2xf32>
    %swap3A = arith.constant 0 : index
    %swap3A_100 = arith.constant 0 : index
    %swap3A_101 = vector.load %arg16[%swap3A, %swap3A_100] : memref<1000x2xf32, #tpu.memory_space<vmem>>, vector<1000x2xf32>
    tpu.vector_store %arg16[%swap3A, %swap3A_100], %add3A_99 {strides = array<i32>} : memref<1000x2xf32, #tpu.memory_space<vmem>>, vector<1000x2xf32>,
    return
  }
  func.func @transform_0(%arg0: i32) -> (i32, i32, i32) {
    %c0_i32 = arith.constant 0 : i32
    %c0_i32_0 = arith.constant 0 : i32
    %c0_i32_1 = arith.constant 0 : i32
    return %c0_i32, %arg0, %c0_i32_0 : i32, i32, i32
  }
  func.func @transform_1(%arg0: i32) -> (i32, i32) {
    %c0_i32 = arith.constant 0 : i32
    %c0_i32_0 = arith.constant 0 : i32
    return %arg0, %c0_i32 : i32, i32
  }
  func.func @transform_2(%arg0: i32) -> (i32, i32) {
    %c0_i32 = arith.constant 0 : i32
    %c0_i32_0 = arith.constant 0 : i32
    %c0_i32_1 = arith.constant 0 : i32
    return %c0_i32, %c0_i32_0 : i32, i32
  }
  func.func @transform_3(%arg0: i32) -> (i32, i32) {
    %c0_i32 = arith.constant 0 : i32
    %c0_i32_0 = arith.constant 0 : i32
    %c0_i32_1 = arith.constant 0 : i32
    return %c0_i32, %c0_i32_0 : i32, i32
  }
  func.func @transform_4(%arg0: i32) -> (i32, i32) {
    %c0_i32 = arith.constant 0 : i32
    %c0_i32_0 = arith.constant 0 : i32
    %c0_i32_1 = arith.constant 0 : i32
    return %c0_i32, %c0_i32_0 : i32, i32
  }
  func.func @transform_5(%arg0: i32) -> (i32, i32) {
    %c0_i32 = arith.constant 0 : i32
    %c0_i32_0 = arith.constant 0 : i32
    return %arg0, %c0_i32 : i32, i32
  }
  func.func @transform_6(%arg0: i32) -> (i32, i32) {
    %c0_i32 = arith.constant 0 : i32
    %c0_i32_0 = arith.constant 0 : i32
    return %arg0, %c0_i32 : i32, i32
  }
  func.func @transform_7(%arg0: i32) -> (i32, i32) {
    %c0_i32 = arith.constant 0 : i32
    %c0_i32_0 = arith.constant 0 : i32
    %c0_i32_1 = arith.constant 0 : i32
    return %c0_i32, %c0_i32_0 : i32, i32
  }
  func.func @transform_8(%arg0: i32) -> (i32, i32) {
    %c0_i32 = arith.constant 0 : i32
    %c0_i32_0 = arith.constant 0 : i32
    %c0_i32_1 = arith.constant 0 : i32
    return %c0_i32, %c0_i32_0 : i32, i32
  }
  func.func @transform_9(%arg0: i32) -> (i32, i32) {
    %c0_i32 = arith.constant 0 : i32
    %c0_i32_0 = arith.constant 0 : i32
    %c0_i32_1 = arith.constant 0 : i32
    return %c0_i32, %c0_i32_0 : i32, i32
  }
  func.func @transform_10(%arg0: i32) -> (i32, i32) {
    %c0_i32 = arith.constant 0 : i32
    %c0_i32_0 = arith.constant 0 : i32
    %c0_i32_1 = arith.constant 0 : i32
    return %c0_i32, %c0_i32_0 : i32, i32
  }
  func.func @transform_11(%arg0: i32) -> (i32, i32) {
    %c0_i32 = arith.constant 0 : i32
    %c0_i32_0 = arith.constant 0 : i32
    %c0_i32_1 = arith.constant 0 : i32
    return %c0_i32, %c0_i32_0 : i32, i32
  }
  func.func @transform_12(%arg0: i32) -> (i32, i32) {
    %c0_i32 = arith.constant 0 : i32
    %c0_i32_0 = arith.constant 0 : i32
    %c0_i32_1 = arith.constant 0 : i32
    return %c0_i32, %c0_i32_0 : i32, i32
  }
  func.func @transform_13(%arg0: i32) -> (i32, i32) {
    %c0_i32 = arith.constant 0 : i32
    %c0_i32_0 = arith.constant 0 : i32
    %c0_i32_1 = arith.constant 0 : i32
    return %c0_i32, %c0_i32_0 : i32, i32
  }
  func.func @transform_14(%arg0: i32) -> (i32, i32) {
    %c0_i32 = arith.constant 0 : i32
    %c0_i32_0 = arith.constant 0 : i32
    %c0_i32_1 = arith.constant 0 : i32
    return %c0_i32, %c0_i32_0 : i32, i32
  }
  func.func @transform_15(%arg0: i32) -> (i32, i32) {
    %c0_i32 = arith.constant 0 : i32
    %c0_i32_0 = arith.constant 0 : i32
    return %arg0, %c0_i32 : i32, i32
  }
}

</mosaic_0001>

<sc_bundles>
// kernel: kernel.17.cloned.1.call-start
scs
__scs_entry_jumppad:
0x0: {  	(pc) =	sbr.rel $0x88, $3  }
0x1: {  	(tag) =	ssettag $0x0;
	lr =	simm.s32 $0x1  }
0x2: {  	[smem:$0x3F89] =	sst lr;
	_ =	strace $0xD0000000  }
0x3: {  	_ = 	snop  }
0x4: {  	_ = 	snop  }
0x5: {  	_ = 	snop  }
0x6: {  	_ = 	snop  }
0x7: {  	_ = 	snop  }
__scs_overlays_trampoline_lowered:
0x8: {  	[smem:$0x3F98] =	sst s0  }
0x9: {  	[smem:$0x3F99] =	sst s1  }
0xa: {  	[smem:$0x3F9A] =	sst s2  }
0xb: {  	[smem:$0x3F9B] =	sst s3  }
0xc: {  	[smem:$0x3F9C] =	sst s4  }
0xd: {  	[smem:$0x3F9D] =	sst s5  }
0xe: {  	[smem:$0x3F9E] =	sst s6  }
0xf: {  	[smem:$0x3F9F] =	sst s7  }
0x10: {  	[smem:$0x3FA0] =	sst s8  }
0x11: {  	[smem:$0x3FA1] =	sst s9;
	s0 =	simm.s32 @!p0 $0x0  }
0x12: {  	s1 =	sld [smem:$0x3F87];
	s0 =	simm.s32 @p0 $0x1  }
0x13: {  	[smem:$0x3FA2] =	sst s0;
	s0 =	simm.s32 @!p1 $0x0  }
0x14: {  	s2 =	sld [smem:$0x3F86];
	s0 =	simm.s32 @p1 $0x1  }
0x15: {  	[smem:$0x3FA3] =	sst s0;
	s0 =	simm.s32 @!p2 $0x0  }
0x16: {  	s3 =	sld [smem:$0x3FDB];
	s0 =	simm.s32 @p2 $0x1  }
0x17: {  	s4 =	simm.s32 $0x1BF5;
	[smem:$0x3FA5] =	sst s0  }
0x18: {  	s0 =	sld [smem:$0x3F88];
	_ =	swait.ge [sflag:s4], $0x0  }
0x19: {  	s7 =	sld [smem:$0x3F89]  }
0x1a: {  	s8 =	sadd.s32 $0xFFFFE003, lr  }
0x1b: {  	s9 =	sadd.s32 $0xFFFFFEF7, lr;
	s5 =	simm.s32 $0xFFFFFFFF;
	p2 =	slt.u32 s8, $0xFFFFF086  }
0x1c: {  	p1 =	slt.u32 s9, $0xF7A;
	s5 =	simm.s32 @!p2 $0x0  }
0x1d: {  	s5 =	simm.s32 @p1 $0x1;
	p0 =	seq.s32 s7, s2  }
0x1e: {  	s7 =	smul.u32 @!p0 $0xF7A, s2;
	p2 =	seq.s32 @!p0 s5, $0x0  }
0x1f: {  	s9 =	smul.u32 $0xF7A, s1;
	s8 =	simm.s32 @!p0 $0x1BF5;
	p2 =	por !p2, p0  }
0x20: {  	[sflag:s8] =	ssyncset.s32 @!p0 $0xFFFFF086;
	s6 =	sadd.s32 @!p0 s3, s7;
	s7 =	simm.s32 @!p0 $0x108  }
0x21: {  	s3 =	sadd.s32 s3, s9;
	s6 =	sadd.s32 @!p0 $0x88, s6;
	s7 =	simm.s32 @p2 $0x1082  }
0x22: {  	[simem:s7], [sflag:s8] =	dma.local @!p0 [hbm:s6], $0xF7A  }
0x23: {  	s9 =	sor.u32 $0xD0000000, s2;
	s6 =	simm.s32 $0x108;
	_ =	swait.ge @!p0 [sflag:s8], $0x0  }
0x24: {  	s3 =	sadd.s32 $0x88, s3;
	s6 =	simm.s32 @!p1 $0x1082;
	[sflag:s4] =	ssyncset.s32 $0xFFFFF086  }
0x25: {  	[simem:s6], [sflag:s4] =	dma.local [hbm:s3], $0xF7A  }
0x26: {  	[smem:$0x3F89] =	sst s1;
	(tag) =	ssettag s2;
	_ =	strace s9  }
0x27: {  	s1 =	sld [smem:$0x3F99]  }
0x28: {  	s2 =	sld [smem:$0x3F9A]  }
0x29: {  	s4 =	sld [smem:$0x3F9C]  }
0x2a: {  	p0 =	seq.s32 s5, $0x0;
	s5 =	sld [smem:$0x3F9D]  }
0x2b: {  	s6 =	sld [smem:$0x3F9E]  }
0x2c: {  	s7 =	sld [smem:$0x3F9F]  }
0x2d: {  	s3 =	simm.s32 $0x108;
	s8 =	sld [smem:$0x3FA0]  }
0x2e: {  	s3 =	simm.s32 @!p0 $0x1082;
	s9 =	sld [smem:$0x3FA1]  }
0x2f: {  	lr =	sadd.s32 s0, s3;
	s0 =	sld [smem:$0x3F98]  }
0x30: {  	s3 =	sld [smem:$0x3F9B]  }
0x31: {  	[smem:$0x3FA4] =	sst s10  }
0x32: {  	s10 =	sld [smem:$0x3FA2];
	_ =	sdelay $0x3  }
0x33: {  	p0 =	seq.s32 s10, $0x1;
	s10 =	sld [smem:$0x3FA4];
	_ =	sdelay $0x3  }
0x34: {  	[smem:$0x3FA4] =	sst s10  }
0x35: {  	s10 =	sld [smem:$0x3FA3];
	_ =	sdelay $0x3  }
0x36: {  	p1 =	seq.s32 s10, $0x1;
	s10 =	sld [smem:$0x3FA4];
	_ =	sdelay $0x3  }
0x37: {  	[smem:$0x3FA4] =	sst s10  }
0x38: {  	s10 =	sld [smem:$0x3FA5]  }
0x39: {  	_ = 	snop;
	(pc) =	sbr.ind lr, $3  }
0x3a: {  	_ = 	snop  }
0x3b: {  	_ = 	snop  }
0x3c: {  	p2 =	seq.s32 s10, $0x1;
	s10 =	sld [smem:$0x3FA4]  }
0x3d: {  	_ =	shalt  }
0x3e: {  	_ =	shalt  }
0x3f: {  	_ =	shalt  }
0x40: {  	_ =	shalt  }
0x41: {  	_ =	shalt  }
0x42: {  	_ =	shalt  }
0x43: {  	_ =	shalt  }
0x44: {  	_ =	shalt  }
0x45: {  	_ =	shalt  }
0x46: {  	_ =	shalt  }
0x47: {  	_ =	shalt  }
0x48: {  	_ =	shalt  }
0x49: {  	_ =	shalt  }
0x4a: {  	_ =	shalt  }
0x4b: {  	_ =	shalt  }
0x4c: {  	_ =	shalt  }
0x4d: {  	_ =	shalt  }
0x4e: {  	_ =	shalt  }
0x4f: {  	_ =	shalt  }
0x50: {  	_ =	shalt  }
0x51: {  	_ =	shalt  }
0x52: {  	_ =	shalt  }
0x53: {  	_ =	shalt  }
0x54: {  	_ =	shalt  }
0x55: {  	_ =	shalt  }
0x56: {  	_ =	shalt  }
0x57: {  	_ =	shalt  }
0x58: {  	_ =	shalt  }
0x59: {  	_ =	shalt  }
0x5a: {  	_ =	shalt  }
0x5b: {  	_ =	shalt  }
0x5c: {  	_ =	shalt  }
0x5d: {  	_ =	shalt  }
0x5e: {  	_ =	shalt  }
0x5f: {  	_ =	shalt  }
0x60: {  	_ =	shalt  }
0x61: {  	_ =	shalt  }
0x62: {  	_ =	shalt  }
0x63: {  	_ =	shalt  }
0x64: {  	_ =	shalt  }
0x65: {  	_ =	shalt  }
0x66: {  	_ =	shalt  }
0x67: {  	_ =	shalt  }
0x68: {  	_ =	shalt  }
0x69: {  	_ =	shalt  }
0x6a: {  	_ =	shalt  }
0x6b: {  	_ =	shalt  }
0x6c: {  	_ =	shalt  }
0x6d: {  	_ =	shalt  }
0x6e: {  	_ =	shalt  }
0x6f: {  	_ =	shalt  }
0x70: {  	_ =	shalt  }
0x71: {  	_ =	shalt  }
0x72: {  	_ =	shalt  }
0x73: {  	_ =	shalt  }
0x74: {  	_ =	shalt  }
0x75: {  	_ =	shalt  }
0x76: {  	_ =	shalt  }
0x77: {  	_ =	shalt  }
0x78: {  	_ =	shalt  }
0x79: {  	_ =	shalt  }
0x7a: {  	_ =	shalt  }
0x7b: {  	_ =	shalt  }
0x7c: {  	_ =	shalt  }
0x7d: {  	_ =	shalt  }
0x7e: {  	_ =	shalt  }
0x7f: {  	_ =	shalt  }
0x80: {  	_ =	shalt  }
0x81: {  	_ =	shalt  }
0x82: {  	_ =	shalt  }
0x83: {  	_ =	shalt  }
0x84: {  	_ =	shalt  }
0x85: {  	_ =	shalt  }
0x86: {  	_ =	shalt  }
0x87: {  	_ =	shalt  }
.Lfunc_end0:
.L_simem_size_0:
called_computation_lowered:
.L_overlay_start_0:
0x88: {  	s2 =	sld [smem:$0x3FD9]  }
0x89: {  	s3 =	sld [smem:$0x3FFE];
	_ =	sdelay $0x1  }
0x8a: {  	s1 =	srdreg.scid  }
0x8b: {  	s0 =	sand.u32 $0x1, s1  }
0x8c: {  	s16 =	sshll.u32 s0, $0xA;
	s2 =	sadd.s32 s3, s2  }
0x8d: {  	s2 =	sadd.s32 s2, s16  }
0x8e: {  	[smem:$0x3FB0] =	sst s2  }
0x8f: {  	_ = 	snop  }
0x90: {  	(tm) =	ssettm $0x1  }
0x91: {  	s17 =	sld [smem:$0x3FFB];
	_ =	sdelay $0x3  }
0x92: {  	_ =	strace s17  }
0x93: {  	s2 =	sld [smem:$0x3FFC];
	_ =	sdelay $0x3  }
0x94: {  	_ =	strace s2  }
0x95: {  	s2 =	sld [smem:$0x3FFD];
	_ =	sdelay $0x3  }
0x96: {  	_ =	strace s2  }
0x97: {  	_ =	strace $0x8FFFFFFF  }
0x98: {  	s18 =	sld [smem:$0x3FDB];
	_ =	sdelay $0x1  }
0x99: {  	s19 =	simm.s32 $_scs_section_size  }
0x9a: {  	s4 =	simm.s32 $_size__tile_overlayer_lowered;
	s5 =	simm.s32 $_tile_overlayer_lowered  }
0x9b: {  	s22 =	simm.s32 $0x1BFF;
	s21 =	sshll.u32 s5, $0x1;
	s2 =	sadd.s32 s19, s18  }
0x9c: {  	s6 =	simm.s32 $0x0;
	s20 =	sshll.u32 s4, $0x1;
	s4 =	sadd.s32 s21, s2  }
0x9d: {  	[timem:s6], [sflag:s22] =	dma.local [hbm:s4], s20  }
0x9e: {  	_ =	swait.ge [sflag:s22], s20  }
0x9f: {  	s3 =	ssub.s32 $0x0, s20;
	[sflag:s22] =	ssyncset.done $0x0  }
0xa0: {  	[sflag:s22] =	ssyncadd.s32 s3;
	_ =	sdelay $0x1  }
0xa1: {  	s23 =	simm.s32 $0x1B8B  }
0xa2: {  	_ =	swait.ge [sflag:s23], $0x1  }
0xa3: {  	[sflag:s23] =	ssyncset.done $0x0  }
0xa4: {  	s25 =	simm.s32 $0x1B8E;
	s24 =	sld [smem:$0x3FFE];
	[sflag:s23] =	ssyncadd.s32 $0xFFFFFFFF  }
0xa5: {  	s26 =	simm.s32 $execute0_lowered;
	[smem:$0x3FD2] =	sst s25  }
0xa6: {  	s4 =	sshll.u32 s26, $0x1;
	_ =	strace $0x80000046;
	[dreg:$0x1] =	wrdreg $0xFFFFFFFF  }
0xa7: {  	s28 =	simm.s32 $_size_execute0_lowered;
	s2 =	sadd.s32 s2, s4;
	[dreg:$0x0] =	wrdreg $0x0  }
0xa8: {  	s4 =	sshll.u32 s28, $0x1;
	[dreg:$0x2] =	wrdreg s2  }
0xa9: {  	[dreg:$0x3] =	wrdreg s4  }
0xaa: {  	[dreg:$0x4] =	wrdreg $0xC0  }
0xab: {  	_ =	task [dreg:s6], $0x5FFFF  }
0xac: {  	[dreg:$0x1] =	wrdreg $0xFFFFFFFF  }
0xad: {  	[dreg:$0x0] =	wrdreg $0x60  }
0xae: {  	[dreg:$0x2] =	wrdreg s24  }
0xaf: {  	[dreg:$0x3] =	wrdreg $0x9  }
0xb0: {  	_ =	task.clear_ibuf [dreg:s6], $0x4FFFF;
	_ =	strace $0x90000046  }
0xb1: {  	s29 =	simm.s32 $0x9;
	_ =	strace $0x80000048  }
0xb2: {  	_ =	swait.ge [sflag:s29], $0x1  }
0xb3: {  	[sflag:s29] =	ssyncadd.s32 $0xFFFFFFFF  }
0xb4: {  	_ =	strace $0x90000048  }
0xb5: {  	_ =	sfence  }
0xb6: {  	s30 =	sld [smem:$0x0];
	_ =	sdelay $0x2  }
0xb7: {  	s31 =	sshll.u32 s1, $0xD;
	s1 =	sshrl.u32 s1, $0x2  }
0xb8: {  	s3 =	sand.u32 $0x4000, s31;
	s1 =	sadd.s32 s1, s30  }
0xb9: {  	s0 =	sor.u32 s3, s0;
	s1 =	sshll.u32 s1, $0x11  }
0xba: {  	s0 =	sor.u32 s1, s0  }
0xbb: {  	s0 =	sadd.s32 $0x8F2B, s0  }
0xbc: {  	[sflag:s0] =	ssyncadd.remote.s32 $0x1  }
0xbd: {  	_ =	sfence.sel $0xFFFF  }
0xbe: {  	[dreg:$0x0] =	wrdreg $0xFFFFFFFF;
	(pc) =	sbr.abs _section_cstart, $3  }
0xbf: {  	[dreg:$0x1] =	wrdreg $0xFFFFFFFF  }
0xc0: {  	_ =	task.clear_ibuf [dreg:s6], $0x2FFFF;
	_ =	strace $0x9FFFFFFF  }
0xc1: {  	(tm) =	ssettm $0x7FFFFFFF  }
tec
execute0_lowered:
.L_overlay_start_1:
0x0: {  	(tag) =	ssettag $0x1  }
0x1: {  	s0 =	srdreg.scid  }
0x2: {  	s3 =	sand.u32 $0x1, s0  }
0x3: {  	s4 =	rddreg [dreg:$0x0];
	s0 =	stileid.u32;
	s1 =	sshll.u32 s3, $0x4  }
0x4: {  	s9 =	simm.s32 $0x400;
	s10 =	simm.s32 $0x1;
	s1 =	sor.u32 s0, s1  }
0x5: {  	s11 =	simm.s32 $0x2780;
	s12 =	simm.s32 $0x4F00;
	s1 =	sshrl.u32 s1, $0x3  }
0x6: {  	s13 =	simm.s32 $0x7680;
	s2 =	sshll.u32 s0, $0x7;
	s5 =	smul.u32 $0x13C00, s1  }
0x7: {  	s14 =	simm.s32 $0x0;
	s3 =	ssub.s32 $0x2, s3;
	s6 =	sand.u32 $0x380, s2  }
0x8: {  	s2 =	simm.s32 $0x0;
	s31 =	sshrl.u32 s3, $0x1;
	s5 =	sor.u32 s6, s5  }
0x9: {  	[smem:$0x7FF] =	sst s2;
	s8 =	ssub.s32 s3, s31;
	s5 =	sshrl.u32 s5, $0x3  }
0xa: {  	s1 =	rddreg [dreg:$0x1];
	_ =	strace $0x80000047;
	s7 =	sadd.s32 s5, s4  }
0xb: {  	s3 =	sadd.s32 $0x8800, s7;
	s4 =	sadd.s32 $0x12600, s7;
	s5 =	sadd.s32 $0x1C400, s7  }
0xc: {  	v0 =	vimm.f32 $0.0e+00;
	v1 =	vimm.f32 $1.000000000e+00;
	s6 =	sadd.s32 $0x26200, s7;
	s7 =	smax.u32 s8, $0x1;
	s8 =	simm.s32 $0x80  }
.LBB2_1:
0xd: {  	[tilespmem:s2], [sflag:$0x1] =	stream.strided.gather [hbm4b:s3+s8], $0x2780, s9, s8, $0x38;
	[tilespmem:$0x9E00] =	vst v63  }
0xe: {  	_ =	swait.ge [sflag:s10], $0x2780  }
0xf: {  	[sflag:s10] =	ssyncset.done $0x0  }
0x10: {  	[sflag:s10] =	ssyncadd.s32 $0xFFFFD880  }
0x11: {  	[tilespmem:s11], [sflag:$0x1] =	stream.strided.gather [hbm4b:s4+s8], $0x2780, s9, s8, $0x38;
	[tilespmem:$0x9E00] =	vst v63  }
0x12: {  	_ =	swait.ge [sflag:s10], $0x2780  }
0x13: {  	[sflag:s10] =	ssyncset.done $0x0  }
0x14: {  	s15 =	simm.s32 $0x0;
	[sflag:s10] =	ssyncadd.s32 $0xFFFFD880  }
.LBB2_2:
0x15: {  	p0 =	sne.s32 s15, $0x9DC0  }
.Ltmp0:
0x16: {  	_ = 	snop;
	(pc) =	sbr.rel @p0 .LBB2_2-.Ltmp0, $4  }
0x17: {  	_ = 	snop  }
0x18: {  	s16 =	sshra.s32 s15, $0x2  }
0x19: {  	[tilespmem:s16+$0x4F00] =	vst v0  }
0x1a: {  	s15 =	sadd.s32 $0x40, s15;
	[tilespmem:s16+$0x7680] =	vst v0  }
0x1b: {  	s16 =	simm.s32 $0x0;
	s15 =	simm.s32 $0x40  }
.LBB2_4:
0x1c: {  	p0 =	sne.s32 s15, $0x9DC0;
	v2 =	vld [tilespmem:s16+$0x0];
	_ =	sdelay $0x7  }
0x1d: {  	[tilespmem:v2+s12+$0x0] =	vst.idx.add.f32.msk $0xffff, v1  }
0x1e: {  	v2 =	vld [tilespmem:s16+$0x2780];
	_ =	sdelay $0x3  }
.Ltmp1:
0x1f: {  	(pc) =	sbr.rel @p0 .LBB2_4-.Ltmp1, $2  }
0x20: {  	_ =	sdelay $0x2  }
0x21: {  	s16 =	sshra.s32 s15, $0x2;
	s15 =	sadd.s32 $0x40, s15;
	[tilespmem:v2+s13+$0x0] =	vst.idx.add.f32.msk $0xffff, v1  }
0x22: {  	v2 =	vld [tilespmem:s16+$0x0];
	_ =	sdelay $0x7  }
0x23: {  	[tilespmem:v2+s12+$0x0] =	vst.idx.add.f32.msk $0xffff, v1  }
0x24: {  	v2 =	vld [tilespmem:s16+$0x2780];
	_ =	sdelay $0x7  }
0x25: {  	[tilespmem:v2+s13+$0x0] =	vst.idx.add.f32.msk $0xffff, v1  }
0x26: {  	[hbm4b:s5+s8] =	stream.strided.scatter [tilespmem:s12], [sflag:$0x1], $0x2780, s9, s8, $0x38;
	[tilespmem:$0x9E00] =	vst v63  }
0x27: {  	s14 =	sadd.s32 $0x1, s14;
	_ =	swait.ge [sflag:s10], $0x2780  }
0x28: {  	p0 =	sne.s32 s14, s7;
	[sflag:s10] =	ssyncset.done $0x0  }
.Ltmp2:
0x29: {  	[sflag:s10] =	ssyncadd.s32 $0xFFFFD880;
	(pc) =	sbr.rel @p0 .LBB2_1-.Ltmp2, $4  }
0x2a: {  	[hbm4b:s6+s8] =	stream.strided.scatter [tilespmem:s13], [sflag:$0x1], $0x2780, s9, s8, $0x38;
	[tilespmem:$0x9E00] =	vst v63  }
0x2b: {  	_ =	swait.ge [sflag:s10], $0x2780  }
0x2c: {  	[sflag:s10] =	ssyncset.done $0x0  }
0x2d: {  	[sflag:s10] =	ssyncadd.s32 $0xFFFFD880  }
0x2e: {  	_ =	sfence.sel $0x180000  }
0x2f: {  	[bflag:$0x0] =	sbarrier.arrive $0xFFFF  }
0x30: {  	p0 =	sne.s32 s0, $0x0;
	_ =	strace $0x90000047  }
0x31: {  	s0 =	sadd.s32 @!p0 $0x100000, s1;
	[bflag:$0x2] =	sbarrier.arrive $0xFFFF  }
0x32: {  	[sflag:s0] =	ssyncadd.tile.s32 @!p0 $0x1;
	_ =	shalt  }
.Lfunc_end2:
_tile_overlayer_lowered:
.L_overlay_start_2:
0x33: {  	(tag) =	ssettag $0x2  }
0x34: {  	s0 =	rddreg [dreg:$0x0];
	s2 =	stileid.u32  }
0x35: {  	s1 =	rddreg [dreg:$0x1];
	p0 =	sne.s32 s2, $0x0  }
0x36: {  	s3 =	rddreg [dreg:$0x2];
	[bflag:$0x3] =	sbarrier.arrive $0xFFFF;
	s2 =	simm.s32 @!p0 $0x1C01  }
0x37: {  	[timem:s3], [sflag:s2] =	dma.local @!p0 [hbm:s0], s1  }
0x38: {  	s0 =	simm.s32 @!p0 $0x1  }
0x39: {  	_ =	swait.ge @!p0 [sflag:s0], s1  }
0x3a: {  	s1 =	ssub.s32 @!p0 $0x0, s1;
	[sflag:s0] =	ssyncset.done @!p0 $0x0  }
0x3b: {  	[sflag:s0] =	ssyncadd.s32 @!p0 s1  }
0x3c: {  	[bflag:$0x3] =	sbarrier.arrive $0xFFFF  }
0x3d: {  	_ =	shalt  }

// kernel: kernel.20.cloned.1.call-start
scs
__scs_entry_jumppad:
0x0: {  	(pc) =	sbr.rel $0x88, $3  }
0x1: {  	(tag) =	ssettag $0x0;
	lr =	simm.s32 $0x1  }
0x2: {  	[smem:$0x3F89] =	sst lr;
	_ =	strace $0xD0000000  }
0x3: {  	_ = 	snop  }
0x4: {  	_ = 	snop  }
0x5: {  	_ = 	snop  }
0x6: {  	_ = 	snop  }
0x7: {  	_ = 	snop  }
__scs_overlays_trampoline_lowered:
0x8: {  	[smem:$0x3F98] =	sst s0  }
0x9: {  	[smem:$0x3F99] =	sst s1  }
0xa: {  	[smem:$0x3F9A] =	sst s2  }
0xb: {  	[smem:$0x3F9B] =	sst s3  }
0xc: {  	[smem:$0x3F9C] =	sst s4  }
0xd: {  	[smem:$0x3F9D] =	sst s5  }
0xe: {  	[smem:$0x3F9E] =	sst s6  }
0xf: {  	[smem:$0x3F9F] =	sst s7  }
0x10: {  	[smem:$0x3FA0] =	sst s8  }
0x11: {  	[smem:$0x3FA1] =	sst s9;
	s0 =	simm.s32 @!p0 $0x0  }
0x12: {  	s1 =	sld [smem:$0x3F87];
	s0 =	simm.s32 @p0 $0x1  }
0x13: {  	[smem:$0x3FA2] =	sst s0;
	s0 =	simm.s32 @!p1 $0x0  }
0x14: {  	s2 =	sld [smem:$0x3F86];
	s0 =	simm.s32 @p1 $0x1  }
0x15: {  	[smem:$0x3FA3] =	sst s0;
	s0 =	simm.s32 @!p2 $0x0  }
0x16: {  	s3 =	sld [smem:$0x3FDB];
	s0 =	simm.s32 @p2 $0x1  }
0x17: {  	s4 =	simm.s32 $0x1BF5;
	[smem:$0x3FA5] =	sst s0  }
0x18: {  	s0 =	sld [smem:$0x3F88];
	_ =	swait.ge [sflag:s4], $0x0  }
0x19: {  	s7 =	sld [smem:$0x3F89]  }
0x1a: {  	s8 =	sadd.s32 $0xFFFFE003, lr  }
0x1b: {  	s9 =	sadd.s32 $0xFFFFFEF7, lr;
	s5 =	simm.s32 $0xFFFFFFFF;
	p2 =	slt.u32 s8, $0xFFFFF086  }
0x1c: {  	p1 =	slt.u32 s9, $0xF7A;
	s5 =	simm.s32 @!p2 $0x0  }
0x1d: {  	s5 =	simm.s32 @p1 $0x1;
	p0 =	seq.s32 s7, s2  }
0x1e: {  	s7 =	smul.u32 @!p0 $0xF7A, s2;
	p2 =	seq.s32 @!p0 s5, $0x0  }
0x1f: {  	s9 =	smul.u32 $0xF7A, s1;
	s8 =	simm.s32 @!p0 $0x1BF5;
	p2 =	por !p2, p0  }
0x20: {  	[sflag:s8] =	ssyncset.s32 @!p0 $0xFFFFF086;
	s6 =	sadd.s32 @!p0 s3, s7;
	s7 =	simm.s32 @!p0 $0x108  }
0x21: {  	s3 =	sadd.s32 s3, s9;
	s6 =	sadd.s32 @!p0 $0x88, s6;
	s7 =	simm.s32 @p2 $0x1082  }
0x22: {  	[simem:s7], [sflag:s8] =	dma.local @!p0 [hbm:s6], $0xF7A  }
0x23: {  	s9 =	sor.u32 $0xD0000000, s2;
	s6 =	simm.s32 $0x108;
	_ =	swait.ge @!p0 [sflag:s8], $0x0  }
0x24: {  	s3 =	sadd.s32 $0x88, s3;
	s6 =	simm.s32 @!p1 $0x1082;
	[sflag:s4] =	ssyncset.s32 $0xFFFFF086  }
0x25: {  	[simem:s6], [sflag:s4] =	dma.local [hbm:s3], $0xF7A  }
0x26: {  	[smem:$0x3F89] =	sst s1;
	(tag) =	ssettag s2;
	_ =	strace s9  }
0x27: {  	s1 =	sld [smem:$0x3F99]  }
0x28: {  	s2 =	sld [smem:$0x3F9A]  }
0x29: {  	s4 =	sld [smem:$0x3F9C]  }
0x2a: {  	p0 =	seq.s32 s5, $0x0;
	s5 =	sld [smem:$0x3F9D]  }
0x2b: {  	s6 =	sld [smem:$0x3F9E]  }
0x2c: {  	s7 =	sld [smem:$0x3F9F]  }
0x2d: {  	s3 =	simm.s32 $0x108;
	s8 =	sld [smem:$0x3FA0]  }
0x2e: {  	s3 =	simm.s32 @!p0 $0x1082;
	s9 =	sld [smem:$0x3FA1]  }
0x2f: {  	lr =	sadd.s32 s0, s3;
	s0 =	sld [smem:$0x3F98]  }
0x30: {  	s3 =	sld [smem:$0x3F9B]  }
0x31: {  	[smem:$0x3FA4] =	sst s10  }
0x32: {  	s10 =	sld [smem:$0x3FA2];
	_ =	sdelay $0x3  }
0x33: {  	p0 =	seq.s32 s10, $0x1;
	s10 =	sld [smem:$0x3FA4];
	_ =	sdelay $0x3  }
0x34: {  	[smem:$0x3FA4] =	sst s10  }
0x35: {  	s10 =	sld [smem:$0x3FA3];
	_ =	sdelay $0x3  }
0x36: {  	p1 =	seq.s32 s10, $0x1;
	s10 =	sld [smem:$0x3FA4];
	_ =	sdelay $0x3  }
0x37: {  	[smem:$0x3FA4] =	sst s10  }
0x38: {  	s10 =	sld [smem:$0x3FA5]  }
0x39: {  	_ = 	snop;
	(pc) =	sbr.ind lr, $3  }
0x3a: {  	_ = 	snop  }
0x3b: {  	_ = 	snop  }
0x3c: {  	p2 =	seq.s32 s10, $0x1;
	s10 =	sld [smem:$0x3FA4]  }
0x3d: {  	_ =	shalt  }
0x3e: {  	_ =	shalt  }
0x3f: {  	_ =	shalt  }
0x40: {  	_ =	shalt  }
0x41: {  	_ =	shalt  }
0x42: {  	_ =	shalt  }
0x43: {  	_ =	shalt  }
0x44: {  	_ =	shalt  }
0x45: {  	_ =	shalt  }
0x46: {  	_ =	shalt  }
0x47: {  	_ =	shalt  }
0x48: {  	_ =	shalt  }
0x49: {  	_ =	shalt  }
0x4a: {  	_ =	shalt  }
0x4b: {  	_ =	shalt  }
0x4c: {  	_ =	shalt  }
0x4d: {  	_ =	shalt  }
0x4e: {  	_ =	shalt  }
0x4f: {  	_ =	shalt  }
0x50: {  	_ =	shalt  }
0x51: {  	_ =	shalt  }
0x52: {  	_ =	shalt  }
0x53: {  	_ =	shalt  }
0x54: {  	_ =	shalt  }
0x55: {  	_ =	shalt  }
0x56: {  	_ =	shalt  }
0x57: {  	_ =	shalt  }
0x58: {  	_ =	shalt  }
0x59: {  	_ =	shalt  }
0x5a: {  	_ =	shalt  }
0x5b: {  	_ =	shalt  }
0x5c: {  	_ =	shalt  }
0x5d: {  	_ =	shalt  }
0x5e: {  	_ =	shalt  }
0x5f: {  	_ =	shalt  }
0x60: {  	_ =	shalt  }
0x61: {  	_ =	shalt  }
0x62: {  	_ =	shalt  }
0x63: {  	_ =	shalt  }
0x64: {  	_ =	shalt  }
0x65: {  	_ =	shalt  }
0x66: {  	_ =	shalt  }
0x67: {  	_ =	shalt  }
0x68: {  	_ =	shalt  }
0x69: {  	_ =	shalt  }
0x6a: {  	_ =	shalt  }
0x6b: {  	_ =	shalt  }
0x6c: {  	_ =	shalt  }
0x6d: {  	_ =	shalt  }
0x6e: {  	_ =	shalt  }
0x6f: {  	_ =	shalt  }
0x70: {  	_ =	shalt  }
0x71: {  	_ =	shalt  }
0x72: {  	_ =	shalt  }
0x73: {  	_ =	shalt  }
0x74: {  	_ =	shalt  }
0x75: {  	_ =	shalt  }
0x76: {  	_ =	shalt  }
0x77: {  	_ =	shalt  }
0x78: {  	_ =	shalt  }
0x79: {  	_ =	shalt  }
0x7a: {  	_ =	shalt  }
0x7b: {  	_ =	shalt  }
0x7c: {  	_ =	shalt  }
0x7d: {  	_ =	shalt  }
0x7e: {  	_ =	shalt  }
0x7f: {  	_ =	shalt  }
0x80: {  	_ =	shalt  }
0x81: {  	_ =	shalt  }
0x82: {  	_ =	shalt  }
0x83: {  	_ =	shalt  }
0x84: {  	_ =	shalt  }
0x85: {  	_ =	shalt  }
0x86: {  	_ =	shalt  }
0x87: {  	_ =	shalt  }
.Lfunc_end0:
.L_simem_size_0:
called_computation.1_lowered:
.L_overlay_start_0:
0x88: {  	s2 =	sld [smem:$0x3FD9]  }
0x89: {  	s3 =	sld [smem:$0x3FFE];
	_ =	sdelay $0x1  }
0x8a: {  	s1 =	srdreg.scid  }
0x8b: {  	s0 =	sand.u32 $0x1, s1  }
0x8c: {  	s17 =	sshll.u32 s0, $0xA;
	s2 =	sadd.s32 s3, s2  }
0x8d: {  	s2 =	sadd.s32 s2, s17  }
0x8e: {  	[smem:$0x3FB0] =	sst s2  }
0x8f: {  	_ = 	snop  }
0x90: {  	(tm) =	ssettm $0x1  }
0x91: {  	s18 =	sld [smem:$0x3FFB];
	_ =	sdelay $0x3  }
0x92: {  	_ =	strace s18  }
0x93: {  	s2 =	sld [smem:$0x3FFC];
	_ =	sdelay $0x3  }
0x94: {  	_ =	strace s2  }
0x95: {  	s2 =	sld [smem:$0x3FFD];
	_ =	sdelay $0x3  }
0x96: {  	_ =	strace s2  }
0x97: {  	_ =	strace $0x8FFFFFFF  }
0x98: {  	s19 =	sld [smem:$0x3FDB];
	_ =	sdelay $0x1  }
0x99: {  	s20 =	simm.s32 $_scs_section_size  }
0x9a: {  	s4 =	simm.s32 $_size__tile_overlayer_lowered;
	s5 =	simm.s32 $_tile_overlayer_lowered  }
0x9b: {  	s6 =	simm.s32 $0x1BFF;
	s21 =	sshll.u32 s5, $0x1;
	s3 =	sadd.s32 s20, s19  }
0x9c: {  	s22 =	simm.s32 $0x0;
	s4 =	sshll.u32 s4, $0x1;
	s5 =	sadd.s32 s21, s3  }
0x9d: {  	[timem:s22], [sflag:s6] =	dma.local [hbm:s5], s4  }
0x9e: {  	_ =	swait.ge [sflag:s6], s4  }
0x9f: {  	s4 =	ssub.s32 $0x0, s4;
	[sflag:s6] =	ssyncset.done $0x0  }
0xa0: {  	[sflag:s6] =	ssyncadd.s32 s4;
	_ =	sdelay $0x1  }
0xa1: {  	s23 =	simm.s32 $0x1B8B  }
0xa2: {  	_ =	swait.ge [sflag:s23], $0x1  }
0xa3: {  	[sflag:s23] =	ssyncset.done $0x0  }
0xa4: {  	[sflag:s23] =	ssyncadd.s32 $0xFFFFFFFF  }
0xa5: {  	s4 =	sld [smem:$0x0]  }
0xa6: {  	s5 =	sand.u32 $0xFFFFFFFE, s1  }
0xa7: {  	p0 =	sne.s32 s1, s5  }
0xa8: {  	s5 =	sshll.u32 @p0 s5, $0xE  }
0xa9: {  	s5 =	sadd.s32 @p0 $0x11B8D, s5;
	s6 =	sshll.u32 @p0 s4, $0x11  }
0xaa: {  	s5 =	sor.u32 @p0 s6, s5  }
0xab: {  	[sflag:s5] =	ssyncadd.remote.s32 @p0 $0x1;
	_ =	sdelay $0x1  }
0xac: {  	s5 =	simm.s32 @p0 $0x1B8D  }
0xad: {  	_ =	swait.eq @p0 [sflag:s5], $0x1  }
0xae: {  	[sflag:s5] =	ssyncadd.s32 @p0 $0xFFFFFFFF  }
0xaf: {  	s6 =	sshll.u32 @!p0 s1, $0xE  }
0xb0: {  	s6 =	sor.u32 @!p0 $0x4000, s6;
	s5 =	simm.s32 @!p0 $0x1B8D  }
0xb1: {  	s4 =	sshll.u32 @!p0 s4, $0x11;
	s6 =	sadd.s32 @!p0 $0x11B8D, s6;
	_ =	swait.eq @!p0 [sflag:s5], $0x1  }
0xb2: {  	s4 =	sor.u32 @!p0 s4, s6;
	[sflag:s5] =	ssyncadd.s32 @!p0 $0xFFFFFFFF  }
0xb3: {  	s25 =	simm.s32 $0x1B8E;
	s24 =	sld [smem:$0x3FFE];
	[sflag:s4] =	ssyncadd.remote.s32 @!p0 $0x1  }
0xb4: {  	s26 =	simm.s32 $execute0_lowered;
	[smem:$0x3FD2] =	sst s25  }
0xb5: {  	s5 =	sshll.u32 s26, $0x1;
	_ =	strace $0x80000049;
	[dreg:$0x1] =	wrdreg $0xFFFFFFFF  }
0xb6: {  	s28 =	simm.s32 $_size_execute0_lowered;
	s3 =	sadd.s32 s3, s5;
	[dreg:$0x0] =	wrdreg $0x0  }
0xb7: {  	s5 =	sshll.u32 s28, $0x1;
	[dreg:$0x2] =	wrdreg s3  }
0xb8: {  	[dreg:$0x3] =	wrdreg s5  }
0xb9: {  	[dreg:$0x4] =	wrdreg $0xC0  }
0xba: {  	_ =	task [dreg:s22], $0x5FFFF  }
0xbb: {  	[dreg:$0x1] =	wrdreg $0xFFFFFFFF  }
0xbc: {  	[dreg:$0x0] =	wrdreg $0x60  }
0xbd: {  	[dreg:$0x2] =	wrdreg s24  }
0xbe: {  	[dreg:$0x3] =	wrdreg $0x90000  }
0xbf: {  	[dreg:$0x4] =	wrdreg $0xA  }
0xc0: {  	_ =	task.clear_ibuf [dreg:s22], $0x5FFFF;
	_ =	strace $0x90000049  }
0xc1: {  	s29 =	simm.s32 $0xA;
	_ =	strace $0x8000004B  }
0xc2: {  	_ =	swait.ge [sflag:s29], $0x1  }
0xc3: {  	[sflag:s29] =	ssyncadd.s32 $0xFFFFFFFF  }
0xc4: {  	_ =	strace $0x9000004B  }
0xc5: {  	_ =	sfence  }
0xc6: {  	s30 =	sld [smem:$0x0];
	_ =	sdelay $0x2  }
0xc7: {  	s31 =	sshll.u32 s1, $0xD;
	s1 =	sshrl.u32 s1, $0x2  }
0xc8: {  	s4 =	sand.u32 $0x4000, s31;
	s1 =	sadd.s32 s1, s30  }
0xc9: {  	s0 =	sor.u32 s4, s0;
	s1 =	sshll.u32 s1, $0x11  }
0xca: {  	s0 =	sor.u32 s1, s0  }
0xcb: {  	s0 =	sadd.s32 $0x8F2B, s0  }
0xcc: {  	[sflag:s0] =	ssyncadd.remote.s32 $0x1  }
0xcd: {  	_ =	sfence.sel $0xFFFF  }
0xce: {  	[dreg:$0x0] =	wrdreg $0xFFFFFFFF;
	(pc) =	sbr.abs _section_cstart, $3  }
0xcf: {  	[dreg:$0x1] =	wrdreg $0xFFFFFFFF  }
0xd0: {  	_ =	task.clear_ibuf [dreg:s22], $0x2FFFF;
	_ =	strace $0x9FFFFFFF  }
0xd1: {  	(tm) =	ssettm $0x7FFFFFFF  }
tec
execute0_lowered:
.L_overlay_start_1:
0x0: {  	(tag) =	ssettag $0x1  }
0x1: {  	s0 =	srdreg.scid;
	s6 =	rddreg [dreg:$0x0]  }
0x2: {  	s2 =	rddreg [dreg:$0x1];
	s3 =	simm.s32 $0x0;
	s14 =	simm.s32 $0x80  }
0x3: {  	s15 =	simm.s32 $0x5000;
	s5 =	sand.u32 $0x1, s0;
	s0 =	stileid.u32  }
0x4: {  	s16 =	simm.s32 $0x1;
	s17 =	simm.s32 $0x0;
	s8 =	smul.u32 $0x13C00, s0  }
0x5: {  	[smem:$0x7FF] =	sst s3;
	s1 =	sshll.u32 s5, $0x4;
	s9 =	smul.u32 $0x13C000, s5  }
0x6: {  	s5 =	ssub.s32 $0x2, s5;
	s29 =	smul.u32 $0x4F000, s0;
	s31 =	sshll.u32 s0, $0x6  }
0x7: {  	s4 =	sor.u32 s0, s1;
	s1 =	rddreg [dreg:$0x2];
	_ =	strace $0x8000004A  }
0x8: {  	s11 =	sshrl.u32 s5, $0x1;
	s7 =	smul.u32 $0x500, s4;
	s4 =	sadd.s32 $0x6B200, s6  }
0x9: {  	s28 =	sshrl.u32 s8, $0x3;
	s8 =	sadd.s32 s8, s9;
	s30 =	sshrl.u32 s29, $0x2  }
0xa: {  	s11 =	ssub.s32 s5, s11;
	s8 =	sshrl.u32 s8, $0x3;
	s13 =	sadd.s32 s30, s2  }
0xb: {  	s10 =	sadd.s32 s7, s6;
	s7 =	sadd.s32 s28, s6;
	s12 =	sadd.s32 s8, s6  }
0xc: {  	s6 =	sor.u32 $0x1C02, s31;
	s5 =	sadd.s32 $0x92400, s7;
	s7 =	sadd.s32 $0x3A000, s10  }
0xd: {  	s8 =	sadd.s32 $0x30000, s10;
	s9 =	sadd.s32 $0xB9C00, s12;
	s10 =	smax.u32 s11, $0x1  }
0xe: {  	s11 =	sshrl.u32 s13, $0x3;
	s12 =	simm.s32 $0x2;
	s13 =	simm.s32 $0x2800  }
.LBB2_1:
0xf: {  	[spmem:s11], [sflag:s6] =	dma.local [hbm:s5], $0x2780  }
0x10: {  	_ =	swait.ge [sflag:s12], $0x2780  }
0x11: {  	[sflag:s12] =	ssyncset.done $0x0  }
0x12: {  	[sflag:s12] =	ssyncadd.s32 $0xFFFFD880  }
0x13: {  	[tilespmem:s3], [sflag:$0x2] =	stream.linear.gather [hbm4b:s7+s3], $0x2780, $0x38;
	[tilespmem:$0x1CC00] =	vst v63  }
0x14: {  	_ =	swait.ge [sflag:s12], $0x2780  }
0x15: {  	[sflag:s12] =	ssyncset.done $0x0  }
0x16: {  	[sflag:s12] =	ssyncadd.s32 $0xFFFFD880  }
0x17: {  	[tilespmem:s13], [sflag:$0x2] =	stream.linear.gather [hbm4b:s8+s3], $0x2780, $0x38;
	[tilespmem:$0x1CC00] =	vst v63  }
0x18: {  	_ =	swait.ge [sflag:s12], $0x2780  }
0x19: {  	[sflag:s12] =	ssyncset.done $0x0  }
0x1a: {  	[sflag:s12] =	ssyncadd.s32 $0xFFFFD880  }
0x1b: {  	s18 =	simm.s32 $0x0;
	[bflag:$0x0] =	sbarrier.arrive $0xFFFF  }
0x1c: {  	[tilespmem:s15], [sflag:$0x1] =	stream.indirect.gather [hbm4b:s4+s14], $0x80, s18, s14, $0xb8;
	[tilespmem:$0x1CC00] =	vst v63  }
0x1d: {  	_ =	swait.ge [sflag:s16], $0x4000  }
0x1e: {  	[sflag:s16] =	ssyncset.done $0x0  }
0x1f: {  	s31 =	simm.s32 $0x2800;
	[sflag:s16] =	ssyncadd.s32 $0xFFFFC000  }
0x20: {  	[spmem:s2] =	stream.indirect.scatter.add.f32 [tilespmem:s15], [sflag:$0x2], $0x80, s31, s14, $0xb8;
	[tilespmem:$0x1CC00] =	vst v63  }
0x21: {  	_ =	swait.ge [sflag:s12], $0x4000  }
0x22: {  	s19 =	simm.s32 $0x400;
	s18 =	simm.s32 $0x200;
	[sflag:s12] =	ssyncset.done $0x0  }
.LBB2_2:
0x23: {  	s20 =	sshra.s32 s18, $0x2  }
0x24: {  	[sflag:s12] =	ssyncadd.s32 $0xFFFFC000;
	s18 =	smov.u32 s19;
	s21 =	sadd.s32 $0x200, s19  }
0x25: {  	[tilespmem:s15], [sflag:$0x1] =	stream.indirect.gather [hbm4b:s4+s14], $0x80, s20, s14, $0xb8;
	[tilespmem:$0x1CC00] =	vst v63  }
0x26: {  	p0 =	sne.s32 s19, $0x9C00;
	_ =	swait.ge [sflag:s16], $0x4000  }
.Ltmp0:
0x27: {  	[sflag:s16] =	ssyncset.done $0x0;
	(pc) =	sbr.rel @p0 .LBB2_2-.Ltmp0, $4  }
0x28: {  	s19 =	sadd.s32 $0x2800, s20;
	[sflag:s16] =	ssyncadd.s32 $0xFFFFC000  }
0x29: {  	[spmem:s2] =	stream.indirect.scatter.add.f32 [tilespmem:s15], [sflag:$0x2], $0x80, s19, s14, $0xb8;
	[tilespmem:$0x1CC00] =	vst v63  }
0x2a: {  	_ =	swait.ge [sflag:s12], $0x4000  }
0x2b: {  	s19 =	smov.u32 s21;
	[sflag:s12] =	ssyncset.done $0x0  }
0x2c: {  	s18 =	sshra.s32 s18, $0x2;
	[sflag:s12] =	ssyncadd.s32 $0xFFFFC000  }
0x2d: {  	[tilespmem:s15], [sflag:$0x1] =	stream.indirect.gather [hbm4b:s4+s14], $0x80, s18, s14, $0xb8;
	[tilespmem:$0x1CC00] =	vst v63  }
0x2e: {  	_ =	swait.ge [sflag:s16], $0x4000  }
0x2f: {  	[sflag:s16] =	ssyncset.done $0x0  }
0x30: {  	s18 =	sadd.s32 $0x2800, s18;
	[sflag:s16] =	ssyncadd.s32 $0xFFFFC000  }
0x31: {  	[spmem:s2] =	stream.indirect.scatter.add.f32 [tilespmem:s15], [sflag:$0x2], $0x80, s18, s14, $0xb8;
	[tilespmem:$0x1CC00] =	vst v63  }
0x32: {  	_ =	swait.ge [sflag:s12], $0x4000  }
0x33: {  	s17 =	sadd.s32 $0x1, s17;
	[sflag:s12] =	ssyncset.done $0x0  }
0x34: {  	p0 =	sne.s32 s17, s10;
	[sflag:s12] =	ssyncadd.s32 $0xFFFFC000  }
.Ltmp1:
0x35: {  	[bflag:$0x0] =	sbarrier.arrive $0xFFFF;
	(pc) =	sbr.rel @p0 .LBB2_1-.Ltmp1, $4  }
0x36: {  	[hbm:s9], [sflag:s6] =	dma.local [spmem:s11], $0x2780  }
0x37: {  	_ =	swait.ge [sflag:s12], $0x2780  }
0x38: {  	[sflag:s12] =	ssyncset.done $0x0  }
0x39: {  	[sflag:s12] =	ssyncadd.s32 $0xFFFFD880  }
0x3a: {  	_ =	sfence.sel $0x180000  }
0x3b: {  	[bflag:$0x0] =	sbarrier.arrive $0xFFFF  }
0x3c: {  	p0 =	sne.s32 s0, $0x0;
	_ =	strace $0x9000004A  }
0x3d: {  	s0 =	sadd.s32 @!p0 $0x100000, s1;
	[bflag:$0x2] =	sbarrier.arrive $0xFFFF  }
0x3e: {  	[sflag:s0] =	ssyncadd.tile.s32 @!p0 $0x1;
	_ =	shalt  }
.Lfunc_end2:
_tile_overlayer_lowered:
.L_overlay_start_2:
0x3f: {  	(tag) =	ssettag $0x2  }
0x40: {  	s0 =	rddreg [dreg:$0x0];
	s2 =	stileid.u32  }
0x41: {  	s1 =	rddreg [dreg:$0x1];
	p0 =	sne.s32 s2, $0x0  }
0x42: {  	s3 =	rddreg [dreg:$0x2];
	[bflag:$0x3] =	sbarrier.arrive $0xFFFF;
	s2 =	simm.s32 @!p0 $0x1C02  }
0x43: {  	[timem:s3], [sflag:s2] =	dma.local @!p0 [hbm:s0], s1  }
0x44: {  	s0 =	simm.s32 @!p0 $0x2  }
0x45: {  	_ =	swait.ge @!p0 [sflag:s0], s1  }
0x46: {  	s1 =	ssub.s32 @!p0 $0x0, s1;
	[sflag:s0] =	ssyncset.done @!p0 $0x0  }
0x47: {  	[sflag:s0] =	ssyncadd.s32 @!p0 s1  }
0x48: {  	[bflag:$0x3] =	sbarrier.arrive $0xFFFF  }
0x49: {  	_ =	shalt  }

// kernel: kernel.23.cloned.1.call-start
scs
__scs_entry_jumppad:
0x0: {  	(pc) =	sbr.rel $0x88, $3  }
0x1: {  	(tag) =	ssettag $0x0;
	lr =	simm.s32 $0x1  }
0x2: {  	[smem:$0x3F89] =	sst lr;
	_ =	strace $0xD0000000  }
0x3: {  	_ = 	snop  }
0x4: {  	_ = 	snop  }
0x5: {  	_ = 	snop  }
0x6: {  	_ = 	snop  }
0x7: {  	_ = 	snop  }
__scs_overlays_trampoline_lowered:
0x8: {  	[smem:$0x3F98] =	sst s0  }
0x9: {  	[smem:$0x3F99] =	sst s1  }
0xa: {  	[smem:$0x3F9A] =	sst s2  }
0xb: {  	[smem:$0x3F9B] =	sst s3  }
0xc: {  	[smem:$0x3F9C] =	sst s4  }
0xd: {  	[smem:$0x3F9D] =	sst s5  }
0xe: {  	[smem:$0x3F9E] =	sst s6  }
0xf: {  	[smem:$0x3F9F] =	sst s7  }
0x10: {  	[smem:$0x3FA0] =	sst s8  }
0x11: {  	[smem:$0x3FA1] =	sst s9;
	s0 =	simm.s32 @!p0 $0x0  }
0x12: {  	s1 =	sld [smem:$0x3F87];
	s0 =	simm.s32 @p0 $0x1  }
0x13: {  	[smem:$0x3FA2] =	sst s0;
	s0 =	simm.s32 @!p1 $0x0  }
0x14: {  	s2 =	sld [smem:$0x3F86];
	s0 =	simm.s32 @p1 $0x1  }
0x15: {  	[smem:$0x3FA3] =	sst s0;
	s0 =	simm.s32 @!p2 $0x0  }
0x16: {  	s3 =	sld [smem:$0x3FDB];
	s0 =	simm.s32 @p2 $0x1  }
0x17: {  	s4 =	simm.s32 $0x1BF5;
	[smem:$0x3FA5] =	sst s0  }
0x18: {  	s0 =	sld [smem:$0x3F88];
	_ =	swait.ge [sflag:s4], $0x0  }
0x19: {  	s7 =	sld [smem:$0x3F89]  }
0x1a: {  	s8 =	sadd.s32 $0xFFFFE003, lr  }
0x1b: {  	s9 =	sadd.s32 $0xFFFFFEF7, lr;
	s5 =	simm.s32 $0xFFFFFFFF;
	p2 =	slt.u32 s8, $0xFFFFF086  }
0x1c: {  	p1 =	slt.u32 s9, $0xF7A;
	s5 =	simm.s32 @!p2 $0x0  }
0x1d: {  	s5 =	simm.s32 @p1 $0x1;
	p0 =	seq.s32 s7, s2  }
0x1e: {  	s7 =	smul.u32 @!p0 $0xF7A, s2;
	p2 =	seq.s32 @!p0 s5, $0x0  }
0x1f: {  	s9 =	smul.u32 $0xF7A, s1;
	s8 =	simm.s32 @!p0 $0x1BF5;
	p2 =	por !p2, p0  }
0x20: {  	[sflag:s8] =	ssyncset.s32 @!p0 $0xFFFFF086;
	s6 =	sadd.s32 @!p0 s3, s7;
	s7 =	simm.s32 @!p0 $0x108  }
0x21: {  	s3 =	sadd.s32 s3, s9;
	s6 =	sadd.s32 @!p0 $0x88, s6;
	s7 =	simm.s32 @p2 $0x1082  }
0x22: {  	[simem:s7], [sflag:s8] =	dma.local @!p0 [hbm:s6], $0xF7A  }
0x23: {  	s9 =	sor.u32 $0xD0000000, s2;
	s6 =	simm.s32 $0x108;
	_ =	swait.ge @!p0 [sflag:s8], $0x0  }
0x24: {  	s3 =	sadd.s32 $0x88, s3;
	s6 =	simm.s32 @!p1 $0x1082;
	[sflag:s4] =	ssyncset.s32 $0xFFFFF086  }
0x25: {  	[simem:s6], [sflag:s4] =	dma.local [hbm:s3], $0xF7A  }
0x26: {  	[smem:$0x3F89] =	sst s1;
	(tag) =	ssettag s2;
	_ =	strace s9  }
0x27: {  	s1 =	sld [smem:$0x3F99]  }
0x28: {  	s2 =	sld [smem:$0x3F9A]  }
0x29: {  	s4 =	sld [smem:$0x3F9C]  }
0x2a: {  	p0 =	seq.s32 s5, $0x0;
	s5 =	sld [smem:$0x3F9D]  }
0x2b: {  	s6 =	sld [smem:$0x3F9E]  }
0x2c: {  	s7 =	sld [smem:$0x3F9F]  }
0x2d: {  	s3 =	simm.s32 $0x108;
	s8 =	sld [smem:$0x3FA0]  }
0x2e: {  	s3 =	simm.s32 @!p0 $0x1082;
	s9 =	sld [smem:$0x3FA1]  }
0x2f: {  	lr =	sadd.s32 s0, s3;
	s0 =	sld [smem:$0x3F98]  }
0x30: {  	s3 =	sld [smem:$0x3F9B]  }
0x31: {  	[smem:$0x3FA4] =	sst s10  }
0x32: {  	s10 =	sld [smem:$0x3FA2];
	_ =	sdelay $0x3  }
0x33: {  	p0 =	seq.s32 s10, $0x1;
	s10 =	sld [smem:$0x3FA4];
	_ =	sdelay $0x3  }
0x34: {  	[smem:$0x3FA4] =	sst s10  }
0x35: {  	s10 =	sld [smem:$0x3FA3];
	_ =	sdelay $0x3  }
0x36: {  	p1 =	seq.s32 s10, $0x1;
	s10 =	sld [smem:$0x3FA4];
	_ =	sdelay $0x3  }
0x37: {  	[smem:$0x3FA4] =	sst s10  }
0x38: {  	s10 =	sld [smem:$0x3FA5]  }
0x39: {  	_ = 	snop;
	(pc) =	sbr.ind lr, $3  }
0x3a: {  	_ = 	snop  }
0x3b: {  	_ = 	snop  }
0x3c: {  	p2 =	seq.s32 s10, $0x1;
	s10 =	sld [smem:$0x3FA4]  }
0x3d: {  	_ =	shalt  }
0x3e: {  	_ =	shalt  }
0x3f: {  	_ =	shalt  }
0x40: {  	_ =	shalt  }
0x41: {  	_ =	shalt  }
0x42: {  	_ =	shalt  }
0x43: {  	_ =	shalt  }
0x44: {  	_ =	shalt  }
0x45: {  	_ =	shalt  }
0x46: {  	_ =	shalt  }
0x47: {  	_ =	shalt  }
0x48: {  	_ =	shalt  }
0x49: {  	_ =	shalt  }
0x4a: {  	_ =	shalt  }
0x4b: {  	_ =	shalt  }
0x4c: {  	_ =	shalt  }
0x4d: {  	_ =	shalt  }
0x4e: {  	_ =	shalt  }
0x4f: {  	_ =	shalt  }
0x50: {  	_ =	shalt  }
0x51: {  	_ =	shalt  }
0x52: {  	_ =	shalt  }
0x53: {  	_ =	shalt  }
0x54: {  	_ =	shalt  }
0x55: {  	_ =	shalt  }
0x56: {  	_ =	shalt  }
0x57: {  	_ =	shalt  }
0x58: {  	_ =	shalt  }
0x59: {  	_ =	shalt  }
0x5a: {  	_ =	shalt  }
0x5b: {  	_ =	shalt  }
0x5c: {  	_ =	shalt  }
0x5d: {  	_ =	shalt  }
0x5e: {  	_ =	shalt  }
0x5f: {  	_ =	shalt  }
0x60: {  	_ =	shalt  }
0x61: {  	_ =	shalt  }
0x62: {  	_ =	shalt  }
0x63: {  	_ =	shalt  }
0x64: {  	_ =	shalt  }
0x65: {  	_ =	shalt  }
0x66: {  	_ =	shalt  }
0x67: {  	_ =	shalt  }
0x68: {  	_ =	shalt  }
0x69: {  	_ =	shalt  }
0x6a: {  	_ =	shalt  }
0x6b: {  	_ =	shalt  }
0x6c: {  	_ =	shalt  }
0x6d: {  	_ =	shalt  }
0x6e: {  	_ =	shalt  }
0x6f: {  	_ =	shalt  }
0x70: {  	_ =	shalt  }
0x71: {  	_ =	shalt  }
0x72: {  	_ =	shalt  }
0x73: {  	_ =	shalt  }
0x74: {  	_ =	shalt  }
0x75: {  	_ =	shalt  }
0x76: {  	_ =	shalt  }
0x77: {  	_ =	shalt  }
0x78: {  	_ =	shalt  }
0x79: {  	_ =	shalt  }
0x7a: {  	_ =	shalt  }
0x7b: {  	_ =	shalt  }
0x7c: {  	_ =	shalt  }
0x7d: {  	_ =	shalt  }
0x7e: {  	_ =	shalt  }
0x7f: {  	_ =	shalt  }
0x80: {  	_ =	shalt  }
0x81: {  	_ =	shalt  }
0x82: {  	_ =	shalt  }
0x83: {  	_ =	shalt  }
0x84: {  	_ =	shalt  }
0x85: {  	_ =	shalt  }
0x86: {  	_ =	shalt  }
0x87: {  	_ =	shalt  }
.Lfunc_end0:
.L_simem_size_0:
called_computation.2_lowered:
.L_overlay_start_0:
0x88: {  	s2 =	sld [smem:$0x3FD9]  }
0x89: {  	s3 =	sld [smem:$0x3FFE];
	_ =	sdelay $0x1  }
0x8a: {  	s1 =	srdreg.scid  }
0x8b: {  	s0 =	sand.u32 $0x1, s1  }
0x8c: {  	s16 =	sshll.u32 s0, $0xA;
	s2 =	sadd.s32 s3, s2  }
0x8d: {  	s2 =	sadd.s32 s2, s16  }
0x8e: {  	[smem:$0x3FB0] =	sst s2  }
0x8f: {  	_ = 	snop  }
0x90: {  	(tm) =	ssettm $0x1  }
0x91: {  	s17 =	sld [smem:$0x3FFB];
	_ =	sdelay $0x3  }
0x92: {  	_ =	strace s17  }
0x93: {  	s2 =	sld [smem:$0x3FFC];
	_ =	sdelay $0x3  }
0x94: {  	_ =	strace s2  }
0x95: {  	s2 =	sld [smem:$0x3FFD];
	_ =	sdelay $0x3  }
0x96: {  	_ =	strace s2  }
0x97: {  	_ =	strace $0x8FFFFFFF  }
0x98: {  	s18 =	sld [smem:$0x3FDB];
	_ =	sdelay $0x1  }
0x99: {  	s19 =	simm.s32 $_scs_section_size  }
0x9a: {  	s4 =	simm.s32 $_size__tile_overlayer_lowered;
	s5 =	simm.s32 $_tile_overlayer_lowered  }
0x9b: {  	s22 =	simm.s32 $0x1BFF;
	s21 =	sshll.u32 s5, $0x1;
	s2 =	sadd.s32 s19, s18  }
0x9c: {  	s6 =	simm.s32 $0x0;
	s20 =	sshll.u32 s4, $0x1;
	s4 =	sadd.s32 s21, s2  }
0x9d: {  	[timem:s6], [sflag:s22] =	dma.local [hbm:s4], s20  }
0x9e: {  	_ =	swait.ge [sflag:s22], s20  }
0x9f: {  	s3 =	ssub.s32 $0x0, s20;
	[sflag:s22] =	ssyncset.done $0x0  }
0xa0: {  	[sflag:s22] =	ssyncadd.s32 s3;
	_ =	sdelay $0x1  }
0xa1: {  	s23 =	simm.s32 $0x1B8B  }
0xa2: {  	_ =	swait.ge [sflag:s23], $0x1  }
0xa3: {  	[sflag:s23] =	ssyncset.done $0x0  }
0xa4: {  	s25 =	simm.s32 $0x1B8E;
	s24 =	sld [smem:$0x3FFE];
	[sflag:s23] =	ssyncadd.s32 $0xFFFFFFFF  }
0xa5: {  	s26 =	simm.s32 $execute0_lowered;
	[smem:$0x3FD2] =	sst s25  }
0xa6: {  	s4 =	sshll.u32 s26, $0x1;
	_ =	strace $0x8000004C;
	[dreg:$0x1] =	wrdreg $0xFFFFFFFF  }
0xa7: {  	s28 =	simm.s32 $_size_execute0_lowered;
	s2 =	sadd.s32 s2, s4;
	[dreg:$0x0] =	wrdreg $0x0  }
0xa8: {  	s4 =	sshll.u32 s28, $0x1;
	[dreg:$0x2] =	wrdreg s2  }
0xa9: {  	[dreg:$0x3] =	wrdreg s4  }
0xaa: {  	[dreg:$0x4] =	wrdreg $0xC0  }
0xab: {  	_ =	task [dreg:s6], $0x5FFFF  }
0xac: {  	[dreg:$0x1] =	wrdreg $0xFFFFFFFF  }
0xad: {  	[dreg:$0x0] =	wrdreg $0x60  }
0xae: {  	[dreg:$0x2] =	wrdreg s24  }
0xaf: {  	[dreg:$0x3] =	wrdreg $0x90000  }
0xb0: {  	[dreg:$0x4] =	wrdreg $0x9  }
0xb1: {  	_ =	task.clear_ibuf [dreg:s6], $0x5FFFF;
	_ =	strace $0x9000004C  }
0xb2: {  	s29 =	simm.s32 $0x9;
	_ =	strace $0x8000004E  }
0xb3: {  	_ =	swait.ge [sflag:s29], $0x1  }
0xb4: {  	[sflag:s29] =	ssyncadd.s32 $0xFFFFFFFF  }
0xb5: {  	_ =	strace $0x9000004E  }
0xb6: {  	_ =	sfence  }
0xb7: {  	s30 =	sld [smem:$0x0];
	_ =	sdelay $0x2  }
0xb8: {  	s31 =	sshll.u32 s1, $0xD;
	s1 =	sshrl.u32 s1, $0x2  }
0xb9: {  	s3 =	sand.u32 $0x4000, s31;
	s1 =	sadd.s32 s1, s30  }
0xba: {  	s0 =	sor.u32 s3, s0;
	s1 =	sshll.u32 s1, $0x11  }
0xbb: {  	s0 =	sor.u32 s1, s0  }
0xbc: {  	s0 =	sadd.s32 $0x8F2B, s0  }
0xbd: {  	[sflag:s0] =	ssyncadd.remote.s32 $0x1  }
0xbe: {  	_ =	sfence.sel $0xFFFF  }
0xbf: {  	[dreg:$0x0] =	wrdreg $0xFFFFFFFF;
	(pc) =	sbr.abs _section_cstart, $3  }
0xc0: {  	[dreg:$0x1] =	wrdreg $0xFFFFFFFF  }
0xc1: {  	_ =	task.clear_ibuf [dreg:s6], $0x2FFFF;
	_ =	strace $0x9FFFFFFF  }
0xc2: {  	(tm) =	ssettm $0x7FFFFFFF  }
0xc3: {  	_ =	shalt  }
tec
execute0_lowered:
.L_overlay_start_1:
0x0: {  	(tag) =	ssettag $0x1  }
0x1: {  	s0 =	srdreg.scid;
	s6 =	rddreg [dreg:$0x0]  }
0x2: {  	s2 =	rddreg [dreg:$0x1];
	s3 =	simm.s32 $0x0;
	s14 =	simm.s32 $0x80  }
0x3: {  	s15 =	simm.s32 $0x5000;
	s5 =	sand.u32 $0x1, s0;
	s0 =	stileid.u32  }
0x4: {  	s16 =	simm.s32 $0x1;
	s17 =	simm.s32 $0x0;
	s8 =	smul.u32 $0x13C00, s0  }
0x5: {  	[smem:$0x7FF] =	sst s3;
	s1 =	sshll.u32 s5, $0x4;
	s9 =	smul.u32 $0x13C000, s5  }
0x6: {  	s5 =	ssub.s32 $0x2, s5;
	s11 =	smul.u32 $0x4F000, s0;
	s30 =	sshll.u32 s0, $0x6  }
0x7: {  	s4 =	sor.u32 s0, s1;
	s1 =	rddreg [dreg:$0x2];
	_ =	strace $0x8000004D  }
0x8: {  	s29 =	sshrl.u32 s5, $0x1;
	s7 =	smul.u32 $0x500, s4;
	s4 =	sadd.s32 $0x6B200, s6  }
0x9: {  	s28 =	sshrl.u32 s8, $0x3;
	s8 =	sadd.s32 s8, s9;
	s31 =	sshrl.u32 s11, $0x2  }
0xa: {  	s13 =	ssub.s32 s5, s29;
	s8 =	sshrl.u32 s8, $0x3;
	s11 =	sadd.s32 s31, s2  }
0xb: {  	s10 =	sadd.s32 s7, s6;
	s7 =	sadd.s32 s28, s6;
	s12 =	sadd.s32 s8, s6  }
0xc: {  	s6 =	sor.u32 $0x1C02, s30;
	s5 =	sadd.s32 $0x92400, s7;
	s7 =	sadd.s32 $0x112C00, s10  }
0xd: {  	s11 =	sshrl.u32 s11, $0x3;
	s8 =	sadd.s32 $0x108C00, s10;
	s9 =	sadd.s32 $0xB9C00, s12  }
0xe: {  	s10 =	smax.u32 s13, $0x1;
	s12 =	simm.s32 $0x2;
	s13 =	simm.s32 $0x2800  }
.LBB2_1:
0xf: {  	[spmem:s11], [sflag:s6] =	dma.local [hbm:s5], $0x2780  }
0x10: {  	_ =	swait.ge [sflag:s12], $0x2780  }
0x11: {  	[sflag:s12] =	ssyncset.done $0x0  }
0x12: {  	[sflag:s12] =	ssyncadd.s32 $0xFFFFD880  }
0x13: {  	[tilespmem:s3], [sflag:$0x2] =	stream.linear.gather [hbm4b:s7+s3], $0x2780, $0x38;
	[tilespmem:$0x1CC00] =	vst v63  }
0x14: {  	_ =	swait.ge [sflag:s12], $0x2780  }
0x15: {  	[sflag:s12] =	ssyncset.done $0x0  }
0x16: {  	[sflag:s12] =	ssyncadd.s32 $0xFFFFD880  }
0x17: {  	[tilespmem:s13], [sflag:$0x2] =	stream.linear.gather [hbm4b:s8+s3], $0x2780, $0x38;
	[tilespmem:$0x1CC00] =	vst v63  }
0x18: {  	_ =	swait.ge [sflag:s12], $0x2780  }
0x19: {  	[sflag:s12] =	ssyncset.done $0x0  }
0x1a: {  	[sflag:s12] =	ssyncadd.s32 $0xFFFFD880  }
0x1b: {  	s18 =	simm.s32 $0x0;
	[bflag:$0x0] =	sbarrier.arrive $0xFFFF  }
0x1c: {  	[tilespmem:s15], [sflag:$0x1] =	stream.indirect.gather [hbm4b:s4+s14], $0x80, s18, s14, $0xb8;
	[tilespmem:$0x1CC00] =	vst v63  }
0x1d: {  	_ =	swait.ge [sflag:s16], $0x4000  }
0x1e: {  	[sflag:s16] =	ssyncset.done $0x0  }
0x1f: {  	s31 =	simm.s32 $0x2800;
	[sflag:s16] =	ssyncadd.s32 $0xFFFFC000  }
0x20: {  	[spmem:s2] =	stream.indirect.scatter.add.f32 [tilespmem:s15], [sflag:$0x2], $0x80, s31, s14, $0xb8;
	[tilespmem:$0x1CC00] =	vst v63  }
0x21: {  	_ =	swait.ge [sflag:s12], $0x4000  }
0x22: {  	s19 =	simm.s32 $0x400;
	s18 =	simm.s32 $0x200;
	[sflag:s12] =	ssyncset.done $0x0  }
.LBB2_2:
0x23: {  	s20 =	sshra.s32 s18, $0x2  }
0x24: {  	[sflag:s12] =	ssyncadd.s32 $0xFFFFC000;
	s18 =	smov.u32 s19;
	s21 =	sadd.s32 $0x200, s19  }
0x25: {  	[tilespmem:s15], [sflag:$0x1] =	stream.indirect.gather [hbm4b:s4+s14], $0x80, s20, s14, $0xb8;
	[tilespmem:$0x1CC00] =	vst v63  }
0x26: {  	p0 =	sne.s32 s19, $0x9C00;
	_ =	swait.ge [sflag:s16], $0x4000  }
.Ltmp0:
0x27: {  	[sflag:s16] =	ssyncset.done $0x0;
	(pc) =	sbr.rel @p0 .LBB2_2-.Ltmp0, $4  }
0x28: {  	s19 =	sadd.s32 $0x2800, s20;
	[sflag:s16] =	ssyncadd.s32 $0xFFFFC000  }
0x29: {  	[spmem:s2] =	stream.indirect.scatter.add.f32 [tilespmem:s15], [sflag:$0x2], $0x80, s19, s14, $0xb8;
	[tilespmem:$0x1CC00] =	vst v63  }
0x2a: {  	_ =	swait.ge [sflag:s12], $0x4000  }
0x2b: {  	s19 =	smov.u32 s21;
	[sflag:s12] =	ssyncset.done $0x0  }
0x2c: {  	s18 =	sshra.s32 s18, $0x2;
	[sflag:s12] =	ssyncadd.s32 $0xFFFFC000  }
0x2d: {  	[tilespmem:s15], [sflag:$0x1] =	stream.indirect.gather [hbm4b:s4+s14], $0x80, s18, s14, $0xb8;
	[tilespmem:$0x1CC00] =	vst v63  }
0x2e: {  	_ =	swait.ge [sflag:s16], $0x4000  }
0x2f: {  	[sflag:s16] =	ssyncset.done $0x0  }
0x30: {  	s18 =	sadd.s32 $0x2800, s18;
	[sflag:s16] =	ssyncadd.s32 $0xFFFFC000  }
0x31: {  	[spmem:s2] =	stream.indirect.scatter.add.f32 [tilespmem:s15], [sflag:$0x2], $0x80, s18, s14, $0xb8;
	[tilespmem:$0x1CC00] =	vst v63  }
0x32: {  	_ =	swait.ge [sflag:s12], $0x4000  }
0x33: {  	s17 =	sadd.s32 $0x1, s17;
	[sflag:s12] =	ssyncset.done $0x0  }
0x34: {  	p0 =	sne.s32 s17, s10;
	[sflag:s12] =	ssyncadd.s32 $0xFFFFC000  }
.Ltmp1:
0x35: {  	[bflag:$0x0] =	sbarrier.arrive $0xFFFF;
	(pc) =	sbr.rel @p0 .LBB2_1-.Ltmp1, $4  }
0x36: {  	[hbm:s9], [sflag:s6] =	dma.local [spmem:s11], $0x2780  }
0x37: {  	_ =	swait.ge [sflag:s12], $0x2780  }
0x38: {  	[sflag:s12] =	ssyncset.done $0x0  }
0x39: {  	[sflag:s12] =	ssyncadd.s32 $0xFFFFD880  }
0x3a: {  	_ =	sfence.sel $0x180000  }
0x3b: {  	[bflag:$0x0] =	sbarrier.arrive $0xFFFF  }
0x3c: {  	p0 =	sne.s32 s0, $0x0;
	_ =	strace $0x9000004D  }
0x3d: {  	s0 =	sadd.s32 @!p0 $0x100000, s1;
	[bflag:$0x2] =	sbarrier.arrive $0xFFFF  }
0x3e: {  	[sflag:s0] =	ssyncadd.tile.s32 @!p0 $0x1;
	_ =	shalt  }
.Lfunc_end2:
_tile_overlayer_lowered:
.L_overlay_start_2:
0x3f: {  	(tag) =	ssettag $0x2  }
0x40: {  	s0 =	rddreg [dreg:$0x0];
	s2 =	stileid.u32  }
0x41: {  	s1 =	rddreg [dreg:$0x1];
	p0 =	sne.s32 s2, $0x0  }
0x42: {  	s3 =	rddreg [dreg:$0x2];
	[bflag:$0x3] =	sbarrier.arrive $0xFFFF;
	s2 =	simm.s32 @!p0 $0x1C02  }
0x43: {  	[timem:s3], [sflag:s2] =	dma.local @!p0 [hbm:s0], s1  }
0x44: {  	s0 =	simm.s32 @!p0 $0x2  }
0x45: {  	_ =	swait.ge @!p0 [sflag:s0], s1  }
0x46: {  	s1 =	ssub.s32 @!p0 $0x0, s1;
	[sflag:s0] =	ssyncset.done @!p0 $0x0  }
0x47: {  	[sflag:s0] =	ssyncadd.s32 @!p0 s1  }
0x48: {  	[bflag:$0x3] =	sbarrier.arrive $0xFFFF  }
0x49: {  	_ =	shalt  }

// kernel: kernel.26.cloned.1.call-start
scs
__scs_entry_jumppad:
0x0: {  	(pc) =	sbr.rel $0x88, $3  }
0x1: {  	(tag) =	ssettag $0x0;
	lr =	simm.s32 $0x1  }
0x2: {  	[smem:$0x3F89] =	sst lr;
	_ =	strace $0xD0000000  }
0x3: {  	_ = 	snop  }
0x4: {  	_ = 	snop  }
0x5: {  	_ = 	snop  }
0x6: {  	_ = 	snop  }
0x7: {  	_ = 	snop  }
__scs_overlays_trampoline_lowered:
0x8: {  	[smem:$0x3F98] =	sst s0  }
0x9: {  	[smem:$0x3F99] =	sst s1  }
0xa: {  	[smem:$0x3F9A] =	sst s2  }
0xb: {  	[smem:$0x3F9B] =	sst s3  }
0xc: {  	[smem:$0x3F9C] =	sst s4  }
0xd: {  	[smem:$0x3F9D] =	sst s5  }
0xe: {  	[smem:$0x3F9E] =	sst s6  }
0xf: {  	[smem:$0x3F9F] =	sst s7  }
0x10: {  	[smem:$0x3FA0] =	sst s8  }
0x11: {  	[smem:$0x3FA1] =	sst s9;
	s0 =	simm.s32 @!p0 $0x0  }
0x12: {  	s1 =	sld [smem:$0x3F87];
	s0 =	simm.s32 @p0 $0x1  }
0x13: {  	[smem:$0x3FA2] =	sst s0;
	s0 =	simm.s32 @!p1 $0x0  }
0x14: {  	s2 =	sld [smem:$0x3F86];
	s0 =	simm.s32 @p1 $0x1  }
0x15: {  	[smem:$0x3FA3] =	sst s0;
	s0 =	simm.s32 @!p2 $0x0  }
0x16: {  	s3 =	sld [smem:$0x3FDB];
	s0 =	simm.s32 @p2 $0x1  }
0x17: {  	s4 =	simm.s32 $0x1BF5;
	[smem:$0x3FA5] =	sst s0  }
0x18: {  	s0 =	sld [smem:$0x3F88];
	_ =	swait.ge [sflag:s4], $0x0  }
0x19: {  	s7 =	sld [smem:$0x3F89]  }
0x1a: {  	s8 =	sadd.s32 $0xFFFFE003, lr  }
0x1b: {  	s9 =	sadd.s32 $0xFFFFFEF7, lr;
	s5 =	simm.s32 $0xFFFFFFFF;
	p2 =	slt.u32 s8, $0xFFFFF086  }
0x1c: {  	p1 =	slt.u32 s9, $0xF7A;
	s5 =	simm.s32 @!p2 $0x0  }
0x1d: {  	s5 =	simm.s32 @p1 $0x1;
	p0 =	seq.s32 s7, s2  }
0x1e: {  	s7 =	smul.u32 @!p0 $0xF7A, s2;
	p2 =	seq.s32 @!p0 s5, $0x0  }
0x1f: {  	s9 =	smul.u32 $0xF7A, s1;
	s8 =	simm.s32 @!p0 $0x1BF5;
	p2 =	por !p2, p0  }
0x20: {  	[sflag:s8] =	ssyncset.s32 @!p0 $0xFFFFF086;
	s6 =	sadd.s32 @!p0 s3, s7;
	s7 =	simm.s32 @!p0 $0x108  }
0x21: {  	s3 =	sadd.s32 s3, s9;
	s6 =	sadd.s32 @!p0 $0x88, s6;
	s7 =	simm.s32 @p2 $0x1082  }
0x22: {  	[simem:s7], [sflag:s8] =	dma.local @!p0 [hbm:s6], $0xF7A  }
0x23: {  	s9 =	sor.u32 $0xD0000000, s2;
	s6 =	simm.s32 $0x108;
	_ =	swait.ge @!p0 [sflag:s8], $0x0  }
0x24: {  	s3 =	sadd.s32 $0x88, s3;
	s6 =	simm.s32 @!p1 $0x1082;
	[sflag:s4] =	ssyncset.s32 $0xFFFFF086  }
0x25: {  	[simem:s6], [sflag:s4] =	dma.local [hbm:s3], $0xF7A  }
0x26: {  	[smem:$0x3F89] =	sst s1;
	(tag) =	ssettag s2;
	_ =	strace s9  }
0x27: {  	s1 =	sld [smem:$0x3F99]  }
0x28: {  	s2 =	sld [smem:$0x3F9A]  }
0x29: {  	s4 =	sld [smem:$0x3F9C]  }
0x2a: {  	p0 =	seq.s32 s5, $0x0;
	s5 =	sld [smem:$0x3F9D]  }
0x2b: {  	s6 =	sld [smem:$0x3F9E]  }
0x2c: {  	s7 =	sld [smem:$0x3F9F]  }
0x2d: {  	s3 =	simm.s32 $0x108;
	s8 =	sld [smem:$0x3FA0]  }
0x2e: {  	s3 =	simm.s32 @!p0 $0x1082;
	s9 =	sld [smem:$0x3FA1]  }
0x2f: {  	lr =	sadd.s32 s0, s3;
	s0 =	sld [smem:$0x3F98]  }
0x30: {  	s3 =	sld [smem:$0x3F9B]  }
0x31: {  	[smem:$0x3FA4] =	sst s10  }
0x32: {  	s10 =	sld [smem:$0x3FA2];
	_ =	sdelay $0x3  }
0x33: {  	p0 =	seq.s32 s10, $0x1;
	s10 =	sld [smem:$0x3FA4];
	_ =	sdelay $0x3  }
0x34: {  	[smem:$0x3FA4] =	sst s10  }
0x35: {  	s10 =	sld [smem:$0x3FA3];
	_ =	sdelay $0x3  }
0x36: {  	p1 =	seq.s32 s10, $0x1;
	s10 =	sld [smem:$0x3FA4];
	_ =	sdelay $0x3  }
0x37: {  	[smem:$0x3FA4] =	sst s10  }
0x38: {  	s10 =	sld [smem:$0x3FA5]  }
0x39: {  	_ = 	snop;
	(pc) =	sbr.ind lr, $3  }
0x3a: {  	_ = 	snop  }
0x3b: {  	_ = 	snop  }
0x3c: {  	p2 =	seq.s32 s10, $0x1;
	s10 =	sld [smem:$0x3FA4]  }
0x3d: {  	_ =	shalt  }
0x3e: {  	_ =	shalt  }
0x3f: {  	_ =	shalt  }
0x40: {  	_ =	shalt  }
0x41: {  	_ =	shalt  }
0x42: {  	_ =	shalt  }
0x43: {  	_ =	shalt  }
0x44: {  	_ =	shalt  }
0x45: {  	_ =	shalt  }
0x46: {  	_ =	shalt  }
0x47: {  	_ =	shalt  }
0x48: {  	_ =	shalt  }
0x49: {  	_ =	shalt  }
0x4a: {  	_ =	shalt  }
0x4b: {  	_ =	shalt  }
0x4c: {  	_ =	shalt  }
0x4d: {  	_ =	shalt  }
0x4e: {  	_ =	shalt  }
0x4f: {  	_ =	shalt  }
0x50: {  	_ =	shalt  }
0x51: {  	_ =	shalt  }
0x52: {  	_ =	shalt  }
0x53: {  	_ =	shalt  }
0x54: {  	_ =	shalt  }
0x55: {  	_ =	shalt  }
0x56: {  	_ =	shalt  }
0x57: {  	_ =	shalt  }
0x58: {  	_ =	shalt  }
0x59: {  	_ =	shalt  }
0x5a: {  	_ =	shalt  }
0x5b: {  	_ =	shalt  }
0x5c: {  	_ =	shalt  }
0x5d: {  	_ =	shalt  }
0x5e: {  	_ =	shalt  }
0x5f: {  	_ =	shalt  }
0x60: {  	_ =	shalt  }
0x61: {  	_ =	shalt  }
0x62: {  	_ =	shalt  }
0x63: {  	_ =	shalt  }
0x64: {  	_ =	shalt  }
0x65: {  	_ =	shalt  }
0x66: {  	_ =	shalt  }
0x67: {  	_ =	shalt  }
0x68: {  	_ =	shalt  }
0x69: {  	_ =	shalt  }
0x6a: {  	_ =	shalt  }
0x6b: {  	_ =	shalt  }
0x6c: {  	_ =	shalt  }
0x6d: {  	_ =	shalt  }
0x6e: {  	_ =	shalt  }
0x6f: {  	_ =	shalt  }
0x70: {  	_ =	shalt  }
0x71: {  	_ =	shalt  }
0x72: {  	_ =	shalt  }
0x73: {  	_ =	shalt  }
0x74: {  	_ =	shalt  }
0x75: {  	_ =	shalt  }
0x76: {  	_ =	shalt  }
0x77: {  	_ =	shalt  }
0x78: {  	_ =	shalt  }
0x79: {  	_ =	shalt  }
0x7a: {  	_ =	shalt  }
0x7b: {  	_ =	shalt  }
0x7c: {  	_ =	shalt  }
0x7d: {  	_ =	shalt  }
0x7e: {  	_ =	shalt  }
0x7f: {  	_ =	shalt  }
0x80: {  	_ =	shalt  }
0x81: {  	_ =	shalt  }
0x82: {  	_ =	shalt  }
0x83: {  	_ =	shalt  }
0x84: {  	_ =	shalt  }
0x85: {  	_ =	shalt  }
0x86: {  	_ =	shalt  }
0x87: {  	_ =	shalt  }
.Lfunc_end0:
.L_simem_size_0:
called_computation.3_lowered:
.L_overlay_start_0:
0x88: {  	s2 =	sld [smem:$0x3FD9]  }
0x89: {  	s3 =	sld [smem:$0x3FFE];
	_ =	sdelay $0x1  }
0x8a: {  	s1 =	srdreg.scid  }
0x8b: {  	s0 =	sand.u32 $0x1, s1  }
0x8c: {  	s16 =	sshll.u32 s0, $0xA;
	s2 =	sadd.s32 s3, s2  }
0x8d: {  	s2 =	sadd.s32 s2, s16  }
0x8e: {  	[smem:$0x3FB0] =	sst s2  }
0x8f: {  	_ = 	snop  }
0x90: {  	(tm) =	ssettm $0x1  }
0x91: {  	s17 =	sld [smem:$0x3FFB];
	_ =	sdelay $0x3  }
0x92: {  	_ =	strace s17  }
0x93: {  	s2 =	sld [smem:$0x3FFC];
	_ =	sdelay $0x3  }
0x94: {  	_ =	strace s2  }
0x95: {  	s2 =	sld [smem:$0x3FFD];
	_ =	sdelay $0x3  }
0x96: {  	_ =	strace s2  }
0x97: {  	_ =	strace $0x8FFFFFFF  }
0x98: {  	s18 =	sld [smem:$0x3FDB];
	_ =	sdelay $0x1  }
0x99: {  	s19 =	simm.s32 $_scs_section_size  }
0x9a: {  	s4 =	simm.s32 $_size__tile_overlayer_lowered;
	s5 =	simm.s32 $_tile_overlayer_lowered  }
0x9b: {  	s22 =	simm.s32 $0x1BFF;
	s21 =	sshll.u32 s5, $0x1;
	s2 =	sadd.s32 s19, s18  }
0x9c: {  	s6 =	simm.s32 $0x0;
	s20 =	sshll.u32 s4, $0x1;
	s4 =	sadd.s32 s21, s2  }
0x9d: {  	[timem:s6], [sflag:s22] =	dma.local [hbm:s4], s20  }
0x9e: {  	_ =	swait.ge [sflag:s22], s20  }
0x9f: {  	s3 =	ssub.s32 $0x0, s20;
	[sflag:s22] =	ssyncset.done $0x0  }
0xa0: {  	[sflag:s22] =	ssyncadd.s32 s3;
	_ =	sdelay $0x1  }
0xa1: {  	s23 =	simm.s32 $0x1B8B  }
0xa2: {  	_ =	swait.ge [sflag:s23], $0x1  }
0xa3: {  	[sflag:s23] =	ssyncset.done $0x0  }
0xa4: {  	s25 =	simm.s32 $0x1B8E;
	s24 =	sld [smem:$0x3FFE];
	[sflag:s23] =	ssyncadd.s32 $0xFFFFFFFF  }
0xa5: {  	s26 =	simm.s32 $execute0_lowered;
	[smem:$0x3FD2] =	sst s25  }
0xa6: {  	s4 =	sshll.u32 s26, $0x1;
	_ =	strace $0x8000004F;
	[dreg:$0x1] =	wrdreg $0xFFFFFFFF  }
0xa7: {  	s28 =	simm.s32 $_size_execute0_lowered;
	s2 =	sadd.s32 s2, s4;
	[dreg:$0x0] =	wrdreg $0x0  }
0xa8: {  	s4 =	sshll.u32 s28, $0x1;
	[dreg:$0x2] =	wrdreg s2  }
0xa9: {  	[dreg:$0x3] =	wrdreg s4  }
0xaa: {  	[dreg:$0x4] =	wrdreg $0xC0  }
0xab: {  	_ =	task [dreg:s6], $0x5FFFF  }
0xac: {  	[dreg:$0x1] =	wrdreg $0xFFFFFFFF  }
0xad: {  	[dreg:$0x0] =	wrdreg $0x60  }
0xae: {  	[dreg:$0x2] =	wrdreg s24  }
0xaf: {  	[dreg:$0x3] =	wrdreg $0x90000  }
0xb0: {  	[dreg:$0x4] =	wrdreg $0x9  }
0xb1: {  	_ =	task.clear_ibuf [dreg:s6], $0x5FFFF;
	_ =	strace $0x9000004F  }
0xb2: {  	s29 =	simm.s32 $0x9;
	_ =	strace $0x80000051  }
0xb3: {  	_ =	swait.ge [sflag:s29], $0x1  }
0xb4: {  	[sflag:s29] =	ssyncadd.s32 $0xFFFFFFFF  }
0xb5: {  	_ =	strace $0x90000051  }
0xb6: {  	_ =	sfence  }
0xb7: {  	s30 =	sld [smem:$0x0];
	_ =	sdelay $0x2  }
0xb8: {  	s31 =	sshll.u32 s1, $0xD;
	s1 =	sshrl.u32 s1, $0x2  }
0xb9: {  	s3 =	sand.u32 $0x4000, s31;
	s1 =	sadd.s32 s1, s30  }
0xba: {  	s0 =	sor.u32 s3, s0;
	s1 =	sshll.u32 s1, $0x11  }
0xbb: {  	s0 =	sor.u32 s1, s0  }
0xbc: {  	s0 =	sadd.s32 $0x8F2B, s0  }
0xbd: {  	[sflag:s0] =	ssyncadd.remote.s32 $0x1  }
0xbe: {  	_ =	sfence.sel $0xFFFF  }
0xbf: {  	[dreg:$0x0] =	wrdreg $0xFFFFFFFF;
	(pc) =	sbr.abs _section_cstart, $3  }
0xc0: {  	[dreg:$0x1] =	wrdreg $0xFFFFFFFF  }
0xc1: {  	_ =	task.clear_ibuf [dreg:s6], $0x2FFFF;
	_ =	strace $0x9FFFFFFF  }
0xc2: {  	(tm) =	ssettm $0x7FFFFFFF  }
0xc3: {  	_ =	shalt  }
tec
execute0_lowered:
.L_overlay_start_1:
0x0: {  	(tag) =	ssettag $0x1  }
0x1: {  	s0 =	srdreg.scid;
	s6 =	rddreg [dreg:$0x0]  }
0x2: {  	s2 =	rddreg [dreg:$0x1];
	s3 =	simm.s32 $0x0;
	s14 =	simm.s32 $0x80  }
0x3: {  	s15 =	simm.s32 $0x5000;
	s5 =	sand.u32 $0x1, s0;
	s0 =	stileid.u32  }
0x4: {  	s16 =	simm.s32 $0x1;
	s17 =	simm.s32 $0x0;
	s8 =	smul.u32 $0x13C00, s0  }
0x5: {  	[smem:$0x7FF] =	sst s3;
	s1 =	sshll.u32 s5, $0x4;
	s9 =	smul.u32 $0x13C000, s5  }
0x6: {  	s5 =	ssub.s32 $0x2, s5;
	s29 =	smul.u32 $0x4F000, s0;
	s31 =	sshll.u32 s0, $0x6  }
0x7: {  	s4 =	sor.u32 s0, s1;
	s1 =	rddreg [dreg:$0x2];
	_ =	strace $0x80000050  }
0x8: {  	s11 =	sshrl.u32 s5, $0x1;
	s7 =	smul.u32 $0x500, s4;
	s4 =	sadd.s32 $0x6B200, s6  }
0x9: {  	s28 =	sshrl.u32 s8, $0x3;
	s8 =	sadd.s32 s8, s9;
	s30 =	sshrl.u32 s29, $0x2  }
0xa: {  	s11 =	ssub.s32 s5, s11;
	s8 =	sshrl.u32 s8, $0x3;
	s13 =	sadd.s32 s30, s2  }
0xb: {  	s10 =	sadd.s32 s7, s6;
	s7 =	sadd.s32 s28, s6;
	s12 =	sadd.s32 s8, s6  }
0xc: {  	s6 =	sor.u32 $0x1C02, s31;
	s5 =	sadd.s32 $0x92400, s7;
	s7 =	sadd.s32 $0x3A000, s10  }
0xd: {  	s8 =	sadd.s32 $0x30000, s10;
	s9 =	sadd.s32 $0xB9C00, s12;
	s10 =	smax.u32 s11, $0x1  }
0xe: {  	s11 =	sshrl.u32 s13, $0x3;
	s12 =	simm.s32 $0x2;
	s13 =	simm.s32 $0x2800  }
.LBB2_1:
0xf: {  	[spmem:s11], [sflag:s6] =	dma.local [hbm:s5], $0x2780  }
0x10: {  	_ =	swait.ge [sflag:s12], $0x2780  }
0x11: {  	[sflag:s12] =	ssyncset.done $0x0  }
0x12: {  	[sflag:s12] =	ssyncadd.s32 $0xFFFFD880  }
0x13: {  	[tilespmem:s3], [sflag:$0x2] =	stream.linear.gather [hbm4b:s7+s3], $0x2780, $0x38;
	[tilespmem:$0x1CC00] =	vst v63  }
0x14: {  	_ =	swait.ge [sflag:s12], $0x2780  }
0x15: {  	[sflag:s12] =	ssyncset.done $0x0  }
0x16: {  	[sflag:s12] =	ssyncadd.s32 $0xFFFFD880  }
0x17: {  	[tilespmem:s13], [sflag:$0x2] =	stream.linear.gather [hbm4b:s8+s3], $0x2780, $0x38;
	[tilespmem:$0x1CC00] =	vst v63  }
0x18: {  	_ =	swait.ge [sflag:s12], $0x2780  }
0x19: {  	[sflag:s12] =	ssyncset.done $0x0  }
0x1a: {  	[sflag:s12] =	ssyncadd.s32 $0xFFFFD880  }
0x1b: {  	s18 =	simm.s32 $0x0;
	[bflag:$0x0] =	sbarrier.arrive $0xFFFF  }
0x1c: {  	[tilespmem:s15], [sflag:$0x1] =	stream.indirect.gather [hbm4b:s4+s14], $0x80, s18, s14, $0xb8;
	[tilespmem:$0x1CC00] =	vst v63  }
0x1d: {  	_ =	swait.ge [sflag:s16], $0x4000  }
0x1e: {  	[sflag:s16] =	ssyncset.done $0x0  }
0x1f: {  	s31 =	simm.s32 $0x2800;
	[sflag:s16] =	ssyncadd.s32 $0xFFFFC000  }
0x20: {  	[spmem:s2] =	stream.indirect.scatter.add.f32 [tilespmem:s15], [sflag:$0x2], $0x80, s31, s14, $0xb8;
	[tilespmem:$0x1CC00] =	vst v63  }
0x21: {  	_ =	swait.ge [sflag:s12], $0x4000  }
0x22: {  	s19 =	simm.s32 $0x400;
	s18 =	simm.s32 $0x200;
	[sflag:s12] =	ssyncset.done $0x0  }
.LBB2_2:
0x23: {  	s20 =	sshra.s32 s18, $0x2  }
0x24: {  	[sflag:s12] =	ssyncadd.s32 $0xFFFFC000;
	s18 =	smov.u32 s19;
	s21 =	sadd.s32 $0x200, s19  }
0x25: {  	[tilespmem:s15], [sflag:$0x1] =	stream.indirect.gather [hbm4b:s4+s14], $0x80, s20, s14, $0xb8;
	[tilespmem:$0x1CC00] =	vst v63  }
0x26: {  	p0 =	sne.s32 s19, $0x9C00;
	_ =	swait.ge [sflag:s16], $0x4000  }
.Ltmp0:
0x27: {  	[sflag:s16] =	ssyncset.done $0x0;
	(pc) =	sbr.rel @p0 .LBB2_2-.Ltmp0, $4  }
0x28: {  	s19 =	sadd.s32 $0x2800, s20;
	[sflag:s16] =	ssyncadd.s32 $0xFFFFC000  }
0x29: {  	[spmem:s2] =	stream.indirect.scatter.add.f32 [tilespmem:s15], [sflag:$0x2], $0x80, s19, s14, $0xb8;
	[tilespmem:$0x1CC00] =	vst v63  }
0x2a: {  	_ =	swait.ge [sflag:s12], $0x4000  }
0x2b: {  	s19 =	smov.u32 s21;
	[sflag:s12] =	ssyncset.done $0x0  }
0x2c: {  	s18 =	sshra.s32 s18, $0x2;
	[sflag:s12] =	ssyncadd.s32 $0xFFFFC000  }
0x2d: {  	[tilespmem:s15], [sflag:$0x1] =	stream.indirect.gather [hbm4b:s4+s14], $0x80, s18, s14, $0xb8;
	[tilespmem:$0x1CC00] =	vst v63  }
0x2e: {  	_ =	swait.ge [sflag:s16], $0x4000  }
0x2f: {  	[sflag:s16] =	ssyncset.done $0x0  }
0x30: {  	s18 =	sadd.s32 $0x2800, s18;
	[sflag:s16] =	ssyncadd.s32 $0xFFFFC000  }
0x31: {  	[spmem:s2] =	stream.indirect.scatter.add.f32 [tilespmem:s15], [sflag:$0x2], $0x80, s18, s14, $0xb8;
	[tilespmem:$0x1CC00] =	vst v63  }
0x32: {  	_ =	swait.ge [sflag:s12], $0x4000  }
0x33: {  	s17 =	sadd.s32 $0x1, s17;
	[sflag:s12] =	ssyncset.done $0x0  }
0x34: {  	p0 =	sne.s32 s17, s10;
	[sflag:s12] =	ssyncadd.s32 $0xFFFFC000  }
.Ltmp1:
0x35: {  	[bflag:$0x0] =	sbarrier.arrive $0xFFFF;
	(pc) =	sbr.rel @p0 .LBB2_1-.Ltmp1, $4  }
0x36: {  	[hbm:s9], [sflag:s6] =	dma.local [spmem:s11], $0x2780  }
0x37: {  	_ =	swait.ge [sflag:s12], $0x2780  }
0x38: {  	[sflag:s12] =	ssyncset.done $0x0  }
0x39: {  	[sflag:s12] =	ssyncadd.s32 $0xFFFFD880  }
0x3a: {  	_ =	sfence.sel $0x180000  }
0x3b: {  	[bflag:$0x0] =	sbarrier.arrive $0xFFFF  }
0x3c: {  	p0 =	sne.s32 s0, $0x0;
	_ =	strace $0x90000050  }
0x3d: {  	s0 =	sadd.s32 @!p0 $0x100000, s1;
	[bflag:$0x2] =	sbarrier.arrive $0xFFFF  }
0x3e: {  	[sflag:s0] =	ssyncadd.tile.s32 @!p0 $0x1;
	_ =	shalt  }
.Lfunc_end2:
_tile_overlayer_lowered:
.L_overlay_start_2:
0x3f: {  	(tag) =	ssettag $0x2  }
0x40: {  	s0 =	rddreg [dreg:$0x0];
	s2 =	stileid.u32  }
0x41: {  	s1 =	rddreg [dreg:$0x1];
	p0 =	sne.s32 s2, $0x0  }
0x42: {  	s3 =	rddreg [dreg:$0x2];
	[bflag:$0x3] =	sbarrier.arrive $0xFFFF;
	s2 =	simm.s32 @!p0 $0x1C02  }
0x43: {  	[timem:s3], [sflag:s2] =	dma.local @!p0 [hbm:s0], s1  }
0x44: {  	s0 =	simm.s32 @!p0 $0x2  }
0x45: {  	_ =	swait.ge @!p0 [sflag:s0], s1  }
0x46: {  	s1 =	ssub.s32 @!p0 $0x0, s1;
	[sflag:s0] =	ssyncset.done @!p0 $0x0  }
0x47: {  	[sflag:s0] =	ssyncadd.s32 @!p0 s1  }
0x48: {  	[bflag:$0x3] =	sbarrier.arrive $0xFFFF  }
0x49: {  	_ =	shalt  }

// kernel: kernel.29.cloned.1.call-start
scs
__scs_entry_jumppad:
0x0: {  	(pc) =	sbr.rel $0x88, $3  }
0x1: {  	(tag) =	ssettag $0x0;
	lr =	simm.s32 $0x1  }
0x2: {  	[smem:$0x3F89] =	sst lr;
	_ =	strace $0xD0000000  }
0x3: {  	_ = 	snop  }
0x4: {  	_ = 	snop  }
0x5: {  	_ = 	snop  }
0x6: {  	_ = 	snop  }
0x7: {  	_ = 	snop  }
__scs_overlays_trampoline_lowered:
0x8: {  	[smem:$0x3F98] =	sst s0  }
0x9: {  	[smem:$0x3F99] =	sst s1  }
0xa: {  	[smem:$0x3F9A] =	sst s2  }
0xb: {  	[smem:$0x3F9B] =	sst s3  }
0xc: {  	[smem:$0x3F9C] =	sst s4  }
0xd: {  	[smem:$0x3F9D] =	sst s5  }
0xe: {  	[smem:$0x3F9E] =	sst s6  }
0xf: {  	[smem:$0x3F9F] =	sst s7  }
0x10: {  	[smem:$0x3FA0] =	sst s8  }
0x11: {  	[smem:$0x3FA1] =	sst s9;
	s0 =	simm.s32 @!p0 $0x0  }
0x12: {  	s1 =	sld [smem:$0x3F87];
	s0 =	simm.s32 @p0 $0x1  }
0x13: {  	[smem:$0x3FA2] =	sst s0;
	s0 =	simm.s32 @!p1 $0x0  }
0x14: {  	s2 =	sld [smem:$0x3F86];
	s0 =	simm.s32 @p1 $0x1  }
0x15: {  	[smem:$0x3FA3] =	sst s0;
	s0 =	simm.s32 @!p2 $0x0  }
0x16: {  	s3 =	sld [smem:$0x3FDB];
	s0 =	simm.s32 @p2 $0x1  }
0x17: {  	s4 =	simm.s32 $0x1BF5;
	[smem:$0x3FA5] =	sst s0  }
0x18: {  	s0 =	sld [smem:$0x3F88];
	_ =	swait.ge [sflag:s4], $0x0  }
0x19: {  	s7 =	sld [smem:$0x3F89]  }
0x1a: {  	s8 =	sadd.s32 $0xFFFFE003, lr  }
0x1b: {  	s9 =	sadd.s32 $0xFFFFFEF7, lr;
	s5 =	simm.s32 $0xFFFFFFFF;
	p2 =	slt.u32 s8, $0xFFFFF086  }
0x1c: {  	p1 =	slt.u32 s9, $0xF7A;
	s5 =	simm.s32 @!p2 $0x0  }
0x1d: {  	s5 =	simm.s32 @p1 $0x1;
	p0 =	seq.s32 s7, s2  }
0x1e: {  	s7 =	smul.u32 @!p0 $0xF7A, s2;
	p2 =	seq.s32 @!p0 s5, $0x0  }
0x1f: {  	s9 =	smul.u32 $0xF7A, s1;
	s8 =	simm.s32 @!p0 $0x1BF5;
	p2 =	por !p2, p0  }
0x20: {  	[sflag:s8] =	ssyncset.s32 @!p0 $0xFFFFF086;
	s6 =	sadd.s32 @!p0 s3, s7;
	s7 =	simm.s32 @!p0 $0x108  }
0x21: {  	s3 =	sadd.s32 s3, s9;
	s6 =	sadd.s32 @!p0 $0x88, s6;
	s7 =	simm.s32 @p2 $0x1082  }
0x22: {  	[simem:s7], [sflag:s8] =	dma.local @!p0 [hbm:s6], $0xF7A  }
0x23: {  	s9 =	sor.u32 $0xD0000000, s2;
	s6 =	simm.s32 $0x108;
	_ =	swait.ge @!p0 [sflag:s8], $0x0  }
0x24: {  	s3 =	sadd.s32 $0x88, s3;
	s6 =	simm.s32 @!p1 $0x1082;
	[sflag:s4] =	ssyncset.s32 $0xFFFFF086  }
0x25: {  	[simem:s6], [sflag:s4] =	dma.local [hbm:s3], $0xF7A  }
0x26: {  	[smem:$0x3F89] =	sst s1;
	(tag) =	ssettag s2;
	_ =	strace s9  }
0x27: {  	s1 =	sld [smem:$0x3F99]  }
0x28: {  	s2 =	sld [smem:$0x3F9A]  }
0x29: {  	s4 =	sld [smem:$0x3F9C]  }
0x2a: {  	p0 =	seq.s32 s5, $0x0;
	s5 =	sld [smem:$0x3F9D]  }
0x2b: {  	s6 =	sld [smem:$0x3F9E]  }
0x2c: {  	s7 =	sld [smem:$0x3F9F]  }
0x2d: {  	s3 =	simm.s32 $0x108;
	s8 =	sld [smem:$0x3FA0]  }
0x2e: {  	s3 =	simm.s32 @!p0 $0x1082;
	s9 =	sld [smem:$0x3FA1]  }
0x2f: {  	lr =	sadd.s32 s0, s3;
	s0 =	sld [smem:$0x3F98]  }
0x30: {  	s3 =	sld [smem:$0x3F9B]  }
0x31: {  	[smem:$0x3FA4] =	sst s10  }
0x32: {  	s10 =	sld [smem:$0x3FA2];
	_ =	sdelay $0x3  }
0x33: {  	p0 =	seq.s32 s10, $0x1;
	s10 =	sld [smem:$0x3FA4];
	_ =	sdelay $0x3  }
0x34: {  	[smem:$0x3FA4] =	sst s10  }
0x35: {  	s10 =	sld [smem:$0x3FA3];
	_ =	sdelay $0x3  }
0x36: {  	p1 =	seq.s32 s10, $0x1;
	s10 =	sld [smem:$0x3FA4];
	_ =	sdelay $0x3  }
0x37: {  	[smem:$0x3FA4] =	sst s10  }
0x38: {  	s10 =	sld [smem:$0x3FA5]  }
0x39: {  	_ = 	snop;
	(pc) =	sbr.ind lr, $3  }
0x3a: {  	_ = 	snop  }
0x3b: {  	_ = 	snop  }
0x3c: {  	p2 =	seq.s32 s10, $0x1;
	s10 =	sld [smem:$0x3FA4]  }
0x3d: {  	_ =	shalt  }
0x3e: {  	_ =	shalt  }
0x3f: {  	_ =	shalt  }
0x40: {  	_ =	shalt  }
0x41: {  	_ =	shalt  }
0x42: {  	_ =	shalt  }
0x43: {  	_ =	shalt  }
0x44: {  	_ =	shalt  }
0x45: {  	_ =	shalt  }
0x46: {  	_ =	shalt  }
0x47: {  	_ =	shalt  }
0x48: {  	_ =	shalt  }
0x49: {  	_ =	shalt  }
0x4a: {  	_ =	shalt  }
0x4b: {  	_ =	shalt  }
0x4c: {  	_ =	shalt  }
0x4d: {  	_ =	shalt  }
0x4e: {  	_ =	shalt  }
0x4f: {  	_ =	shalt  }
0x50: {  	_ =	shalt  }
0x51: {  	_ =	shalt  }
0x52: {  	_ =	shalt  }
0x53: {  	_ =	shalt  }
0x54: {  	_ =	shalt  }
0x55: {  	_ =	shalt  }
0x56: {  	_ =	shalt  }
0x57: {  	_ =	shalt  }
0x58: {  	_ =	shalt  }
0x59: {  	_ =	shalt  }
0x5a: {  	_ =	shalt  }
0x5b: {  	_ =	shalt  }
0x5c: {  	_ =	shalt  }
0x5d: {  	_ =	shalt  }
0x5e: {  	_ =	shalt  }
0x5f: {  	_ =	shalt  }
0x60: {  	_ =	shalt  }
0x61: {  	_ =	shalt  }
0x62: {  	_ =	shalt  }
0x63: {  	_ =	shalt  }
0x64: {  	_ =	shalt  }
0x65: {  	_ =	shalt  }
0x66: {  	_ =	shalt  }
0x67: {  	_ =	shalt  }
0x68: {  	_ =	shalt  }
0x69: {  	_ =	shalt  }
0x6a: {  	_ =	shalt  }
0x6b: {  	_ =	shalt  }
0x6c: {  	_ =	shalt  }
0x6d: {  	_ =	shalt  }
0x6e: {  	_ =	shalt  }
0x6f: {  	_ =	shalt  }
0x70: {  	_ =	shalt  }
0x71: {  	_ =	shalt  }
0x72: {  	_ =	shalt  }
0x73: {  	_ =	shalt  }
0x74: {  	_ =	shalt  }
0x75: {  	_ =	shalt  }
0x76: {  	_ =	shalt  }
0x77: {  	_ =	shalt  }
0x78: {  	_ =	shalt  }
0x79: {  	_ =	shalt  }
0x7a: {  	_ =	shalt  }
0x7b: {  	_ =	shalt  }
0x7c: {  	_ =	shalt  }
0x7d: {  	_ =	shalt  }
0x7e: {  	_ =	shalt  }
0x7f: {  	_ =	shalt  }
0x80: {  	_ =	shalt  }
0x81: {  	_ =	shalt  }
0x82: {  	_ =	shalt  }
0x83: {  	_ =	shalt  }
0x84: {  	_ =	shalt  }
0x85: {  	_ =	shalt  }
0x86: {  	_ =	shalt  }
0x87: {  	_ =	shalt  }
.Lfunc_end0:
.L_simem_size_0:
called_computation.4_lowered:
.L_overlay_start_0:
0x88: {  	s2 =	sld [smem:$0x3FD9]  }
0x89: {  	s3 =	sld [smem:$0x3FFE];
	_ =	sdelay $0x1  }
0x8a: {  	s1 =	srdreg.scid  }
0x8b: {  	s0 =	sand.u32 $0x1, s1  }
0x8c: {  	s16 =	sshll.u32 s0, $0xA;
	s2 =	sadd.s32 s3, s2  }
0x8d: {  	s2 =	sadd.s32 s2, s16  }
0x8e: {  	[smem:$0x3FB0] =	sst s2  }
0x8f: {  	_ = 	snop  }
0x90: {  	(tm) =	ssettm $0x1  }
0x91: {  	s17 =	sld [smem:$0x3FFB];
	_ =	sdelay $0x3  }
0x92: {  	_ =	strace s17  }
0x93: {  	s2 =	sld [smem:$0x3FFC];
	_ =	sdelay $0x3  }
0x94: {  	_ =	strace s2  }
0x95: {  	s2 =	sld [smem:$0x3FFD];
	_ =	sdelay $0x3  }
0x96: {  	_ =	strace s2  }
0x97: {  	_ =	strace $0x8FFFFFFF  }
0x98: {  	s18 =	sld [smem:$0x3FDB];
	_ =	sdelay $0x1  }
0x99: {  	s19 =	simm.s32 $_scs_section_size  }
0x9a: {  	s4 =	simm.s32 $_size__tile_overlayer_lowered;
	s5 =	simm.s32 $_tile_overlayer_lowered  }
0x9b: {  	s22 =	simm.s32 $0x1BFF;
	s21 =	sshll.u32 s5, $0x1;
	s2 =	sadd.s32 s19, s18  }
0x9c: {  	s6 =	simm.s32 $0x0;
	s20 =	sshll.u32 s4, $0x1;
	s4 =	sadd.s32 s21, s2  }
0x9d: {  	[timem:s6], [sflag:s22] =	dma.local [hbm:s4], s20  }
0x9e: {  	_ =	swait.ge [sflag:s22], s20  }
0x9f: {  	s3 =	ssub.s32 $0x0, s20;
	[sflag:s22] =	ssyncset.done $0x0  }
0xa0: {  	[sflag:s22] =	ssyncadd.s32 s3;
	_ =	sdelay $0x1  }
0xa1: {  	s23 =	simm.s32 $0x1B8B  }
0xa2: {  	_ =	swait.ge [sflag:s23], $0x1  }
0xa3: {  	[sflag:s23] =	ssyncset.done $0x0  }
0xa4: {  	s25 =	simm.s32 $0x1B8E;
	s24 =	sld [smem:$0x3FFE];
	[sflag:s23] =	ssyncadd.s32 $0xFFFFFFFF  }
0xa5: {  	s26 =	simm.s32 $execute0_lowered;
	[smem:$0x3FD2] =	sst s25  }
0xa6: {  	s4 =	sshll.u32 s26, $0x1;
	_ =	strace $0x80000052;
	[dreg:$0x1] =	wrdreg $0xFFFFFFFF  }
0xa7: {  	s28 =	simm.s32 $_size_execute0_lowered;
	s2 =	sadd.s32 s2, s4;
	[dreg:$0x0] =	wrdreg $0x0  }
0xa8: {  	s4 =	sshll.u32 s28, $0x1;
	[dreg:$0x2] =	wrdreg s2  }
0xa9: {  	[dreg:$0x3] =	wrdreg s4  }
0xaa: {  	[dreg:$0x4] =	wrdreg $0xC0  }
0xab: {  	_ =	task [dreg:s6], $0x5FFFF  }
0xac: {  	[dreg:$0x1] =	wrdreg $0xFFFFFFFF  }
0xad: {  	[dreg:$0x0] =	wrdreg $0x60  }
0xae: {  	[dreg:$0x2] =	wrdreg s24  }
0xaf: {  	[dreg:$0x3] =	wrdreg $0x90000  }
0xb0: {  	[dreg:$0x4] =	wrdreg $0x9  }
0xb1: {  	_ =	task.clear_ibuf [dreg:s6], $0x5FFFF;
	_ =	strace $0x90000052  }
0xb2: {  	s29 =	simm.s32 $0x9;
	_ =	strace $0x80000054  }
0xb3: {  	_ =	swait.ge [sflag:s29], $0x1  }
0xb4: {  	[sflag:s29] =	ssyncadd.s32 $0xFFFFFFFF  }
0xb5: {  	_ =	strace $0x90000054  }
0xb6: {  	_ =	sfence  }
0xb7: {  	s30 =	sld [smem:$0x0];
	_ =	sdelay $0x2  }
0xb8: {  	s31 =	sshll.u32 s1, $0xD;
	s1 =	sshrl.u32 s1, $0x2  }
0xb9: {  	s3 =	sand.u32 $0x4000, s31;
	s1 =	sadd.s32 s1, s30  }
0xba: {  	s0 =	sor.u32 s3, s0;
	s1 =	sshll.u32 s1, $0x11  }
0xbb: {  	s0 =	sor.u32 s1, s0  }
0xbc: {  	s0 =	sadd.s32 $0x8F2B, s0  }
0xbd: {  	[sflag:s0] =	ssyncadd.remote.s32 $0x1  }
0xbe: {  	_ =	sfence.sel $0xFFFF  }
0xbf: {  	[dreg:$0x0] =	wrdreg $0xFFFFFFFF;
	(pc) =	sbr.abs _section_cstart, $3  }
0xc0: {  	[dreg:$0x1] =	wrdreg $0xFFFFFFFF  }
0xc1: {  	_ =	task.clear_ibuf [dreg:s6], $0x2FFFF;
	_ =	strace $0x9FFFFFFF  }
0xc2: {  	(tm) =	ssettm $0x7FFFFFFF  }
0xc3: {  	_ =	shalt  }
tec
execute0_lowered:
.L_overlay_start_1:
0x0: {  	(tag) =	ssettag $0x1  }
0x1: {  	s0 =	srdreg.scid;
	s6 =	rddreg [dreg:$0x0]  }
0x2: {  	s2 =	rddreg [dreg:$0x1];
	s3 =	simm.s32 $0x0;
	s14 =	simm.s32 $0x80  }
0x3: {  	s15 =	simm.s32 $0x5000;
	s5 =	sand.u32 $0x1, s0;
	s0 =	stileid.u32  }
0x4: {  	s16 =	simm.s32 $0x1;
	s17 =	simm.s32 $0x0;
	s8 =	smul.u32 $0x13C00, s0  }
0x5: {  	[smem:$0x7FF] =	sst s3;
	s1 =	sshll.u32 s5, $0x4;
	s9 =	smul.u32 $0x13C000, s5  }
0x6: {  	s5 =	ssub.s32 $0x2, s5;
	s11 =	smul.u32 $0x4F000, s0;
	s30 =	sshll.u32 s0, $0x6  }
0x7: {  	s4 =	sor.u32 s0, s1;
	s1 =	rddreg [dreg:$0x2];
	_ =	strace $0x80000053  }
0x8: {  	s29 =	sshrl.u32 s5, $0x1;
	s7 =	smul.u32 $0x500, s4;
	s4 =	sadd.s32 $0x6B200, s6  }
0x9: {  	s28 =	sshrl.u32 s8, $0x3;
	s8 =	sadd.s32 s8, s9;
	s31 =	sshrl.u32 s11, $0x2  }
0xa: {  	s13 =	ssub.s32 s5, s29;
	s8 =	sshrl.u32 s8, $0x3;
	s11 =	sadd.s32 s31, s2  }
0xb: {  	s10 =	sadd.s32 s7, s6;
	s7 =	sadd.s32 s28, s6;
	s12 =	sadd.s32 s8, s6  }
0xc: {  	s6 =	sor.u32 $0x1C02, s30;
	s5 =	sadd.s32 $0x92400, s7;
	s7 =	sadd.s32 $0x112C00, s10  }
0xd: {  	s11 =	sshrl.u32 s11, $0x3;
	s8 =	sadd.s32 $0x108C00, s10;
	s9 =	sadd.s32 $0xB9C00, s12  }
0xe: {  	s10 =	smax.u32 s13, $0x1;
	s12 =	simm.s32 $0x2;
	s13 =	simm.s32 $0x2800  }
.LBB2_1:
0xf: {  	[spmem:s11], [sflag:s6] =	dma.local [hbm:s5], $0x2780  }
0x10: {  	_ =	swait.ge [sflag:s12], $0x2780  }
0x11: {  	[sflag:s12] =	ssyncset.done $0x0  }
0x12: {  	[sflag:s12] =	ssyncadd.s32 $0xFFFFD880  }
0x13: {  	[tilespmem:s3], [sflag:$0x2] =	stream.linear.gather [hbm4b:s7+s3], $0x2780, $0x38;
	[tilespmem:$0x1CC00] =	vst v63  }
0x14: {  	_ =	swait.ge [sflag:s12], $0x2780  }
0x15: {  	[sflag:s12] =	ssyncset.done $0x0  }
0x16: {  	[sflag:s12] =	ssyncadd.s32 $0xFFFFD880  }
0x17: {  	[tilespmem:s13], [sflag:$0x2] =	stream.linear.gather [hbm4b:s8+s3], $0x2780, $0x38;
	[tilespmem:$0x1CC00] =	vst v63  }
0x18: {  	_ =	swait.ge [sflag:s12], $0x2780  }
0x19: {  	[sflag:s12] =	ssyncset.done $0x0  }
0x1a: {  	[sflag:s12] =	ssyncadd.s32 $0xFFFFD880  }
0x1b: {  	s18 =	simm.s32 $0x0;
	[bflag:$0x0] =	sbarrier.arrive $0xFFFF  }
0x1c: {  	[tilespmem:s15], [sflag:$0x1] =	stream.indirect.gather [hbm4b:s4+s14], $0x80, s18, s14, $0xb8;
	[tilespmem:$0x1CC00] =	vst v63  }
0x1d: {  	_ =	swait.ge [sflag:s16], $0x4000  }
0x1e: {  	[sflag:s16] =	ssyncset.done $0x0  }
0x1f: {  	s31 =	simm.s32 $0x2800;
	[sflag:s16] =	ssyncadd.s32 $0xFFFFC000  }
0x20: {  	[spmem:s2] =	stream.indirect.scatter.add.f32 [tilespmem:s15], [sflag:$0x2], $0x80, s31, s14, $0xb8;
	[tilespmem:$0x1CC00] =	vst v63  }
0x21: {  	_ =	swait.ge [sflag:s12], $0x4000  }
0x22: {  	s19 =	simm.s32 $0x400;
	s18 =	simm.s32 $0x200;
	[sflag:s12] =	ssyncset.done $0x0  }
.LBB2_2:
0x23: {  	s20 =	sshra.s32 s18, $0x2  }
0x24: {  	[sflag:s12] =	ssyncadd.s32 $0xFFFFC000;
	s18 =	smov.u32 s19;
	s21 =	sadd.s32 $0x200, s19  }
0x25: {  	[tilespmem:s15], [sflag:$0x1] =	stream.indirect.gather [hbm4b:s4+s14], $0x80, s20, s14, $0xb8;
	[tilespmem:$0x1CC00] =	vst v63  }
0x26: {  	p0 =	sne.s32 s19, $0x9C00;
	_ =	swait.ge [sflag:s16], $0x4000  }
.Ltmp0:
0x27: {  	[sflag:s16] =	ssyncset.done $0x0;
	(pc) =	sbr.rel @p0 .LBB2_2-.Ltmp0, $4  }
0x28: {  	s19 =	sadd.s32 $0x2800, s20;
	[sflag:s16] =	ssyncadd.s32 $0xFFFFC000  }
0x29: {  	[spmem:s2] =	stream.indirect.scatter.add.f32 [tilespmem:s15], [sflag:$0x2], $0x80, s19, s14, $0xb8;
	[tilespmem:$0x1CC00] =	vst v63  }
0x2a: {  	_ =	swait.ge [sflag:s12], $0x4000  }
0x2b: {  	s19 =	smov.u32 s21;
	[sflag:s12] =	ssyncset.done $0x0  }
0x2c: {  	s18 =	sshra.s32 s18, $0x2;
	[sflag:s12] =	ssyncadd.s32 $0xFFFFC000  }
0x2d: {  	[tilespmem:s15], [sflag:$0x1] =	stream.indirect.gather [hbm4b:s4+s14], $0x80, s18, s14, $0xb8;
	[tilespmem:$0x1CC00] =	vst v63  }
0x2e: {  	_ =	swait.ge [sflag:s16], $0x4000  }
0x2f: {  	[sflag:s16] =	ssyncset.done $0x0  }
0x30: {  	s18 =	sadd.s32 $0x2800, s18;
	[sflag:s16] =	ssyncadd.s32 $0xFFFFC000  }
0x31: {  	[spmem:s2] =	stream.indirect.scatter.add.f32 [tilespmem:s15], [sflag:$0x2], $0x80, s18, s14, $0xb8;
	[tilespmem:$0x1CC00] =	vst v63  }
0x32: {  	_ =	swait.ge [sflag:s12], $0x4000  }
0x33: {  	s17 =	sadd.s32 $0x1, s17;
	[sflag:s12] =	ssyncset.done $0x0  }
0x34: {  	p0 =	sne.s32 s17, s10;
	[sflag:s12] =	ssyncadd.s32 $0xFFFFC000  }
.Ltmp1:
0x35: {  	[bflag:$0x0] =	sbarrier.arrive $0xFFFF;
	(pc) =	sbr.rel @p0 .LBB2_1-.Ltmp1, $4  }
0x36: {  	[hbm:s9], [sflag:s6] =	dma.local [spmem:s11], $0x2780  }
0x37: {  	_ =	swait.ge [sflag:s12], $0x2780  }
0x38: {  	[sflag:s12] =	ssyncset.done $0x0  }
0x39: {  	[sflag:s12] =	ssyncadd.s32 $0xFFFFD880  }
0x3a: {  	_ =	sfence.sel $0x180000  }
0x3b: {  	[bflag:$0x0] =	sbarrier.arrive $0xFFFF  }
0x3c: {  	p0 =	sne.s32 s0, $0x0;
	_ =	strace $0x90000053  }
0x3d: {  	s0 =	sadd.s32 @!p0 $0x100000, s1;
	[bflag:$0x2] =	sbarrier.arrive $0xFFFF  }
0x3e: {  	[sflag:s0] =	ssyncadd.tile.s32 @!p0 $0x1;
	_ =	shalt  }
.Lfunc_end2:
_tile_overlayer_lowered:
.L_overlay_start_2:
0x3f: {  	(tag) =	ssettag $0x2  }
0x40: {  	s0 =	rddreg [dreg:$0x0];
	s2 =	stileid.u32  }
0x41: {  	s1 =	rddreg [dreg:$0x1];
	p0 =	sne.s32 s2, $0x0  }
0x42: {  	s3 =	rddreg [dreg:$0x2];
	[bflag:$0x3] =	sbarrier.arrive $0xFFFF;
	s2 =	simm.s32 @!p0 $0x1C02  }
0x43: {  	[timem:s3], [sflag:s2] =	dma.local @!p0 [hbm:s0], s1  }
0x44: {  	s0 =	simm.s32 @!p0 $0x2  }
0x45: {  	_ =	swait.ge @!p0 [sflag:s0], s1  }
0x46: {  	s1 =	ssub.s32 @!p0 $0x0, s1;
	[sflag:s0] =	ssyncset.done @!p0 $0x0  }
0x47: {  	[sflag:s0] =	ssyncadd.s32 @!p0 s1  }
0x48: {  	[bflag:$0x3] =	sbarrier.arrive $0xFFFF  }
0x49: {  	_ =	shalt  }

// kernel: kernel.32.cloned.1.call-start
scs
__scs_entry_jumppad:
0x0: {  	(pc) =	sbr.rel $0x88, $3  }
0x1: {  	(tag) =	ssettag $0x0;
	lr =	simm.s32 $0x1  }
0x2: {  	[smem:$0x3F89] =	sst lr;
	_ =	strace $0xD0000000  }
0x3: {  	_ = 	snop  }
0x4: {  	_ = 	snop  }
0x5: {  	_ = 	snop  }
0x6: {  	_ = 	snop  }
0x7: {  	_ = 	snop  }
__scs_overlays_trampoline_lowered:
0x8: {  	[smem:$0x3F98] =	sst s0  }
0x9: {  	[smem:$0x3F99] =	sst s1  }
0xa: {  	[smem:$0x3F9A] =	sst s2  }
0xb: {  	[smem:$0x3F9B] =	sst s3  }
0xc: {  	[smem:$0x3F9C] =	sst s4  }
0xd: {  	[smem:$0x3F9D] =	sst s5  }
0xe: {  	[smem:$0x3F9E] =	sst s6  }
0xf: {  	[smem:$0x3F9F] =	sst s7  }
0x10: {  	[smem:$0x3FA0] =	sst s8  }
0x11: {  	[smem:$0x3FA1] =	sst s9;
	s0 =	simm.s32 @!p0 $0x0  }
0x12: {  	s1 =	sld [smem:$0x3F87];
	s0 =	simm.s32 @p0 $0x1  }
0x13: {  	[smem:$0x3FA2] =	sst s0;
	s0 =	simm.s32 @!p1 $0x0  }
0x14: {  	s2 =	sld [smem:$0x3F86];
	s0 =	simm.s32 @p1 $0x1  }
0x15: {  	[smem:$0x3FA3] =	sst s0;
	s0 =	simm.s32 @!p2 $0x0  }
0x16: {  	s3 =	sld [smem:$0x3FDB];
	s0 =	simm.s32 @p2 $0x1  }
0x17: {  	s4 =	simm.s32 $0x1BF5;
	[smem:$0x3FA5] =	sst s0  }
0x18: {  	s0 =	sld [smem:$0x3F88];
	_ =	swait.ge [sflag:s4], $0x0  }
0x19: {  	s7 =	sld [smem:$0x3F89]  }
0x1a: {  	s8 =	sadd.s32 $0xFFFFE003, lr  }
0x1b: {  	s9 =	sadd.s32 $0xFFFFFEF7, lr;
	s5 =	simm.s32 $0xFFFFFFFF;
	p2 =	slt.u32 s8, $0xFFFFF086  }
0x1c: {  	p1 =	slt.u32 s9, $0xF7A;
	s5 =	simm.s32 @!p2 $0x0  }
0x1d: {  	s5 =	simm.s32 @p1 $0x1;
	p0 =	seq.s32 s7, s2  }
0x1e: {  	s7 =	smul.u32 @!p0 $0xF7A, s2;
	p2 =	seq.s32 @!p0 s5, $0x0  }
0x1f: {  	s9 =	smul.u32 $0xF7A, s1;
	s8 =	simm.s32 @!p0 $0x1BF5;
	p2 =	por !p2, p0  }
0x20: {  	[sflag:s8] =	ssyncset.s32 @!p0 $0xFFFFF086;
	s6 =	sadd.s32 @!p0 s3, s7;
	s7 =	simm.s32 @!p0 $0x108  }
0x21: {  	s3 =	sadd.s32 s3, s9;
	s6 =	sadd.s32 @!p0 $0x88, s6;
	s7 =	simm.s32 @p2 $0x1082  }
0x22: {  	[simem:s7], [sflag:s8] =	dma.local @!p0 [hbm:s6], $0xF7A  }
0x23: {  	s9 =	sor.u32 $0xD0000000, s2;
	s6 =	simm.s32 $0x108;
	_ =	swait.ge @!p0 [sflag:s8], $0x0  }
0x24: {  	s3 =	sadd.s32 $0x88, s3;
	s6 =	simm.s32 @!p1 $0x1082;
	[sflag:s4] =	ssyncset.s32 $0xFFFFF086  }
0x25: {  	[simem:s6], [sflag:s4] =	dma.local [hbm:s3], $0xF7A  }
0x26: {  	[smem:$0x3F89] =	sst s1;
	(tag) =	ssettag s2;
	_ =	strace s9  }
0x27: {  	s1 =	sld [smem:$0x3F99]  }
0x28: {  	s2 =	sld [smem:$0x3F9A]  }
0x29: {  	s4 =	sld [smem:$0x3F9C]  }
0x2a: {  	p0 =	seq.s32 s5, $0x0;
	s5 =	sld [smem:$0x3F9D]  }
0x2b: {  	s6 =	sld [smem:$0x3F9E]  }
0x2c: {  	s7 =	sld [smem:$0x3F9F]  }
0x2d: {  	s3 =	simm.s32 $0x108;
	s8 =	sld [smem:$0x3FA0]  }
0x2e: {  	s3 =	simm.s32 @!p0 $0x1082;
	s9 =	sld [smem:$0x3FA1]  }
0x2f: {  	lr =	sadd.s32 s0, s3;
	s0 =	sld [smem:$0x3F98]  }
0x30: {  	s3 =	sld [smem:$0x3F9B]  }
0x31: {  	[smem:$0x3FA4] =	sst s10  }
0x32: {  	s10 =	sld [smem:$0x3FA2];
	_ =	sdelay $0x3  }
0x33: {  	p0 =	seq.s32 s10, $0x1;
	s10 =	sld [smem:$0x3FA4];
	_ =	sdelay $0x3  }
0x34: {  	[smem:$0x3FA4] =	sst s10  }
0x35: {  	s10 =	sld [smem:$0x3FA3];
	_ =	sdelay $0x3  }
0x36: {  	p1 =	seq.s32 s10, $0x1;
	s10 =	sld [smem:$0x3FA4];
	_ =	sdelay $0x3  }
0x37: {  	[smem:$0x3FA4] =	sst s10  }
0x38: {  	s10 =	sld [smem:$0x3FA5]  }
0x39: {  	_ = 	snop;
	(pc) =	sbr.ind lr, $3  }
0x3a: {  	_ = 	snop  }
0x3b: {  	_ = 	snop  }
0x3c: {  	p2 =	seq.s32 s10, $0x1;
	s10 =	sld [smem:$0x3FA4]  }
0x3d: {  	_ =	shalt  }
0x3e: {  	_ =	shalt  }
0x3f: {  	_ =	shalt  }
0x40: {  	_ =	shalt  }
0x41: {  	_ =	shalt  }
0x42: {  	_ =	shalt  }
0x43: {  	_ =	shalt  }
0x44: {  	_ =	shalt  }
0x45: {  	_ =	shalt  }
0x46: {  	_ =	shalt  }
0x47: {  	_ =	shalt  }
0x48: {  	_ =	shalt  }
0x49: {  	_ =	shalt  }
0x4a: {  	_ =	shalt  }
0x4b: {  	_ =	shalt  }
0x4c: {  	_ =	shalt  }
0x4d: {  	_ =	shalt  }
0x4e: {  	_ =	shalt  }
0x4f: {  	_ =	shalt  }
0x50: {  	_ =	shalt  }
0x51: {  	_ =	shalt  }
0x52: {  	_ =	shalt  }
0x53: {  	_ =	shalt  }
0x54: {  	_ =	shalt  }
0x55: {  	_ =	shalt  }
0x56: {  	_ =	shalt  }
0x57: {  	_ =	shalt  }
0x58: {  	_ =	shalt  }
0x59: {  	_ =	shalt  }
0x5a: {  	_ =	shalt  }
0x5b: {  	_ =	shalt  }
0x5c: {  	_ =	shalt  }
0x5d: {  	_ =	shalt  }
0x5e: {  	_ =	shalt  }
0x5f: {  	_ =	shalt  }
0x60: {  	_ =	shalt  }
0x61: {  	_ =	shalt  }
0x62: {  	_ =	shalt  }
0x63: {  	_ =	shalt  }
0x64: {  	_ =	shalt  }
0x65: {  	_ =	shalt  }
0x66: {  	_ =	shalt  }
0x67: {  	_ =	shalt  }
0x68: {  	_ =	shalt  }
0x69: {  	_ =	shalt  }
0x6a: {  	_ =	shalt  }
0x6b: {  	_ =	shalt  }
0x6c: {  	_ =	shalt  }
0x6d: {  	_ =	shalt  }
0x6e: {  	_ =	shalt  }
0x6f: {  	_ =	shalt  }
0x70: {  	_ =	shalt  }
0x71: {  	_ =	shalt  }
0x72: {  	_ =	shalt  }
0x73: {  	_ =	shalt  }
0x74: {  	_ =	shalt  }
0x75: {  	_ =	shalt  }
0x76: {  	_ =	shalt  }
0x77: {  	_ =	shalt  }
0x78: {  	_ =	shalt  }
0x79: {  	_ =	shalt  }
0x7a: {  	_ =	shalt  }
0x7b: {  	_ =	shalt  }
0x7c: {  	_ =	shalt  }
0x7d: {  	_ =	shalt  }
0x7e: {  	_ =	shalt  }
0x7f: {  	_ =	shalt  }
0x80: {  	_ =	shalt  }
0x81: {  	_ =	shalt  }
0x82: {  	_ =	shalt  }
0x83: {  	_ =	shalt  }
0x84: {  	_ =	shalt  }
0x85: {  	_ =	shalt  }
0x86: {  	_ =	shalt  }
0x87: {  	_ =	shalt  }
.Lfunc_end0:
.L_simem_size_0:
called_computation.5_lowered:
.L_overlay_start_0:
0x88: {  	s2 =	sld [smem:$0x3FD9]  }
0x89: {  	s3 =	sld [smem:$0x3FFE];
	_ =	sdelay $0x1  }
0x8a: {  	s1 =	srdreg.scid  }
0x8b: {  	s0 =	sand.u32 $0x1, s1  }
0x8c: {  	s16 =	sshll.u32 s0, $0xA;
	s2 =	sadd.s32 s3, s2  }
0x8d: {  	s2 =	sadd.s32 s2, s16  }
0x8e: {  	[smem:$0x3FB0] =	sst s2  }
0x8f: {  	_ = 	snop  }
0x90: {  	(tm) =	ssettm $0x1  }
0x91: {  	s17 =	sld [smem:$0x3FFB];
	_ =	sdelay $0x3  }
0x92: {  	_ =	strace s17  }
0x93: {  	s2 =	sld [smem:$0x3FFC];
	_ =	sdelay $0x3  }
0x94: {  	_ =	strace s2  }
0x95: {  	s2 =	sld [smem:$0x3FFD];
	_ =	sdelay $0x3  }
0x96: {  	_ =	strace s2  }
0x97: {  	_ =	strace $0x8FFFFFFF  }
0x98: {  	s18 =	sld [smem:$0x3FDB];
	_ =	sdelay $0x1  }
0x99: {  	s19 =	simm.s32 $_scs_section_size  }
0x9a: {  	s4 =	simm.s32 $_size__tile_overlayer_lowered;
	s5 =	simm.s32 $_tile_overlayer_lowered  }
0x9b: {  	s22 =	simm.s32 $0x1BFF;
	s21 =	sshll.u32 s5, $0x1;
	s2 =	sadd.s32 s19, s18  }
0x9c: {  	s6 =	simm.s32 $0x0;
	s20 =	sshll.u32 s4, $0x1;
	s4 =	sadd.s32 s21, s2  }
0x9d: {  	[timem:s6], [sflag:s22] =	dma.local [hbm:s4], s20  }
0x9e: {  	_ =	swait.ge [sflag:s22], s20  }
0x9f: {  	s3 =	ssub.s32 $0x0, s20;
	[sflag:s22] =	ssyncset.done $0x0  }
0xa0: {  	[sflag:s22] =	ssyncadd.s32 s3;
	_ =	sdelay $0x1  }
0xa1: {  	s23 =	simm.s32 $0x1B8B  }
0xa2: {  	_ =	swait.ge [sflag:s23], $0x1  }
0xa3: {  	[sflag:s23] =	ssyncset.done $0x0  }
0xa4: {  	s25 =	simm.s32 $0x1B8E;
	s24 =	sld [smem:$0x3FFE];
	[sflag:s23] =	ssyncadd.s32 $0xFFFFFFFF  }
0xa5: {  	s26 =	simm.s32 $execute0_lowered;
	[smem:$0x3FD2] =	sst s25  }
0xa6: {  	s4 =	sshll.u32 s26, $0x1;
	_ =	strace $0x80000055;
	[dreg:$0x1] =	wrdreg $0xFFFFFFFF  }
0xa7: {  	s28 =	simm.s32 $_size_execute0_lowered;
	s2 =	sadd.s32 s2, s4;
	[dreg:$0x0] =	wrdreg $0x0  }
0xa8: {  	s4 =	sshll.u32 s28, $0x1;
	[dreg:$0x2] =	wrdreg s2  }
0xa9: {  	[dreg:$0x3] =	wrdreg s4  }
0xaa: {  	[dreg:$0x4] =	wrdreg $0xC0  }
0xab: {  	_ =	task [dreg:s6], $0x5FFFF  }
0xac: {  	[dreg:$0x1] =	wrdreg $0xFFFFFFFF  }
0xad: {  	[dreg:$0x0] =	wrdreg $0x60  }
0xae: {  	[dreg:$0x2] =	wrdreg s24  }
0xaf: {  	[dreg:$0x3] =	wrdreg $0x90000  }
0xb0: {  	[dreg:$0x4] =	wrdreg $0x9  }
0xb1: {  	_ =	task.clear_ibuf [dreg:s6], $0x5FFFF;
	_ =	strace $0x90000055  }
0xb2: {  	s29 =	simm.s32 $0x9;
	_ =	strace $0x80000057  }
0xb3: {  	_ =	swait.ge [sflag:s29], $0x1  }
0xb4: {  	[sflag:s29] =	ssyncadd.s32 $0xFFFFFFFF  }
0xb5: {  	_ =	strace $0x90000057  }
0xb6: {  	_ =	sfence  }
0xb7: {  	s30 =	sld [smem:$0x0];
	_ =	sdelay $0x2  }
0xb8: {  	s31 =	sshll.u32 s1, $0xD;
	s1 =	sshrl.u32 s1, $0x2  }
0xb9: {  	s3 =	sand.u32 $0x4000, s31;
	s1 =	sadd.s32 s1, s30  }
0xba: {  	s0 =	sor.u32 s3, s0;
	s1 =	sshll.u32 s1, $0x11  }
0xbb: {  	s0 =	sor.u32 s1, s0  }
0xbc: {  	s0 =	sadd.s32 $0x8F2B, s0  }
0xbd: {  	[sflag:s0] =	ssyncadd.remote.s32 $0x1  }
0xbe: {  	_ =	sfence.sel $0xFFFF  }
0xbf: {  	[dreg:$0x0] =	wrdreg $0xFFFFFFFF;
	(pc) =	sbr.abs _section_cstart, $3  }
0xc0: {  	[dreg:$0x1] =	wrdreg $0xFFFFFFFF  }
0xc1: {  	_ =	task.clear_ibuf [dreg:s6], $0x2FFFF;
	_ =	strace $0x9FFFFFFF  }
0xc2: {  	(tm) =	ssettm $0x7FFFFFFF  }
0xc3: {  	_ =	shalt  }
tec
execute0_lowered:
.L_overlay_start_1:
0x0: {  	(tag) =	ssettag $0x1  }
0x1: {  	s0 =	srdreg.scid;
	s6 =	rddreg [dreg:$0x0]  }
0x2: {  	s2 =	rddreg [dreg:$0x1];
	s3 =	simm.s32 $0x0;
	s14 =	simm.s32 $0x80  }
0x3: {  	s15 =	simm.s32 $0x5000;
	s5 =	sand.u32 $0x1, s0;
	s0 =	stileid.u32  }
0x4: {  	s16 =	simm.s32 $0x1;
	s17 =	simm.s32 $0x0;
	s8 =	smul.u32 $0x13C00, s0  }
0x5: {  	[smem:$0x7FF] =	sst s3;
	s1 =	sshll.u32 s5, $0x4;
	s9 =	smul.u32 $0x13C000, s5  }
0x6: {  	s5 =	ssub.s32 $0x2, s5;
	s29 =	smul.u32 $0x4F000, s0;
	s31 =	sshll.u32 s0, $0x6  }
0x7: {  	s4 =	sor.u32 s0, s1;
	s1 =	rddreg [dreg:$0x2];
	_ =	strace $0x80000056  }
0x8: {  	s11 =	sshrl.u32 s5, $0x1;
	s7 =	smul.u32 $0x500, s4;
	s4 =	sadd.s32 $0x6B200, s6  }
0x9: {  	s28 =	sshrl.u32 s8, $0x3;
	s8 =	sadd.s32 s8, s9;
	s30 =	sshrl.u32 s29, $0x2  }
0xa: {  	s11 =	ssub.s32 s5, s11;
	s8 =	sshrl.u32 s8, $0x3;
	s13 =	sadd.s32 s30, s2  }
0xb: {  	s10 =	sadd.s32 s7, s6;
	s7 =	sadd.s32 s28, s6;
	s12 =	sadd.s32 s8, s6  }
0xc: {  	s6 =	sor.u32 $0x1C02, s31;
	s5 =	sadd.s32 $0x92400, s7;
	s7 =	sadd.s32 $0x3A000, s10  }
0xd: {  	s8 =	sadd.s32 $0x30000, s10;
	s9 =	sadd.s32 $0xB9C00, s12;
	s10 =	smax.u32 s11, $0x1  }
0xe: {  	s11 =	sshrl.u32 s13, $0x3;
	s12 =	simm.s32 $0x2;
	s13 =	simm.s32 $0x2800  }
.LBB2_1:
0xf: {  	[spmem:s11], [sflag:s6] =	dma.local [hbm:s5], $0x2780  }
0x10: {  	_ =	swait.ge [sflag:s12], $0x2780  }
0x11: {  	[sflag:s12] =	ssyncset.done $0x0  }
0x12: {  	[sflag:s12] =	ssyncadd.s32 $0xFFFFD880  }
0x13: {  	[tilespmem:s3], [sflag:$0x2] =	stream.linear.gather [hbm4b:s7+s3], $0x2780, $0x38;
	[tilespmem:$0x1CC00] =	vst v63  }
0x14: {  	_ =	swait.ge [sflag:s12], $0x2780  }
0x15: {  	[sflag:s12] =	ssyncset.done $0x0  }
0x16: {  	[sflag:s12] =	ssyncadd.s32 $0xFFFFD880  }
0x17: {  	[tilespmem:s13], [sflag:$0x2] =	stream.linear.gather [hbm4b:s8+s3], $0x2780, $0x38;
	[tilespmem:$0x1CC00] =	vst v63  }
0x18: {  	_ =	swait.ge [sflag:s12], $0x2780  }
0x19: {  	[sflag:s12] =	ssyncset.done $0x0  }
0x1a: {  	[sflag:s12] =	ssyncadd.s32 $0xFFFFD880  }
0x1b: {  	s18 =	simm.s32 $0x0;
	[bflag:$0x0] =	sbarrier.arrive $0xFFFF  }
0x1c: {  	[tilespmem:s15], [sflag:$0x1] =	stream.indirect.gather [hbm4b:s4+s14], $0x80, s18, s14, $0xb8;
	[tilespmem:$0x1CC00] =	vst v63  }
0x1d: {  	_ =	swait.ge [sflag:s16], $0x4000  }
0x1e: {  	[sflag:s16] =	ssyncset.done $0x0  }
0x1f: {  	s31 =	simm.s32 $0x2800;
	[sflag:s16] =	ssyncadd.s32 $0xFFFFC000  }
0x20: {  	[spmem:s2] =	stream.indirect.scatter.add.f32 [tilespmem:s15], [sflag:$0x2], $0x80, s31, s14, $0xb8;
	[tilespmem:$0x1CC00] =	vst v63  }
0x21: {  	_ =	swait.ge [sflag:s12], $0x4000  }
0x22: {  	s19 =	simm.s32 $0x400;
	s18 =	simm.s32 $0x200;
	[sflag:s12] =	ssyncset.done $0x0  }
.LBB2_2:
0x23: {  	s20 =	sshra.s32 s18, $0x2  }
0x24: {  	[sflag:s12] =	ssyncadd.s32 $0xFFFFC000;
	s18 =	smov.u32 s19;
	s21 =	sadd.s32 $0x200, s19  }
0x25: {  	[tilespmem:s15], [sflag:$0x1] =	stream.indirect.gather [hbm4b:s4+s14], $0x80, s20, s14, $0xb8;
	[tilespmem:$0x1CC00] =	vst v63  }
0x26: {  	p0 =	sne.s32 s19, $0x9C00;
	_ =	swait.ge [sflag:s16], $0x4000  }
.Ltmp0:
0x27: {  	[sflag:s16] =	ssyncset.done $0x0;
	(pc) =	sbr.rel @p0 .LBB2_2-.Ltmp0, $4  }
0x28: {  	s19 =	sadd.s32 $0x2800, s20;
	[sflag:s16] =	ssyncadd.s32 $0xFFFFC000  }
0x29: {  	[spmem:s2] =	stream.indirect.scatter.add.f32 [tilespmem:s15], [sflag:$0x2], $0x80, s19, s14, $0xb8;
	[tilespmem:$0x1CC00] =	vst v63  }
0x2a: {  	_ =	swait.ge [sflag:s12], $0x4000  }
0x2b: {  	s19 =	smov.u32 s21;
	[sflag:s12] =	ssyncset.done $0x0  }
0x2c: {  	s18 =	sshra.s32 s18, $0x2;
	[sflag:s12] =	ssyncadd.s32 $0xFFFFC000  }
0x2d: {  	[tilespmem:s15], [sflag:$0x1] =	stream.indirect.gather [hbm4b:s4+s14], $0x80, s18, s14, $0xb8;
	[tilespmem:$0x1CC00] =	vst v63  }
0x2e: {  	_ =	swait.ge [sflag:s16], $0x4000  }
0x2f: {  	[sflag:s16] =	ssyncset.done $0x0  }
0x30: {  	s18 =	sadd.s32 $0x2800, s18;
	[sflag:s16] =	ssyncadd.s32 $0xFFFFC000  }
0x31: {  	[spmem:s2] =	stream.indirect.scatter.add.f32 [tilespmem:s15], [sflag:$0x2], $0x80, s18, s14, $0xb8;
	[tilespmem:$0x1CC00] =	vst v63  }
0x32: {  	_ =	swait.ge [sflag:s12], $0x4000  }
0x33: {  	s17 =	sadd.s32 $0x1, s17;
	[sflag:s12] =	ssyncset.done $0x0  }
0x34: {  	p0 =	sne.s32 s17, s10;
	[sflag:s12] =	ssyncadd.s32 $0xFFFFC000  }
.Ltmp1:
0x35: {  	[bflag:$0x0] =	sbarrier.arrive $0xFFFF;
	(pc) =	sbr.rel @p0 .LBB2_1-.Ltmp1, $4  }
0x36: {  	[hbm:s9], [sflag:s6] =	dma.local [spmem:s11], $0x2780  }
0x37: {  	_ =	swait.ge [sflag:s12], $0x2780  }
0x38: {  	[sflag:s12] =	ssyncset.done $0x0  }
0x39: {  	[sflag:s12] =	ssyncadd.s32 $0xFFFFD880  }
0x3a: {  	_ =	sfence.sel $0x180000  }
0x3b: {  	[bflag:$0x0] =	sbarrier.arrive $0xFFFF  }
0x3c: {  	p0 =	sne.s32 s0, $0x0;
	_ =	strace $0x90000056  }
0x3d: {  	s0 =	sadd.s32 @!p0 $0x100000, s1;
	[bflag:$0x2] =	sbarrier.arrive $0xFFFF  }
0x3e: {  	[sflag:s0] =	ssyncadd.tile.s32 @!p0 $0x1;
	_ =	shalt  }
.Lfunc_end2:
_tile_overlayer_lowered:
.L_overlay_start_2:
0x3f: {  	(tag) =	ssettag $0x2  }
0x40: {  	s0 =	rddreg [dreg:$0x0];
	s2 =	stileid.u32  }
0x41: {  	s1 =	rddreg [dreg:$0x1];
	p0 =	sne.s32 s2, $0x0  }
0x42: {  	s3 =	rddreg [dreg:$0x2];
	[bflag:$0x3] =	sbarrier.arrive $0xFFFF;
	s2 =	simm.s32 @!p0 $0x1C02  }
0x43: {  	[timem:s3], [sflag:s2] =	dma.local @!p0 [hbm:s0], s1  }
0x44: {  	s0 =	simm.s32 @!p0 $0x2  }
0x45: {  	_ =	swait.ge @!p0 [sflag:s0], s1  }
0x46: {  	s1 =	ssub.s32 @!p0 $0x0, s1;
	[sflag:s0] =	ssyncset.done @!p0 $0x0  }
0x47: {  	[sflag:s0] =	ssyncadd.s32 @!p0 s1  }
0x48: {  	[bflag:$0x3] =	sbarrier.arrive $0xFFFF  }
0x49: {  	_ =	shalt  }

// kernel: kernel.35.cloned.1.call-start
scs
__scs_entry_jumppad:
0x0: {  	(pc) =	sbr.rel $0x88, $3  }
0x1: {  	(tag) =	ssettag $0x0;
	lr =	simm.s32 $0x1  }
0x2: {  	[smem:$0x3F89] =	sst lr;
	_ =	strace $0xD0000000  }
0x3: {  	_ = 	snop  }
0x4: {  	_ = 	snop  }
0x5: {  	_ = 	snop  }
0x6: {  	_ = 	snop  }
0x7: {  	_ = 	snop  }
__scs_overlays_trampoline_lowered:
0x8: {  	[smem:$0x3F98] =	sst s0  }
0x9: {  	[smem:$0x3F99] =	sst s1  }
0xa: {  	[smem:$0x3F9A] =	sst s2  }
0xb: {  	[smem:$0x3F9B] =	sst s3  }
0xc: {  	[smem:$0x3F9C] =	sst s4  }
0xd: {  	[smem:$0x3F9D] =	sst s5  }
0xe: {  	[smem:$0x3F9E] =	sst s6  }
0xf: {  	[smem:$0x3F9F] =	sst s7  }
0x10: {  	[smem:$0x3FA0] =	sst s8  }
0x11: {  	[smem:$0x3FA1] =	sst s9;
	s0 =	simm.s32 @!p0 $0x0  }
0x12: {  	s1 =	sld [smem:$0x3F87];
	s0 =	simm.s32 @p0 $0x1  }
0x13: {  	[smem:$0x3FA2] =	sst s0;
	s0 =	simm.s32 @!p1 $0x0  }
0x14: {  	s2 =	sld [smem:$0x3F86];
	s0 =	simm.s32 @p1 $0x1  }
0x15: {  	[smem:$0x3FA3] =	sst s0;
	s0 =	simm.s32 @!p2 $0x0  }
0x16: {  	s3 =	sld [smem:$0x3FDB];
	s0 =	simm.s32 @p2 $0x1  }
0x17: {  	s4 =	simm.s32 $0x1BF5;
	[smem:$0x3FA5] =	sst s0  }
0x18: {  	s0 =	sld [smem:$0x3F88];
	_ =	swait.ge [sflag:s4], $0x0  }
0x19: {  	s7 =	sld [smem:$0x3F89]  }
0x1a: {  	s8 =	sadd.s32 $0xFFFFE003, lr  }
0x1b: {  	s9 =	sadd.s32 $0xFFFFFEF7, lr;
	s5 =	simm.s32 $0xFFFFFFFF;
	p2 =	slt.u32 s8, $0xFFFFF086  }
0x1c: {  	p1 =	slt.u32 s9, $0xF7A;
	s5 =	simm.s32 @!p2 $0x0  }
0x1d: {  	s5 =	simm.s32 @p1 $0x1;
	p0 =	seq.s32 s7, s2  }
0x1e: {  	s7 =	smul.u32 @!p0 $0xF7A, s2;
	p2 =	seq.s32 @!p0 s5, $0x0  }
0x1f: {  	s9 =	smul.u32 $0xF7A, s1;
	s8 =	simm.s32 @!p0 $0x1BF5;
	p2 =	por !p2, p0  }
0x20: {  	[sflag:s8] =	ssyncset.s32 @!p0 $0xFFFFF086;
	s6 =	sadd.s32 @!p0 s3, s7;
	s7 =	simm.s32 @!p0 $0x108  }
0x21: {  	s3 =	sadd.s32 s3, s9;
	s6 =	sadd.s32 @!p0 $0x88, s6;
	s7 =	simm.s32 @p2 $0x1082  }
0x22: {  	[simem:s7], [sflag:s8] =	dma.local @!p0 [hbm:s6], $0xF7A  }
0x23: {  	s9 =	sor.u32 $0xD0000000, s2;
	s6 =	simm.s32 $0x108;
	_ =	swait.ge @!p0 [sflag:s8], $0x0  }
0x24: {  	s3 =	sadd.s32 $0x88, s3;
	s6 =	simm.s32 @!p1 $0x1082;
	[sflag:s4] =	ssyncset.s32 $0xFFFFF086  }
0x25: {  	[simem:s6], [sflag:s4] =	dma.local [hbm:s3], $0xF7A  }
0x26: {  	[smem:$0x3F89] =	sst s1;
	(tag) =	ssettag s2;
	_ =	strace s9  }
0x27: {  	s1 =	sld [smem:$0x3F99]  }
0x28: {  	s2 =	sld [smem:$0x3F9A]  }
0x29: {  	s4 =	sld [smem:$0x3F9C]  }
0x2a: {  	p0 =	seq.s32 s5, $0x0;
	s5 =	sld [smem:$0x3F9D]  }
0x2b: {  	s6 =	sld [smem:$0x3F9E]  }
0x2c: {  	s7 =	sld [smem:$0x3F9F]  }
0x2d: {  	s3 =	simm.s32 $0x108;
	s8 =	sld [smem:$0x3FA0]  }
0x2e: {  	s3 =	simm.s32 @!p0 $0x1082;
	s9 =	sld [smem:$0x3FA1]  }
0x2f: {  	lr =	sadd.s32 s0, s3;
	s0 =	sld [smem:$0x3F98]  }
0x30: {  	s3 =	sld [smem:$0x3F9B]  }
0x31: {  	[smem:$0x3FA4] =	sst s10  }
0x32: {  	s10 =	sld [smem:$0x3FA2];
	_ =	sdelay $0x3  }
0x33: {  	p0 =	seq.s32 s10, $0x1;
	s10 =	sld [smem:$0x3FA4];
	_ =	sdelay $0x3  }
0x34: {  	[smem:$0x3FA4] =	sst s10  }
0x35: {  	s10 =	sld [smem:$0x3FA3];
	_ =	sdelay $0x3  }
0x36: {  	p1 =	seq.s32 s10, $0x1;
	s10 =	sld [smem:$0x3FA4];
	_ =	sdelay $0x3  }
0x37: {  	[smem:$0x3FA4] =	sst s10  }
0x38: {  	s10 =	sld [smem:$0x3FA5]  }
0x39: {  	_ = 	snop;
	(pc) =	sbr.ind lr, $3  }
0x3a: {  	_ = 	snop  }
0x3b: {  	_ = 	snop  }
0x3c: {  	p2 =	seq.s32 s10, $0x1;
	s10 =	sld [smem:$0x3FA4]  }
0x3d: {  	_ =	shalt  }
0x3e: {  	_ =	shalt  }
0x3f: {  	_ =	shalt  }
0x40: {  	_ =	shalt  }
0x41: {  	_ =	shalt  }
0x42: {  	_ =	shalt  }
0x43: {  	_ =	shalt  }
0x44: {  	_ =	shalt  }
0x45: {  	_ =	shalt  }
0x46: {  	_ =	shalt  }
0x47: {  	_ =	shalt  }
0x48: {  	_ =	shalt  }
0x49: {  	_ =	shalt  }
0x4a: {  	_ =	shalt  }
0x4b: {  	_ =	shalt  }
0x4c: {  	_ =	shalt  }
0x4d: {  	_ =	shalt  }
0x4e: {  	_ =	shalt  }
0x4f: {  	_ =	shalt  }
0x50: {  	_ =	shalt  }
0x51: {  	_ =	shalt  }
0x52: {  	_ =	shalt  }
0x53: {  	_ =	shalt  }
0x54: {  	_ =	shalt  }
0x55: {  	_ =	shalt  }
0x56: {  	_ =	shalt  }
0x57: {  	_ =	shalt  }
0x58: {  	_ =	shalt  }
0x59: {  	_ =	shalt  }
0x5a: {  	_ =	shalt  }
0x5b: {  	_ =	shalt  }
0x5c: {  	_ =	shalt  }
0x5d: {  	_ =	shalt  }
0x5e: {  	_ =	shalt  }
0x5f: {  	_ =	shalt  }
0x60: {  	_ =	shalt  }
0x61: {  	_ =	shalt  }
0x62: {  	_ =	shalt  }
0x63: {  	_ =	shalt  }
0x64: {  	_ =	shalt  }
0x65: {  	_ =	shalt  }
0x66: {  	_ =	shalt  }
0x67: {  	_ =	shalt  }
0x68: {  	_ =	shalt  }
0x69: {  	_ =	shalt  }
0x6a: {  	_ =	shalt  }
0x6b: {  	_ =	shalt  }
0x6c: {  	_ =	shalt  }
0x6d: {  	_ =	shalt  }
0x6e: {  	_ =	shalt  }
0x6f: {  	_ =	shalt  }
0x70: {  	_ =	shalt  }
0x71: {  	_ =	shalt  }
0x72: {  	_ =	shalt  }
0x73: {  	_ =	shalt  }
0x74: {  	_ =	shalt  }
0x75: {  	_ =	shalt  }
0x76: {  	_ =	shalt  }
0x77: {  	_ =	shalt  }
0x78: {  	_ =	shalt  }
0x79: {  	_ =	shalt  }
0x7a: {  	_ =	shalt  }
0x7b: {  	_ =	shalt  }
0x7c: {  	_ =	shalt  }
0x7d: {  	_ =	shalt  }
0x7e: {  	_ =	shalt  }
0x7f: {  	_ =	shalt  }
0x80: {  	_ =	shalt  }
0x81: {  	_ =	shalt  }
0x82: {  	_ =	shalt  }
0x83: {  	_ =	shalt  }
0x84: {  	_ =	shalt  }
0x85: {  	_ =	shalt  }
0x86: {  	_ =	shalt  }
0x87: {  	_ =	shalt  }
.Lfunc_end0:
.L_simem_size_0:
called_computation.6_lowered:
.L_overlay_start_0:
0x88: {  	s2 =	sld [smem:$0x3FD9]  }
0x89: {  	s3 =	sld [smem:$0x3FFE];
	_ =	sdelay $0x1  }
0x8a: {  	s1 =	srdreg.scid  }
0x8b: {  	s0 =	sand.u32 $0x1, s1  }
0x8c: {  	s16 =	sshll.u32 s0, $0xA;
	s2 =	sadd.s32 s3, s2  }
0x8d: {  	s2 =	sadd.s32 s2, s16  }
0x8e: {  	[smem:$0x3FB0] =	sst s2  }
0x8f: {  	_ = 	snop  }
0x90: {  	(tm) =	ssettm $0x1  }
0x91: {  	s17 =	sld [smem:$0x3FFB];
	_ =	sdelay $0x3  }
0x92: {  	_ =	strace s17  }
0x93: {  	s2 =	sld [smem:$0x3FFC];
	_ =	sdelay $0x3  }
0x94: {  	_ =	strace s2  }
0x95: {  	s2 =	sld [smem:$0x3FFD];
	_ =	sdelay $0x3  }
0x96: {  	_ =	strace s2  }
0x97: {  	_ =	strace $0x8FFFFFFF  }
0x98: {  	s18 =	sld [smem:$0x3FDB];
	_ =	sdelay $0x1  }
0x99: {  	s19 =	simm.s32 $_scs_section_size  }
0x9a: {  	s4 =	simm.s32 $_size__tile_overlayer_lowered;
	s5 =	simm.s32 $_tile_overlayer_lowered  }
0x9b: {  	s22 =	simm.s32 $0x1BFF;
	s21 =	sshll.u32 s5, $0x1;
	s2 =	sadd.s32 s19, s18  }
0x9c: {  	s6 =	simm.s32 $0x0;
	s20 =	sshll.u32 s4, $0x1;
	s4 =	sadd.s32 s21, s2  }
0x9d: {  	[timem:s6], [sflag:s22] =	dma.local [hbm:s4], s20  }
0x9e: {  	_ =	swait.ge [sflag:s22], s20  }
0x9f: {  	s3 =	ssub.s32 $0x0, s20;
	[sflag:s22] =	ssyncset.done $0x0  }
0xa0: {  	[sflag:s22] =	ssyncadd.s32 s3;
	_ =	sdelay $0x1  }
0xa1: {  	s23 =	simm.s32 $0x1B8B  }
0xa2: {  	_ =	swait.ge [sflag:s23], $0x1  }
0xa3: {  	[sflag:s23] =	ssyncset.done $0x0  }
0xa4: {  	s25 =	simm.s32 $0x1B8E;
	s24 =	sld [smem:$0x3FFE];
	[sflag:s23] =	ssyncadd.s32 $0xFFFFFFFF  }
0xa5: {  	s26 =	simm.s32 $execute0_lowered;
	[smem:$0x3FD2] =	sst s25  }
0xa6: {  	s4 =	sshll.u32 s26, $0x1;
	_ =	strace $0x80000058;
	[dreg:$0x1] =	wrdreg $0xFFFFFFFF  }
0xa7: {  	s28 =	simm.s32 $_size_execute0_lowered;
	s2 =	sadd.s32 s2, s4;
	[dreg:$0x0] =	wrdreg $0x0  }
0xa8: {  	s4 =	sshll.u32 s28, $0x1;
	[dreg:$0x2] =	wrdreg s2  }
0xa9: {  	[dreg:$0x3] =	wrdreg s4  }
0xaa: {  	[dreg:$0x4] =	wrdreg $0xC0  }
0xab: {  	_ =	task [dreg:s6], $0x5FFFF  }
0xac: {  	[dreg:$0x1] =	wrdreg $0xFFFFFFFF  }
0xad: {  	[dreg:$0x0] =	wrdreg $0x60  }
0xae: {  	[dreg:$0x2] =	wrdreg s24  }
0xaf: {  	[dreg:$0x3] =	wrdreg $0x90000  }
0xb0: {  	[dreg:$0x4] =	wrdreg $0x9  }
0xb1: {  	_ =	task.clear_ibuf [dreg:s6], $0x5FFFF;
	_ =	strace $0x90000058  }
0xb2: {  	s29 =	simm.s32 $0x9;
	_ =	strace $0x8000005A  }
0xb3: {  	_ =	swait.ge [sflag:s29], $0x1  }
0xb4: {  	[sflag:s29] =	ssyncadd.s32 $0xFFFFFFFF  }
0xb5: {  	_ =	strace $0x9000005A  }
0xb6: {  	_ =	sfence  }
0xb7: {  	s30 =	sld [smem:$0x0];
	_ =	sdelay $0x2  }
0xb8: {  	s31 =	sshll.u32 s1, $0xD;
	s1 =	sshrl.u32 s1, $0x2  }
0xb9: {  	s3 =	sand.u32 $0x4000, s31;
	s1 =	sadd.s32 s1, s30  }
0xba: {  	s0 =	sor.u32 s3, s0;
	s1 =	sshll.u32 s1, $0x11  }
0xbb: {  	s0 =	sor.u32 s1, s0  }
0xbc: {  	s0 =	sadd.s32 $0x8F2B, s0  }
0xbd: {  	[sflag:s0] =	ssyncadd.remote.s32 $0x1  }
0xbe: {  	_ =	sfence.sel $0xFFFF  }
0xbf: {  	[dreg:$0x0] =	wrdreg $0xFFFFFFFF;
	(pc) =	sbr.abs _section_cstart, $3  }
0xc0: {  	[dreg:$0x1] =	wrdreg $0xFFFFFFFF  }
0xc1: {  	_ =	task.clear_ibuf [dreg:s6], $0x2FFFF;
	_ =	strace $0x9FFFFFFF  }
0xc2: {  	(tm) =	ssettm $0x7FFFFFFF  }
0xc3: {  	_ =	shalt  }
tec
execute0_lowered:
.L_overlay_start_1:
0x0: {  	(tag) =	ssettag $0x1  }
0x1: {  	s0 =	srdreg.scid;
	s6 =	rddreg [dreg:$0x0]  }
0x2: {  	s2 =	rddreg [dreg:$0x1];
	s3 =	simm.s32 $0x0;
	s14 =	simm.s32 $0x80  }
0x3: {  	s15 =	simm.s32 $0x5000;
	s5 =	sand.u32 $0x1, s0;
	s0 =	stileid.u32  }
0x4: {  	s16 =	simm.s32 $0x1;
	s17 =	simm.s32 $0x0;
	s8 =	smul.u32 $0x13C00, s0  }
0x5: {  	[smem:$0x7FF] =	sst s3;
	s1 =	sshll.u32 s5, $0x4;
	s9 =	smul.u32 $0x13C000, s5  }
0x6: {  	s5 =	ssub.s32 $0x2, s5;
	s11 =	smul.u32 $0x4F000, s0;
	s30 =	sshll.u32 s0, $0x6  }
0x7: {  	s4 =	sor.u32 s0, s1;
	s1 =	rddreg [dreg:$0x2];
	_ =	strace $0x80000059  }
0x8: {  	s29 =	sshrl.u32 s5, $0x1;
	s7 =	smul.u32 $0x500, s4;
	s4 =	sadd.s32 $0x6B200, s6  }
0x9: {  	s28 =	sshrl.u32 s8, $0x3;
	s8 =	sadd.s32 s8, s9;
	s31 =	sshrl.u32 s11, $0x2  }
0xa: {  	s13 =	ssub.s32 s5, s29;
	s8 =	sshrl.u32 s8, $0x3;
	s11 =	sadd.s32 s31, s2  }
0xb: {  	s10 =	sadd.s32 s7, s6;
	s7 =	sadd.s32 s28, s6;
	s12 =	sadd.s32 s8, s6  }
0xc: {  	s6 =	sor.u32 $0x1C02, s30;
	s5 =	sadd.s32 $0x92400, s7;
	s7 =	sadd.s32 $0x112C00, s10  }
0xd: {  	s11 =	sshrl.u32 s11, $0x3;
	s8 =	sadd.s32 $0x108C00, s10;
	s9 =	sadd.s32 $0xB9C00, s12  }
0xe: {  	s10 =	smax.u32 s13, $0x1;
	s12 =	simm.s32 $0x2;
	s13 =	simm.s32 $0x2800  }
.LBB2_1:
0xf: {  	[spmem:s11], [sflag:s6] =	dma.local [hbm:s5], $0x2780  }
0x10: {  	_ =	swait.ge [sflag:s12], $0x2780  }
0x11: {  	[sflag:s12] =	ssyncset.done $0x0  }
0x12: {  	[sflag:s12] =	ssyncadd.s32 $0xFFFFD880  }
0x13: {  	[tilespmem:s3], [sflag:$0x2] =	stream.linear.gather [hbm4b:s7+s3], $0x2780, $0x38;
	[tilespmem:$0x1CC00] =	vst v63  }
0x14: {  	_ =	swait.ge [sflag:s12], $0x2780  }
0x15: {  	[sflag:s12] =	ssyncset.done $0x0  }
0x16: {  	[sflag:s12] =	ssyncadd.s32 $0xFFFFD880  }
0x17: {  	[tilespmem:s13], [sflag:$0x2] =	stream.linear.gather [hbm4b:s8+s3], $0x2780, $0x38;
	[tilespmem:$0x1CC00] =	vst v63  }
0x18: {  	_ =	swait.ge [sflag:s12], $0x2780  }
0x19: {  	[sflag:s12] =	ssyncset.done $0x0  }
0x1a: {  	[sflag:s12] =	ssyncadd.s32 $0xFFFFD880  }
0x1b: {  	s18 =	simm.s32 $0x0;
	[bflag:$0x0] =	sbarrier.arrive $0xFFFF  }
0x1c: {  	[tilespmem:s15], [sflag:$0x1] =	stream.indirect.gather [hbm4b:s4+s14], $0x80, s18, s14, $0xb8;
	[tilespmem:$0x1CC00] =	vst v63  }
0x1d: {  	_ =	swait.ge [sflag:s16], $0x4000  }
0x1e: {  	[sflag:s16] =	ssyncset.done $0x0  }
0x1f: {  	s31 =	simm.s32 $0x2800;
	[sflag:s16] =	ssyncadd.s32 $0xFFFFC000  }
0x20: {  	[spmem:s2] =	stream.indirect.scatter.add.f32 [tilespmem:s15], [sflag:$0x2], $0x80, s31, s14, $0xb8;
	[tilespmem:$0x1CC00] =	vst v63  }
0x21: {  	_ =	swait.ge [sflag:s12], $0x4000  }
0x22: {  	s19 =	simm.s32 $0x400;
	s18 =	simm.s32 $0x200;
	[sflag:s12] =	ssyncset.done $0x0  }
.LBB2_2:
0x23: {  	s20 =	sshra.s32 s18, $0x2  }
0x24: {  	[sflag:s12] =	ssyncadd.s32 $0xFFFFC000;
	s18 =	smov.u32 s19;
	s21 =	sadd.s32 $0x200, s19  }
0x25: {  	[tilespmem:s15], [sflag:$0x1] =	stream.indirect.gather [hbm4b:s4+s14], $0x80, s20, s14, $0xb8;
	[tilespmem:$0x1CC00] =	vst v63  }
0x26: {  	p0 =	sne.s32 s19, $0x9C00;
	_ =	swait.ge [sflag:s16], $0x4000  }
.Ltmp0:
0x27: {  	[sflag:s16] =	ssyncset.done $0x0;
	(pc) =	sbr.rel @p0 .LBB2_2-.Ltmp0, $4  }
0x28: {  	s19 =	sadd.s32 $0x2800, s20;
	[sflag:s16] =	ssyncadd.s32 $0xFFFFC000  }
0x29: {  	[spmem:s2] =	stream.indirect.scatter.add.f32 [tilespmem:s15], [sflag:$0x2], $0x80, s19, s14, $0xb8;
	[tilespmem:$0x1CC00] =	vst v63  }
0x2a: {  	_ =	swait.ge [sflag:s12], $0x4000  }
0x2b: {  	s19 =	smov.u32 s21;
	[sflag:s12] =	ssyncset.done $0x0  }
0x2c: {  	s18 =	sshra.s32 s18, $0x2;
	[sflag:s12] =	ssyncadd.s32 $0xFFFFC000  }
0x2d: {  	[tilespmem:s15], [sflag:$0x1] =	stream.indirect.gather [hbm4b:s4+s14], $0x80, s18, s14, $0xb8;
	[tilespmem:$0x1CC00] =	vst v63  }
0x2e: {  	_ =	swait.ge [sflag:s16], $0x4000  }
0x2f: {  	[sflag:s16] =	ssyncset.done $0x0  }
0x30: {  	s18 =	sadd.s32 $0x2800, s18;
	[sflag:s16] =	ssyncadd.s32 $0xFFFFC000  }
0x31: {  	[spmem:s2] =	stream.indirect.scatter.add.f32 [tilespmem:s15], [sflag:$0x2], $0x80, s18, s14, $0xb8;
	[tilespmem:$0x1CC00] =	vst v63  }
0x32: {  	_ =	swait.ge [sflag:s12], $0x4000  }
0x33: {  	s17 =	sadd.s32 $0x1, s17;
	[sflag:s12] =	ssyncset.done $0x0  }
0x34: {  	p0 =	sne.s32 s17, s10;
	[sflag:s12] =	ssyncadd.s32 $0xFFFFC000  }
.Ltmp1:
0x35: {  	[bflag:$0x0] =	sbarrier.arrive $0xFFFF;
	(pc) =	sbr.rel @p0 .LBB2_1-.Ltmp1, $4  }
0x36: {  	[hbm:s9], [sflag:s6] =	dma.local [spmem:s11], $0x2780  }
0x37: {  	_ =	swait.ge [sflag:s12], $0x2780  }
0x38: {  	[sflag:s12] =	ssyncset.done $0x0  }
0x39: {  	[sflag:s12] =	ssyncadd.s32 $0xFFFFD880  }
0x3a: {  	_ =	sfence.sel $0x180000  }
0x3b: {  	[bflag:$0x0] =	sbarrier.arrive $0xFFFF  }
0x3c: {  	p0 =	sne.s32 s0, $0x0;
	_ =	strace $0x90000059  }
0x3d: {  	s0 =	sadd.s32 @!p0 $0x100000, s1;
	[bflag:$0x2] =	sbarrier.arrive $0xFFFF  }
0x3e: {  	[sflag:s0] =	ssyncadd.tile.s32 @!p0 $0x1;
	_ =	shalt  }
.Lfunc_end2:
_tile_overlayer_lowered:
.L_overlay_start_2:
0x3f: {  	(tag) =	ssettag $0x2  }
0x40: {  	s0 =	rddreg [dreg:$0x0];
	s2 =	stileid.u32  }
0x41: {  	s1 =	rddreg [dreg:$0x1];
	p0 =	sne.s32 s2, $0x0  }
0x42: {  	s3 =	rddreg [dreg:$0x2];
	[bflag:$0x3] =	sbarrier.arrive $0xFFFF;
	s2 =	simm.s32 @!p0 $0x1C02  }
0x43: {  	[timem:s3], [sflag:s2] =	dma.local @!p0 [hbm:s0], s1  }
0x44: {  	s0 =	simm.s32 @!p0 $0x2  }
0x45: {  	_ =	swait.ge @!p0 [sflag:s0], s1  }
0x46: {  	s1 =	ssub.s32 @!p0 $0x0, s1;
	[sflag:s0] =	ssyncset.done @!p0 $0x0  }
0x47: {  	[sflag:s0] =	ssyncadd.s32 @!p0 s1  }
0x48: {  	[bflag:$0x3] =	sbarrier.arrive $0xFFFF  }
0x49: {  	_ =	shalt  }

</sc_bundles>
